<compile_context>
chip_gen: v7x
topology: tpu7x:2x2x1
jax: 0.10.2.dev20260603
libtpu: 0.0.44.dev20260713+nightly
codegen_flags: <defaults>
</compile_context>

<pallas_src>
import functools

import jax
import jax.numpy as jnp
from jax import lax
from jax.experimental import pallas as pl
from jax.experimental.pallas import tpu as pltpu
from jax.experimental.pallas import tpu_sc as plsc

_P, _L, _N, _D = 2000, 32, 50000, 512
_R = _P * _L
_NC, _NS = 2, 16
_SHARD = _R // _NS
_PASSES = 13
_C = 2048
_CT = _C // _NS
_CAP = 4096
_QTR = 800
_PULL = 256
_BIG = 0x40000000
_TAIL_PART = _N % _CT


def _sc_segment_sum(idx, rows):
    mesh = plsc.VectorSubcoreMesh(core_axis_name="c", subcore_axis_name="s")

    @functools.partial(
        pl.kernel,
        out_type=(
            jax.ShapeDtypeStruct((_N, _D), jnp.float32),
            jax.ShapeDtypeStruct((_N, 16), jnp.float32),
        ),
        mesh=mesh,
        compiler_params=pltpu.CompilerParams(needs_layout_passes=False),
        scratch_types=[
            pltpu.VMEM((_QTR,), jnp.int32),
            pltpu.VMEM((_CAP,), jnp.int32),
            pltpu.VMEM((_CAP,), jnp.int32),
            pltpu.VMEM((_PULL,), jnp.int32),
            pltpu.VMEM((_PULL,), jnp.int32),
            pltpu.VMEM((16, 16), jnp.int32),
            pltpu.VMEM((16,), jnp.int32),
            pltpu.VMEM((16, _D), jnp.float32),
            pltpu.VMEM((16, 16), jnp.float32),
            pltpu.VMEM((16, 16), jnp.float32),
            pltpu.VMEM((_CT + 16, _D), jnp.float32),
            pltpu.VMEM((_CT + 16, 16), jnp.float32),
            pltpu.VMEM_SHARED((16, _CAP), jnp.int32),
            pltpu.VMEM_SHARED((16, _CAP), jnp.int32),
            pltpu.VMEM_SHARED((16, 16), jnp.int32),
            pltpu.VMEM_SHARED((16, _D), jnp.float32),
            pltpu.VMEM_SHARED((16, 16), jnp.float32),
            pltpu.SemaphoreType.DMA,
        ],
    )
    def sc_kernel(idx_hbm, rows_hbm, sums_hbm, cnt_hbm,
                  idx_v, cand_pos, cand_off, pull_pos, pull_off,
                  cnt_loc, kbuf, staging, czbuf, ones_v, acc, cnt_acc,
                  mbox_pos, mbox_off, mbox_cnt, zslab, czslab, sem):
        c = lax.axis_index("c")
        s = lax.axis_index("s")
        zero16f = jnp.zeros((16,), jnp.float32)
        one16f = jnp.ones((16,), jnp.float32)
        iota16 = lax.iota(jnp.int32, 16)

        def init_row(i, _):
            czbuf[i, :] = zero16f
            ones_v[i, :] = one16f
            return _
        lax.fori_loop(0, 16, init_row, None)

        def init_z(i, _):
            staging[i // 32, pl.ds((i % 32) * 16, 16)] = zero16f
            return _
        lax.fori_loop(0, 16 * (_D // 16), init_z, None)

        @pl.when(s == 0)
        def _():
            pltpu.sync_copy(staging, zslab)
            pltpu.sync_copy(czbuf, czslab)
        plsc.subcore_barrier()

        def pass_body(p, _):
            base = (c * _PASSES + p) * _C

            def zacc(r, _):
                pltpu.sync_copy(zslab, acc.at[pl.ds(r * 16, 16)])
                return _
            lax.fori_loop(0, (_CT + 16) // 16, zacc, None)

            def zcnt(r, _):
                pltpu.sync_copy(czslab, cnt_acc.at[pl.ds(r * 16, 16)])
                return _
            lax.fori_loop(0, (_CT + 16) // 16, zcnt, None)

            def scan_piece(qt, n):
                pltpu.sync_copy(
                    idx_hbm.at[pl.ds(s * _SHARD + qt * _QTR, _QTR)], idx_v)

                def scan(i, n):
                    idxv = idx_v[pl.ds(i * 16, 16)]
                    off = idxv - base
                    inr = (off >= 0) & (off < _C)
                    posv = s * _SHARD + qt * _QTR + i * 16 + iota16
                    cnt_in = inr.astype(jnp.int32)
                    pref = plsc.cumsum(cnt_in)
                    dest = jnp.where(inr, n + pref - 1, _CAP - 16 + iota16)
                    plsc.store_scatter(cand_pos, [dest], posv)
                    plsc.store_scatter(cand_off, [dest], off)
                    return n + pref[15]
                return lax.fori_loop(0, _QTR // 16, scan, n)
            k = lax.fori_loop(0, _SHARD // _QTR, scan_piece, jnp.int32(0))

            pltpu.sync_copy(cand_pos, mbox_pos.at[s])
            pltpu.sync_copy(cand_off, mbox_off.at[s])
            kbuf[...] = jnp.broadcast_to(k, (16,))
            pltpu.sync_copy(kbuf, mbox_cnt.at[s])
            plsc.subcore_barrier()

            pltpu.sync_copy(mbox_cnt, cnt_loc)
            my_lo = s * _CT

            def drain(m):
                cand_pos[pl.ds(m, 16)] = jnp.zeros((16,), jnp.int32)
                cand_off[pl.ds(m, 16)] = jnp.full((16,), _CT, jnp.int32)

                def chunk(g, _):
                    fpos = cand_pos[pl.ds(g * 16, 16)]
                    pltpu.async_copy(rows_hbm.at[fpos], staging, sem).wait()
                    ov = cand_off[pl.ds(g * 16, 16)]

                    def row(q, _):
                        o = jnp.sum(jnp.where(iota16 == q, ov, 0))
                        for cc in range(_D // 16):
                            sl = pl.ds(cc * 16, 16)
                            plsc.addupdate(acc.at[o, sl], staging[q, sl])
                        plsc.addupdate(cnt_acc.at[o], ones_v[0, :])
                        return _
                    lax.fori_loop(0, 16, row, None)
                    return _
                lax.fori_loop(0, (m + 15) // 16, chunk, None)

            def per_scanner(sc, m):
                kc = jnp.max(cnt_loc[sc, :])
                need_flush = jnp.logical_and(m > 0, m + kc > _CAP - 16)

                @pl.when(need_flush)
                def _():
                    drain(m)
                m = jnp.where(need_flush, jnp.int32(0), m)

                def pull(ch, m):
                    pltpu.sync_copy(mbox_pos.at[sc, pl.ds(ch * _PULL, _PULL)],
                                    pull_pos)
                    pltpu.sync_copy(mbox_off.at[sc, pl.ds(ch * _PULL, _PULL)],
                                    pull_off)

                    def filt(q, m):
                        g = ch * _PULL + q * 16
                        pv = pull_pos[pl.ds(q * 16, 16)]
                        ov = pull_off[pl.ds(q * 16, 16)]
                        lo = ov - my_lo
                        mine = ((g + iota16 < kc) & (lo >= 0) & (lo < _CT))
                        cnt_in = mine.astype(jnp.int32)
                        pref = plsc.cumsum(cnt_in)
                        dest = jnp.where(mine, m + pref - 1,
                                         _CAP - 16 + iota16)
                        plsc.store_scatter(cand_pos, [dest], pv)
                        plsc.store_scatter(cand_off, [dest], lo)
                        return m + pref[15]
                    return lax.fori_loop(0, _PULL // 16, filt, m)
                return lax.fori_loop(0, (kc + _PULL - 1) // _PULL, pull, m)
            m = lax.fori_loop(0, _NS, per_scanner, jnp.int32(0))

            @pl.when(m > 0)
            def _():
                drain(m)

            gbase = base + s * _CT

            @pl.when(gbase + _CT <= _N)
            def _full():
                pltpu.sync_copy(acc.at[pl.ds(0, _CT)],
                                sums_hbm.at[pl.ds(gbase, _CT)])
                pltpu.sync_copy(cnt_acc.at[pl.ds(0, _CT)],
                                cnt_hbm.at[pl.ds(gbase, _CT)])

            if _TAIL_PART > 0:
                @pl.when(jnp.logical_and(gbase < _N, gbase + _CT > _N))
                def _part():
                    pltpu.sync_copy(acc.at[pl.ds(0, _TAIL_PART)],
                                    sums_hbm.at[pl.ds(gbase, _TAIL_PART)])
                    pltpu.sync_copy(cnt_acc.at[pl.ds(0, _TAIL_PART)],
                                    cnt_hbm.at[pl.ds(gbase, _TAIL_PART)])

            plsc.subcore_barrier()
            return _

        lax.fori_loop(0, _PASSES, pass_body, None)

    return sc_kernel(idx, rows)


_BM = 400


def _tc_body(prev_ref, sums_ref, cnt_ref, nmask_ref, w1_ref, w2_ref, b_ref,
             out_ref):
    cnt = cnt_ref[:, 0:1]
    mean = sums_ref[...] / jnp.maximum(cnt, 1.0)
    dn = (((1,), (1,)), ((), ()))
    y = lax.dot_general(prev_ref[...], w1_ref[...], dn,
                        preferred_element_type=jnp.float32)
    y = y + lax.dot_general(mean, w2_ref[...], dn,
                            preferred_element_type=jnp.float32)
    y = jnp.maximum(y + b_ref[...], 0.0)
    out_ref[...] = jnp.where(nmask_ref[...] != 0.0, y, prev_ref[...])


def _tc_combine(prev, sums, cnt2d, nmask, w1, w2, b2d):
    n, d = prev.shape
    grid = (n // _BM,)
    return pl.pallas_call(
        _tc_body,
        grid=grid,
        in_specs=[
            pl.BlockSpec((_BM, d), lambda i: (i, 0)),
            pl.BlockSpec((_BM, d), lambda i: (i, 0)),
            pl.BlockSpec((_BM, 16), lambda i: (i, 0)),
            pl.BlockSpec((_BM, 1), lambda i: (i, 0)),
            pl.BlockSpec((d, d), lambda i: (0, 0)),
            pl.BlockSpec((d, d), lambda i: (0, 0)),
            pl.BlockSpec((1, d), lambda i: (0, 0)),
        ],
        out_specs=pl.BlockSpec((_BM, d), lambda i: (i, 0)),
        out_shape=jax.ShapeDtypeStruct((n, d), jnp.float32),
    )(prev, sums, cnt2d, nmask, w1, w2, b2d)


def kernel(encoded_cfg_paths, cfg_paths_mask, cfg_paths_node_indices,
           previous_cfg_nodes_encodings, cfg_nodes_has_expression_mask, W, b):
    n, d = previous_cfg_nodes_encodings.shape
    rows = encoded_cfg_paths.reshape(_R, d)
    idx = jnp.where(cfg_paths_mask.reshape(_R),
                    cfg_paths_node_indices.reshape(_R), jnp.int32(_BIG))

    sums, cnt2d = _sc_segment_sum(idx, rows)

    w1 = W[:, :d]
    w2 = W[:, d:]
    b2d = b.reshape(1, d)
    nmask = cfg_nodes_has_expression_mask.astype(jnp.float32).reshape(n, 1)
    return _tc_combine(previous_cfg_nodes_encodings, sums, cnt2d, nmask,
                       w1, w2, b2d)

# --- scband reference (transcript-rebuilt; emitter-appended) ---
"""Pipeline reference for scband-method-cfgencoder-17523466568324 (READ-ONLY COPY).

The authoritative reference and input builder live on the scoring server;
editing this copy changes nothing except your own understanding.
"""

import jax, jax.numpy as jnp
import numpy as np

P, L, N, D = 2000, 32, 50000, 512

def setup_inputs(seed: int = 0) -> dict:
    key = jax.random.key(seed)
    ks = jax.random.split(key, 6)
    encoded_cfg_paths = jax.random.normal(ks[0], (P, L, D), dtype=jnp.float32)
    cfg_paths_mask = jnp.ones((P, L), dtype=bool)
    cfg_paths_node_indices = jax.random.randint(ks[1], (P, L), 0, N, dtype=jnp.int32)
    previous_cfg_nodes_encodings = jax.random.normal(ks[2], (N, D), dtype=jnp.float32)
    cfg_nodes_has_expression_mask = jnp.ones((N,), dtype=bool)
    # Linear(in_features=cfg_node_dim + cfg_combined_expression_dim = 1024, out_features=cfg_node_dim = 512)
    W = jax.random.normal(ks[3], (D, 2 * D), dtype=jnp.float32) * (1.0 / np.sqrt(2 * D))
    b = jnp.zeros((D,), dtype=jnp.float32)
    return {
        'encoded_cfg_paths': encoded_cfg_paths,
        'cfg_paths_mask': cfg_paths_mask,
        'cfg_paths_node_indices': cfg_paths_node_indices,
        'previous_cfg_nodes_encodings': previous_cfg_nodes_encodings,
        'cfg_nodes_has_expression_mask': cfg_nodes_has_expression_mask,
        'W': W,
        'b': b,
    }

def reference(encoded_cfg_paths, cfg_paths_mask, cfg_paths_node_indices,
              previous_cfg_nodes_encodings, cfg_nodes_has_expression_mask, W, b):
    n_nodes, d = previous_cfg_nodes_encodings.shape
    # --- ScatterCFGEncodedPathsToCFGNodeEncodings (combining_method='mean') ---
    # scatter_mean(src=encoded_cfg_paths[mask], index=indices[mask], dim_size=nr_cfg_nodes)
    flat = encoded_cfg_paths.reshape(-1, d)
    idx = cfg_paths_node_indices.reshape(-1)
    w = cfg_paths_mask.reshape(-1).astype(flat.dtype)
    sums = jax.ops.segment_sum(flat * w[:, None], idx, num_segments=n_nodes)
    counts = jax.ops.segment_sum(w, idx, num_segments=n_nodes)
    cfg_combined_expressions = sums / jnp.maximum(counts, 1.0)[:, None]
    # --- CFGNodeEncoderExpressionUpdateLayer ---
    # cat(prev[mask], combined) -> Linear -> relu -> (dropout p=0) -> masked_scatter
    cat = jnp.concatenate([previous_cfg_nodes_encodings, cfg_combined_expressions], axis=-1)
    updated = jax.nn.relu(cat @ W.T + b)
    out = jnp.where(cfg_nodes_has_expression_mask[:, None], updated, previous_cfg_nodes_encodings)
    return out

if __name__ == "__main__":
    import jax
    _d = setup_inputs()
    print(jax.jit(kernel)(*tuple(_d.values())))

</pallas_src>

<mosaic_0001>
#map = affine_map<(d0, d1) -> (0)>
#map1 = affine_map<(d0, d1) -> (0, 0)>
module attributes {stable_mosaic.version = 14 : i64} {
  func.func @sc_kernel(%arg0: i32, %arg1: i32, %arg2: memref<64000xi32, #tpu.memory_space<hbm>>, %arg3: memref<64000x512xf32, #tpu.memory_space<hbm>>, %arg4: memref<50000x512xf32, #tpu.memory_space<hbm>>, %arg5: memref<50000x16xf32, #tpu.memory_space<hbm>>, %arg6: memref<800xi32, #tpu.memory_space<vmem>>, %arg7: memref<4096xi32, #tpu.memory_space<vmem>>, %arg8: memref<4096xi32, #tpu.memory_space<vmem>>, %arg9: memref<256xi32, #tpu.memory_space<vmem>>, %arg10: memref<256xi32, #tpu.memory_space<vmem>>, %arg11: memref<16x16xi32, #tpu.memory_space<vmem>>, %arg12: memref<16xi32, #tpu.memory_space<vmem>>, %arg13: memref<16x512xf32, #tpu.memory_space<vmem>>, %arg14: memref<16x16xf32, #tpu.memory_space<vmem>>, %arg15: memref<16x16xf32, #tpu.memory_space<vmem>>, %arg16: memref<144x512xf32, #tpu.memory_space<vmem>>, %arg17: memref<144x16xf32, #tpu.memory_space<vmem>>, %arg18: memref<16x4096xi32, #tpu.memory_space<vmem_shared>>, %arg19: memref<16x4096xi32, #tpu.memory_space<vmem_shared>>, %arg20: memref<16x16xi32, #tpu.memory_space<vmem_shared>>, %arg21: memref<16x512xf32, #tpu.memory_space<vmem_shared>>, %arg22: memref<16x16xf32, #tpu.memory_space<vmem_shared>>, %arg23: memref<!tpu.dma_semaphore, #tpu.memory_space<semaphore_mem>>) attributes {dimension_semantics = [#tpu.dimension_semantics<core_parallel>, #tpu.dimension_semantics<subcore_parallel>], iteration_bounds = array<i64: 2, 16>, scalar_prefetch = 0 : i64, scratch_operands = 18 : i64, tpu.core_type = #tpu.core_type<sc_vector_subcore>, window_params = [{transform_indices = #map}, {transform_indices = #map1}, {transform_indices = #map1}, {transform_indices = #map1}]} {
    %broadcast_in_dim3A = arith.constant 0.000000e+00 : f32
    %broadcast_in_dim3A_0 = vector.broadcast %broadcast_in_dim3A : f32 to vector<16xf32>
    %broadcast_in_dim3A_1 = arith.constant 1.000000e+00 : f32
    %broadcast_in_dim3A_2 = vector.broadcast %broadcast_in_dim3A_1 : f32 to vector<16xf32>
    %iota3A = tpu.iota {dimensions = array<i32: 0>} : vector<16xi32>
    %scan3A = arith.constant 0 : i32
    %scan3A_3 = arith.constant 16 : i32
    %scan3A_4 = arith.addi %scan3A, %scan3A_3 : i32
    %scan3A_5 = arith.constant 1 : i32
    scf.for %scan3A_19 = %scan3A to %scan3A_4 step %scan3A_5  : i32 {
      %swap3A = arith.index_cast %scan3A_19 : i32 to index
      %swap3A_20 = arith.constant 0 : index
      %swap3A_21 = tpu.vector_load %arg14[%swap3A, %swap3A_20] {strides = array<i32>} : memref<16x16xf32, #tpu.memory_space<vmem>>, vector<16xf32>,
      tpu.vector_store %arg14[%swap3A, %swap3A_20], %broadcast_in_dim3A_0 {strides = array<i32>} : memref<16x16xf32, #tpu.memory_space<vmem>>, vector<16xf32>,
      %swap3A_22 = arith.index_cast %scan3A_19 : i32 to index
      %swap3A_23 = arith.constant 0 : index
      %swap3A_24 = tpu.vector_load %arg15[%swap3A_22, %swap3A_23] {strides = array<i32>} : memref<16x16xf32, #tpu.memory_space<vmem>>, vector<16xf32>,
      tpu.vector_store %arg15[%swap3A_22, %swap3A_23], %broadcast_in_dim3A_2 {strides = array<i32>} : memref<16x16xf32, #tpu.memory_space<vmem>>, vector<16xf32>,
    }
    %scan3A_6 = arith.constant 16 : i32
    %scan3A_7 = arith.constant 0 : i32
    %scan3A_8 = arith.constant 512 : i32
    %scan3A_9 = arith.addi %scan3A_7, %scan3A_8 : i32
    %scan3A_10 = arith.constant 1 : i32
    scf.for %scan3A_19 = %scan3A_7 to %scan3A_9 step %scan3A_10  : i32 {
      %jit3A = arith.constant 32 : i32
      %div3A = arith.divsi %scan3A_19, %jit3A : i32
      %sign3A = arith.constant 0 : i32
      %sign3A_20 = arith.cmpi sgt, %scan3A_19, %sign3A : i32
      %sign3A_21 = arith.extui %sign3A_20 : i1 to i32
      %sign3A_22 = arith.constant 0 : i32
      %sign3A_23 = arith.cmpi slt, %scan3A_19, %sign3A_22 : i32
      %sign3A_24 = arith.extui %sign3A_23 : i1 to i32
      %sign3A_25 = arith.subi %sign3A_21, %sign3A_24 : i32
      %sign3A_26 = arith.constant 0 : i32
      %sign3A_27 = arith.cmpi sgt, %jit3A, %sign3A_26 : i32
      %sign3A_28 = arith.extui %sign3A_27 : i1 to i32
      %sign3A_29 = arith.constant 0 : i32
      %sign3A_30 = arith.cmpi slt, %jit3A, %sign3A_29 : i32
      %sign3A_31 = arith.extui %sign3A_30 : i1 to i32
      %sign3A_32 = arith.subi %sign3A_28, %sign3A_31 : i32
      %ne3A = arith.cmpi ne, %sign3A_25, %sign3A_32 : i32
      %rem3A = arith.remsi %scan3A_19, %jit3A : i32
      %ne3A_33 = arith.constant 0 : i32
      %ne3A_34 = arith.cmpi ne, %rem3A, %ne3A_33 : i32
      %and3A = arith.andi %ne3A, %ne3A_34 : i1
      %sub3A = arith.constant 1 : i32
      %sub3A_35 = arith.subi %div3A, %sub3A : i32
      %select_n3A = arith.select %and3A, %sub3A_35, %div3A : i32
      %jit3A_36 = arith.constant 32 : i32
      %eq3A_37 = arith.constant 0 : i32
      %eq3A_38 = arith.cmpi eq, %jit3A_36, %eq3A_37 : i32
      %jit3A_39 = arith.constant 1 : i32
      %select_n3A_40 = arith.select %eq3A_38, %jit3A_39, %jit3A_36 : i32
      %rem3A_41 = arith.remsi %scan3A_19, %select_n3A_40 : i32
      %ne3A_42 = arith.constant 0 : i32
      %ne3A_43 = arith.cmpi ne, %rem3A_41, %ne3A_42 : i32
      %lt3A = arith.constant 0 : i32
      %lt3A_44 = arith.cmpi slt, %rem3A_41, %lt3A : i32
      %lt3A_45 = arith.constant 0 : i32
      %lt3A_46 = arith.cmpi slt, %select_n3A_40, %lt3A_45 : i32
      %ne3A_47 = arith.xori %lt3A_44, %lt3A_46 : i1
      %and3A_48 = arith.andi %ne3A_47, %ne3A_43 : i1
      %add3A = arith.addi %rem3A_41, %select_n3A_40 : i32
      %select_n3A_49 = arith.select %and3A_48, %add3A, %rem3A_41 : i32
      %mul3A = arith.constant 16 : i32
      %mul3A_50 = arith.muli %select_n3A_49, %mul3A : i32
      %swap3A = arith.index_cast %select_n3A : i32 to index
      %swap3A_51 = arith.index_cast %mul3A_50 : i32 to index
      %swap3A_52 = tpu.vector_load %arg13[%swap3A, %swap3A_51] {strides = array<i32>} : memref<16x512xf32, #tpu.memory_space<vmem>>, vector<16xf32>,
      tpu.vector_store %arg13[%swap3A, %swap3A_51], %broadcast_in_dim3A_0 {strides = array<i32>} : memref<16x512xf32, #tpu.memory_space<vmem>>, vector<16xf32>,
    }
    %scan3A_11 = arith.constant 512 : i32
    %eq3A = arith.constant 0 : i32
    %eq3A_12 = arith.cmpi eq, %arg1, %eq3A : i32
    %convert_element_type3A = arith.extui %eq3A_12 : i1 to i32
    %cond3A = arith.constant 0 : i32
    %cond3A_13 = arith.cmpi ne, %convert_element_type3A, %cond3A : i32
    scf.if %cond3A_13 {
      "tpu.region"() ({
        %run_scoped3A = tpu.sem_alloc : memref<!tpu.dma_semaphore, #tpu.memory_space<semaphore_mem>>
        tpu.enqueue_dma source(%arg13 : memref<16x512xf32, #tpu.memory_space<vmem>>) target(%arg21 : memref<16x512xf32, #tpu.memory_space<vmem_shared>>) target_semaphore(%run_scoped3A : memref<!tpu.dma_semaphore, #tpu.memory_space<semaphore_mem>>)
        tpu.wait_dma2 semaphore(%run_scoped3A : memref<!tpu.dma_semaphore, #tpu.memory_space<semaphore_mem>>) src(%arg13 : memref<16x512xf32, #tpu.memory_space<vmem>>) dst(%arg21 : memref<16x512xf32, #tpu.memory_space<vmem_shared>>)
        tpu.yield
      }) : () -> ()
      "tpu.region"() ({
        %run_scoped3A = tpu.sem_alloc : memref<!tpu.dma_semaphore, #tpu.memory_space<semaphore_mem>>
        tpu.enqueue_dma source(%arg14 : memref<16x16xf32, #tpu.memory_space<vmem>>) target(%arg22 : memref<16x16xf32, #tpu.memory_space<vmem_shared>>) target_semaphore(%run_scoped3A : memref<!tpu.dma_semaphore, #tpu.memory_space<semaphore_mem>>)
        tpu.wait_dma2 semaphore(%run_scoped3A : memref<!tpu.dma_semaphore, #tpu.memory_space<semaphore_mem>>) src(%arg14 : memref<16x16xf32, #tpu.memory_space<vmem>>) dst(%arg22 : memref<16x16xf32, #tpu.memory_space<vmem_shared>>)
        tpu.yield
      }) : () -> ()
    } else {
    }
    %barrier3A = arith.constant 0 : index
    tpu.barrier barrier_id(%barrier3A)
    %scan3A_14 = arith.constant 0 : i32
    %scan3A_15 = arith.constant 13 : i32
    %scan3A_16 = arith.addi %scan3A_14, %scan3A_15 : i32
    %scan3A_17 = arith.constant 1 : i32
    scf.for %scan3A_19 = %scan3A_14 to %scan3A_16 step %scan3A_17  : i32 {
      %mul3A = arith.constant 13 : i32
      %mul3A_20 = arith.muli %arg0, %mul3A : i32
      %add3A = arith.addi %mul3A_20, %scan3A_19 : i32
      %mul3A_21 = arith.constant 2048 : i32
      %mul3A_22 = arith.muli %add3A, %mul3A_21 : i32
      %scan3A_23 = arith.constant 0 : i32
      %scan3A_24 = arith.constant 9 : i32
      %scan3A_25 = arith.addi %scan3A_23, %scan3A_24 : i32
      %scan3A_26 = arith.constant 1 : i32
      scf.for %scan3A_74 = %scan3A_23 to %scan3A_25 step %scan3A_26  : i32 {
        %mul3A_75 = arith.constant 16 : i32
        %mul3A_76 = arith.muli %scan3A_74, %mul3A_75 : i32
        "tpu.region"() ({
          %run_scoped3A = tpu.sem_alloc : memref<!tpu.dma_semaphore, #tpu.memory_space<semaphore_mem>>
          %dma_start3A = arith.constant 0 : i32
          %dma_start3A_77 = tpu.memref_slice %arg16[%mul3A_76, %dma_start3A] : memref<144x512xf32, #tpu.memory_space<vmem>> -> memref<16x512xf32, #tpu.memory_space<vmem>>
          %dma_start3A_78 = arith.constant 0 : i32
          %dma_start3A_79 = tpu.memref_slice %arg16[%mul3A_76, %dma_start3A_78] : memref<144x512xf32, #tpu.memory_space<vmem>> -> memref<16x512xf32, #tpu.memory_space<vmem>>
          tpu.enqueue_dma source(%arg21 : memref<16x512xf32, #tpu.memory_space<vmem_shared>>) target(%dma_start3A_79 : memref<16x512xf32, #tpu.memory_space<vmem>>) target_semaphore(%run_scoped3A : memref<!tpu.dma_semaphore, #tpu.memory_space<semaphore_mem>>)
          %dma_wait3A = arith.constant 0 : i32
          %dma_wait3A_80 = tpu.memref_slice %arg16[%mul3A_76, %dma_wait3A] : memref<144x512xf32, #tpu.memory_space<vmem>> -> memref<16x512xf32, #tpu.memory_space<vmem>>
          %dma_wait3A_81 = arith.constant 0 : i32
          %dma_wait3A_82 = tpu.memref_slice %arg16[%mul3A_76, %dma_wait3A_81] : memref<144x512xf32, #tpu.memory_space<vmem>> -> memref<16x512xf32, #tpu.memory_space<vmem>>
          tpu.wait_dma2 semaphore(%run_scoped3A : memref<!tpu.dma_semaphore, #tpu.memory_space<semaphore_mem>>) src(%arg21 : memref<16x512xf32, #tpu.memory_space<vmem_shared>>) dst(%dma_wait3A_82 : memref<16x512xf32, #tpu.memory_space<vmem>>)
          tpu.yield
        }) : () -> ()
      }
      %scan3A_27 = arith.constant 9 : i32
      %scan3A_28 = arith.constant 0 : i32
      %scan3A_29 = arith.constant 9 : i32
      %scan3A_30 = arith.addi %scan3A_28, %scan3A_29 : i32
      %scan3A_31 = arith.constant 1 : i32
      scf.for %scan3A_74 = %scan3A_28 to %scan3A_30 step %scan3A_31  : i32 {
        %mul3A_75 = arith.constant 16 : i32
        %mul3A_76 = arith.muli %scan3A_74, %mul3A_75 : i32
        "tpu.region"() ({
          %run_scoped3A = tpu.sem_alloc : memref<!tpu.dma_semaphore, #tpu.memory_space<semaphore_mem>>
          %dma_start3A = arith.constant 0 : i32
          %dma_start3A_77 = tpu.memref_slice %arg17[%mul3A_76, %dma_start3A] : memref<144x16xf32, #tpu.memory_space<vmem>> -> memref<16x16xf32, #tpu.memory_space<vmem>>
          %dma_start3A_78 = arith.constant 0 : i32
          %dma_start3A_79 = tpu.memref_slice %arg17[%mul3A_76, %dma_start3A_78] : memref<144x16xf32, #tpu.memory_space<vmem>> -> memref<16x16xf32, #tpu.memory_space<vmem>>
          tpu.enqueue_dma source(%arg22 : memref<16x16xf32, #tpu.memory_space<vmem_shared>>) target(%dma_start3A_79 : memref<16x16xf32, #tpu.memory_space<vmem>>) target_semaphore(%run_scoped3A : memref<!tpu.dma_semaphore, #tpu.memory_space<semaphore_mem>>)
          %dma_wait3A = arith.constant 0 : i32
          %dma_wait3A_80 = tpu.memref_slice %arg17[%mul3A_76, %dma_wait3A] : memref<144x16xf32, #tpu.memory_space<vmem>> -> memref<16x16xf32, #tpu.memory_space<vmem>>
          %dma_wait3A_81 = arith.constant 0 : i32
          %dma_wait3A_82 = tpu.memref_slice %arg17[%mul3A_76, %dma_wait3A_81] : memref<144x16xf32, #tpu.memory_space<vmem>> -> memref<16x16xf32, #tpu.memory_space<vmem>>
          tpu.wait_dma2 semaphore(%run_scoped3A : memref<!tpu.dma_semaphore, #tpu.memory_space<semaphore_mem>>) src(%arg22 : memref<16x16xf32, #tpu.memory_space<vmem_shared>>) dst(%dma_wait3A_82 : memref<16x16xf32, #tpu.memory_space<vmem>>)
          tpu.yield
        }) : () -> ()
      }
      %scan3A_32 = arith.constant 9 : i32
      %scan3A_33 = arith.constant 0 : i32
      %scan3A_34 = arith.constant 0 : i32
      %scan3A_35 = arith.constant 5 : i32
      %scan3A_36 = arith.addi %scan3A_34, %scan3A_35 : i32
      %scan3A_37 = arith.constant 1 : i32
      %scan3A_38 = scf.for %scan3A_74 = %scan3A_34 to %scan3A_36 step %scan3A_37 iter_args(%scan3A_75 = %scan3A_33) -> (i32)  : i32 {
        %mul3A_76 = arith.constant 4000 : i32
        %mul3A_77 = arith.muli %arg1, %mul3A_76 : i32
        %mul3A_78 = arith.constant 800 : i32
        %mul3A_79 = arith.muli %scan3A_74, %mul3A_78 : i32
        %add3A_80 = arith.addi %mul3A_77, %mul3A_79 : i32
        "tpu.region"() ({
          %run_scoped3A = tpu.sem_alloc : memref<!tpu.dma_semaphore, #tpu.memory_space<semaphore_mem>>
          %dma_start3A = tpu.memref_slice %arg2[%add3A_80] : memref<64000xi32, #tpu.memory_space<hbm>> -> memref<800xi32, #tpu.memory_space<hbm>>
          %dma_start3A_87 = tpu.memref_slice %arg2[%add3A_80] : memref<64000xi32, #tpu.memory_space<hbm>> -> memref<800xi32, #tpu.memory_space<hbm>>
          tpu.enqueue_dma source(%dma_start3A_87 : memref<800xi32, #tpu.memory_space<hbm>>) target(%arg6 : memref<800xi32, #tpu.memory_space<vmem>>) target_semaphore(%run_scoped3A : memref<!tpu.dma_semaphore, #tpu.memory_space<semaphore_mem>>)
          %dma_wait3A = tpu.memref_slice %arg2[%add3A_80] : memref<64000xi32, #tpu.memory_space<hbm>> -> memref<800xi32, #tpu.memory_space<hbm>>
          %dma_wait3A_88 = tpu.memref_slice %arg2[%add3A_80] : memref<64000xi32, #tpu.memory_space<hbm>> -> memref<800xi32, #tpu.memory_space<hbm>>
          tpu.wait_dma2 semaphore(%run_scoped3A : memref<!tpu.dma_semaphore, #tpu.memory_space<semaphore_mem>>) src(%dma_wait3A_88 : memref<800xi32, #tpu.memory_space<hbm>>) dst(%arg6 : memref<800xi32, #tpu.memory_space<vmem>>)
          tpu.yield
        }) : () -> ()
        %scan3A_81 = arith.constant 0 : i32
        %scan3A_82 = arith.constant 50 : i32
        %scan3A_83 = arith.addi %scan3A_81, %scan3A_82 : i32
        %scan3A_84 = arith.constant 1 : i32
        %scan3A_85 = scf.for %scan3A_87 = %scan3A_81 to %scan3A_83 step %scan3A_84 iter_args(%scan3A_88 = %scan3A_75) -> (i32)  : i32 {
          %mul3A_89 = arith.constant 16 : i32
          %mul3A_90 = arith.muli %scan3A_87, %mul3A_89 : i32
          %get3A = arith.index_cast %mul3A_90 : i32 to index
          %get3A_91 = tpu.vector_load %arg6[%get3A] {strides = array<i32>} : memref<800xi32, #tpu.memory_space<vmem>>, vector<16xi32>,
          %sub3A = vector.broadcast %mul3A_22 : i32 to vector<16xi32>
          %sub3A_92 = arith.subi %get3A_91, %sub3A : vector<16xi32>
          %ge3A = arith.constant 0 : i32
          %ge3A_93 = vector.broadcast %ge3A : i32 to vector<16xi32>
          %ge3A_94 = arith.cmpi sge, %sub3A_92, %ge3A_93 : vector<16xi32>
          %lt3A_95 = arith.constant 2048 : i32
          %lt3A_96 = vector.broadcast %lt3A_95 : i32 to vector<16xi32>
          %lt3A_97 = arith.cmpi slt, %sub3A_92, %lt3A_96 : vector<16xi32>
          %and3A_98 = arith.andi %ge3A_94, %lt3A_97 : vector<16xi1>
          %mul3A_99 = arith.constant 4000 : i32
          %mul3A_100 = arith.muli %arg1, %mul3A_99 : i32
          %mul3A_101 = arith.constant 800 : i32
          %mul3A_102 = arith.muli %scan3A_74, %mul3A_101 : i32
          %add3A_103 = arith.addi %mul3A_100, %mul3A_102 : i32
          %mul3A_104 = arith.constant 16 : i32
          %mul3A_105 = arith.muli %scan3A_87, %mul3A_104 : i32
          %add3A_106 = arith.addi %add3A_103, %mul3A_105 : i32
          %add3A_107 = vector.broadcast %add3A_106 : i32 to vector<16xi32>
          %add3A_108 = arith.addi %add3A_107, %iota3A : vector<16xi32>
          %convert_element_type3A_109 = arith.extui %and3A_98 : vector<16xi1> to vector<16xi32>
          %broadcast_in_dim3A_110 = arith.constant true
          %broadcast_in_dim3A_111 = vector.broadcast %broadcast_in_dim3A_110 : i1 to vector<16xi1>
          %masked_cumsum3A = tpu.scan <sum>, %convert_element_type3A_109 masked %broadcast_in_dim3A_111 : vector<16xi32>, vector<16xi1> -> vector<16xi32>
          %add3A_112 = vector.broadcast %scan3A_88 : i32 to vector<16xi32>
          %add3A_113 = arith.addi %add3A_112, %masked_cumsum3A : vector<16xi32>
          %sub3A_114 = arith.constant 1 : i32
          %sub3A_115 = vector.broadcast %sub3A_114 : i32 to vector<16xi32>
          %sub3A_116 = arith.subi %add3A_113, %sub3A_115 : vector<16xi32>
          %add3A_117 = arith.constant 4080 : i32
          %add3A_118 = vector.broadcast %add3A_117 : i32 to vector<16xi32>
          %add3A_119 = arith.addi %add3A_118, %iota3A : vector<16xi32>
          %select_n3A = arith.select %and3A_98, %sub3A_116, %add3A_119 : vector<16xi1>, vector<16xi32>
          tpu.vector_store_idx %arg7[%select_n3A], %add3A_108 : memref<4096xi32, #tpu.memory_space<vmem>>[vector<16xi32>], vector<16xi32>,
          tpu.vector_store_idx %arg8[%select_n3A], %sub3A_92 : memref<4096xi32, #tpu.memory_space<vmem>>[vector<16xi32>], vector<16xi32>,
          %slice3A = vector.extract_strided_slice %masked_cumsum3A {offsets = [15], sizes = [1], strides = [1]} : vector<16xi32> to vector<1xi32>
          %squeeze3A = vector.extract %slice3A[0] : i32 from vector<1xi32>
          %add3A_120 = arith.addi %scan3A_88, %squeeze3A : i32
          scf.yield %add3A_120 : i32
        }
        %scan3A_86 = arith.constant 50 : i32
        scf.yield %scan3A_85 : i32
      }
      %scan3A_39 = arith.constant 5 : i32
      "tpu.region"() ({
        %run_scoped3A = tpu.sem_alloc : memref<!tpu.dma_semaphore, #tpu.memory_space<semaphore_mem>>
        %dma_start3A = arith.constant 0 : i32
        %dma_start3A_74 = tpu.memref_slice %arg18[%arg1, %dma_start3A] : memref<16x4096xi32, #tpu.memory_space<vmem_shared>> -> memref<1x4096xi32, #tpu.memory_space<vmem_shared>>
        %dma_start3A_75 = tpu.memref_squeeze %dma_start3A_74 : memref<1x4096xi32, #tpu.memory_space<vmem_shared>> -> memref<4096xi32, #tpu.memory_space<vmem_shared>>
        %dma_start3A_76 = arith.constant 0 : i32
        %dma_start3A_77 = tpu.memref_slice %arg18[%arg1, %dma_start3A_76] : memref<16x4096xi32, #tpu.memory_space<vmem_shared>> -> memref<1x4096xi32, #tpu.memory_space<vmem_shared>>
        %dma_start3A_78 = tpu.memref_squeeze %dma_start3A_77 : memref<1x4096xi32, #tpu.memory_space<vmem_shared>> -> memref<4096xi32, #tpu.memory_space<vmem_shared>>
        tpu.enqueue_dma source(%arg7 : memref<4096xi32, #tpu.memory_space<vmem>>) target(%dma_start3A_78 : memref<4096xi32, #tpu.memory_space<vmem_shared>>) target_semaphore(%run_scoped3A : memref<!tpu.dma_semaphore, #tpu.memory_space<semaphore_mem>>)
        %dma_wait3A = arith.constant 0 : i32
        %dma_wait3A_79 = tpu.memref_slice %arg18[%arg1, %dma_wait3A] : memref<16x4096xi32, #tpu.memory_space<vmem_shared>> -> memref<1x4096xi32, #tpu.memory_space<vmem_shared>>
        %dma_wait3A_80 = tpu.memref_squeeze %dma_wait3A_79 : memref<1x4096xi32, #tpu.memory_space<vmem_shared>> -> memref<4096xi32, #tpu.memory_space<vmem_shared>>
        %dma_wait3A_81 = arith.constant 0 : i32
        %dma_wait3A_82 = tpu.memref_slice %arg18[%arg1, %dma_wait3A_81] : memref<16x4096xi32, #tpu.memory_space<vmem_shared>> -> memref<1x4096xi32, #tpu.memory_space<vmem_shared>>
        %dma_wait3A_83 = tpu.memref_squeeze %dma_wait3A_82 : memref<1x4096xi32, #tpu.memory_space<vmem_shared>> -> memref<4096xi32, #tpu.memory_space<vmem_shared>>
        tpu.wait_dma2 semaphore(%run_scoped3A : memref<!tpu.dma_semaphore, #tpu.memory_space<semaphore_mem>>) src(%arg7 : memref<4096xi32, #tpu.memory_space<vmem>>) dst(%dma_wait3A_83 : memref<4096xi32, #tpu.memory_space<vmem_shared>>)
        tpu.yield
      }) : () -> ()
      "tpu.region"() ({
        %run_scoped3A = tpu.sem_alloc : memref<!tpu.dma_semaphore, #tpu.memory_space<semaphore_mem>>
        %dma_start3A = arith.constant 0 : i32
        %dma_start3A_74 = tpu.memref_slice %arg19[%arg1, %dma_start3A] : memref<16x4096xi32, #tpu.memory_space<vmem_shared>> -> memref<1x4096xi32, #tpu.memory_space<vmem_shared>>
        %dma_start3A_75 = tpu.memref_squeeze %dma_start3A_74 : memref<1x4096xi32, #tpu.memory_space<vmem_shared>> -> memref<4096xi32, #tpu.memory_space<vmem_shared>>
        %dma_start3A_76 = arith.constant 0 : i32
        %dma_start3A_77 = tpu.memref_slice %arg19[%arg1, %dma_start3A_76] : memref<16x4096xi32, #tpu.memory_space<vmem_shared>> -> memref<1x4096xi32, #tpu.memory_space<vmem_shared>>
        %dma_start3A_78 = tpu.memref_squeeze %dma_start3A_77 : memref<1x4096xi32, #tpu.memory_space<vmem_shared>> -> memref<4096xi32, #tpu.memory_space<vmem_shared>>
        tpu.enqueue_dma source(%arg8 : memref<4096xi32, #tpu.memory_space<vmem>>) target(%dma_start3A_78 : memref<4096xi32, #tpu.memory_space<vmem_shared>>) target_semaphore(%run_scoped3A : memref<!tpu.dma_semaphore, #tpu.memory_space<semaphore_mem>>)
        %dma_wait3A = arith.constant 0 : i32
        %dma_wait3A_79 = tpu.memref_slice %arg19[%arg1, %dma_wait3A] : memref<16x4096xi32, #tpu.memory_space<vmem_shared>> -> memref<1x4096xi32, #tpu.memory_space<vmem_shared>>
        %dma_wait3A_80 = tpu.memref_squeeze %dma_wait3A_79 : memref<1x4096xi32, #tpu.memory_space<vmem_shared>> -> memref<4096xi32, #tpu.memory_space<vmem_shared>>
        %dma_wait3A_81 = arith.constant 0 : i32
        %dma_wait3A_82 = tpu.memref_slice %arg19[%arg1, %dma_wait3A_81] : memref<16x4096xi32, #tpu.memory_space<vmem_shared>> -> memref<1x4096xi32, #tpu.memory_space<vmem_shared>>
        %dma_wait3A_83 = tpu.memref_squeeze %dma_wait3A_82 : memref<1x4096xi32, #tpu.memory_space<vmem_shared>> -> memref<4096xi32, #tpu.memory_space<vmem_shared>>
        tpu.wait_dma2 semaphore(%run_scoped3A : memref<!tpu.dma_semaphore, #tpu.memory_space<semaphore_mem>>) src(%arg8 : memref<4096xi32, #tpu.memory_space<vmem>>) dst(%dma_wait3A_83 : memref<4096xi32, #tpu.memory_space<vmem_shared>>)
        tpu.yield
      }) : () -> ()
      %broadcast_in_dim3A_40 = vector.broadcast %scan3A_38 : i32 to vector<16xi32>
      %swap3A = arith.constant 0 : index
      %swap3A_41 = tpu.vector_load %arg12[%swap3A] {strides = array<i32>} : memref<16xi32, #tpu.memory_space<vmem>>, vector<16xi32>,
      tpu.vector_store %arg12[%swap3A], %broadcast_in_dim3A_40 {strides = array<i32>} : memref<16xi32, #tpu.memory_space<vmem>>, vector<16xi32>,
      "tpu.region"() ({
        %run_scoped3A = tpu.sem_alloc : memref<!tpu.dma_semaphore, #tpu.memory_space<semaphore_mem>>
        %dma_start3A = arith.constant 0 : i32
        %dma_start3A_74 = tpu.memref_slice %arg20[%arg1, %dma_start3A] : memref<16x16xi32, #tpu.memory_space<vmem_shared>> -> memref<1x16xi32, #tpu.memory_space<vmem_shared>>
        %dma_start3A_75 = tpu.memref_squeeze %dma_start3A_74 : memref<1x16xi32, #tpu.memory_space<vmem_shared>> -> memref<16xi32, #tpu.memory_space<vmem_shared>>
        %dma_start3A_76 = arith.constant 0 : i32
        %dma_start3A_77 = tpu.memref_slice %arg20[%arg1, %dma_start3A_76] : memref<16x16xi32, #tpu.memory_space<vmem_shared>> -> memref<1x16xi32, #tpu.memory_space<vmem_shared>>
        %dma_start3A_78 = tpu.memref_squeeze %dma_start3A_77 : memref<1x16xi32, #tpu.memory_space<vmem_shared>> -> memref<16xi32, #tpu.memory_space<vmem_shared>>
        tpu.enqueue_dma source(%arg12 : memref<16xi32, #tpu.memory_space<vmem>>) target(%dma_start3A_78 : memref<16xi32, #tpu.memory_space<vmem_shared>>) target_semaphore(%run_scoped3A : memref<!tpu.dma_semaphore, #tpu.memory_space<semaphore_mem>>)
        %dma_wait3A = arith.constant 0 : i32
        %dma_wait3A_79 = tpu.memref_slice %arg20[%arg1, %dma_wait3A] : memref<16x16xi32, #tpu.memory_space<vmem_shared>> -> memref<1x16xi32, #tpu.memory_space<vmem_shared>>
        %dma_wait3A_80 = tpu.memref_squeeze %dma_wait3A_79 : memref<1x16xi32, #tpu.memory_space<vmem_shared>> -> memref<16xi32, #tpu.memory_space<vmem_shared>>
        %dma_wait3A_81 = arith.constant 0 : i32
        %dma_wait3A_82 = tpu.memref_slice %arg20[%arg1, %dma_wait3A_81] : memref<16x16xi32, #tpu.memory_space<vmem_shared>> -> memref<1x16xi32, #tpu.memory_space<vmem_shared>>
        %dma_wait3A_83 = tpu.memref_squeeze %dma_wait3A_82 : memref<1x16xi32, #tpu.memory_space<vmem_shared>> -> memref<16xi32, #tpu.memory_space<vmem_shared>>
        tpu.wait_dma2 semaphore(%run_scoped3A : memref<!tpu.dma_semaphore, #tpu.memory_space<semaphore_mem>>) src(%arg12 : memref<16xi32, #tpu.memory_space<vmem>>) dst(%dma_wait3A_83 : memref<16xi32, #tpu.memory_space<vmem_shared>>)
        tpu.yield
      }) : () -> ()
      %barrier3A_42 = arith.constant 0 : index
      tpu.barrier barrier_id(%barrier3A_42)
      "tpu.region"() ({
        %run_scoped3A = tpu.sem_alloc : memref<!tpu.dma_semaphore, #tpu.memory_space<semaphore_mem>>
        tpu.enqueue_dma source(%arg20 : memref<16x16xi32, #tpu.memory_space<vmem_shared>>) target(%arg11 : memref<16x16xi32, #tpu.memory_space<vmem>>) target_semaphore(%run_scoped3A : memref<!tpu.dma_semaphore, #tpu.memory_space<semaphore_mem>>)
        tpu.wait_dma2 semaphore(%run_scoped3A : memref<!tpu.dma_semaphore, #tpu.memory_space<semaphore_mem>>) src(%arg20 : memref<16x16xi32, #tpu.memory_space<vmem_shared>>) dst(%arg11 : memref<16x16xi32, #tpu.memory_space<vmem>>)
        tpu.yield
      }) : () -> ()
      %mul3A_43 = arith.constant 128 : i32
      %mul3A_44 = arith.muli %arg1, %mul3A_43 : i32
      %scan3A_45 = arith.constant 0 : i32
      %scan3A_46 = arith.constant 0 : i32
      %scan3A_47 = arith.constant 16 : i32
      %scan3A_48 = arith.addi %scan3A_46, %scan3A_47 : i32
      %scan3A_49 = arith.constant 1 : i32
      %scan3A_50 = scf.for %scan3A_74 = %scan3A_46 to %scan3A_48 step %scan3A_49 iter_args(%scan3A_75 = %scan3A_45) -> (i32)  : i32 {
        %get3A = arith.index_cast %scan3A_74 : i32 to index
        %get3A_76 = arith.constant 0 : index
        %get3A_77 = tpu.vector_load %arg11[%get3A, %get3A_76] {strides = array<i32>} : memref<16x16xi32, #tpu.memory_space<vmem>>, vector<16xi32>,
        %reduce_max3A = arith.constant true
        %reduce_max3A_78 = vector.broadcast %reduce_max3A : i1 to vector<16xi1>
        %reduce_max3A_79 = arith.constant -2147483648 : i32
        %reduce_max3A_80 = vector.broadcast %reduce_max3A_79 : i32 to vector<16xi32>
        %reduce_max3A_81 = arith.xori %get3A_77, %reduce_max3A_80 : vector<16xi32>
        %reduce_max3A_82 = tpu.scan <max>, %reduce_max3A_81 masked %reduce_max3A_78 : vector<16xi32>, vector<16xi1> -> vector<16xi32>
        %reduce_max3A_83 = arith.xori %reduce_max3A_82, %reduce_max3A_80 : vector<16xi32>
        %reduce_max3A_84 = vector.extract %reduce_max3A_83[15] : i32 from vector<16xi32>
        %gt3A_85 = arith.constant 0 : i32
        %gt3A_86 = arith.cmpi sgt, %scan3A_75, %gt3A_85 : i32
        %add3A_87 = arith.addi %scan3A_75, %reduce_max3A_84 : i32
        %gt3A_88 = arith.constant 4080 : i32
        %gt3A_89 = arith.cmpi sgt, %add3A_87, %gt3A_88 : i32
        %and3A_90 = arith.andi %gt3A_86, %gt3A_89 : i1
        %convert_element_type3A_91 = arith.extui %and3A_90 : i1 to i32
        %cond3A_92 = arith.constant 0 : i32
        %cond3A_93 = arith.cmpi ne, %convert_element_type3A_91, %cond3A_92 : i32
        scf.if %cond3A_93 {
          %broadcast_in_dim3A_127 = arith.constant 0 : i32
          %broadcast_in_dim3A_128 = vector.broadcast %broadcast_in_dim3A_127 : i32 to vector<16xi32>
          %swap3A_129 = arith.index_cast %scan3A_75 : i32 to index
          %swap3A_130 = tpu.vector_load %arg7[%swap3A_129] {strides = array<i32>} : memref<4096xi32, #tpu.memory_space<vmem>>, vector<16xi32>,
          tpu.vector_store %arg7[%swap3A_129], %broadcast_in_dim3A_128 {strides = array<i32>} : memref<4096xi32, #tpu.memory_space<vmem>>, vector<16xi32>,
          %broadcast_in_dim3A_131 = arith.constant 128 : i32
          %broadcast_in_dim3A_132 = vector.broadcast %broadcast_in_dim3A_131 : i32 to vector<16xi32>
          %swap3A_133 = arith.index_cast %scan3A_75 : i32 to index
          %swap3A_134 = tpu.vector_load %arg8[%swap3A_133] {strides = array<i32>} : memref<4096xi32, #tpu.memory_space<vmem>>, vector<16xi32>,
          tpu.vector_store %arg8[%swap3A_133], %broadcast_in_dim3A_132 {strides = array<i32>} : memref<4096xi32, #tpu.memory_space<vmem>>, vector<16xi32>,
          %add3A_135 = arith.constant 15 : i32
          %add3A_136 = arith.addi %scan3A_75, %add3A_135 : i32
          %jit3A_137 = arith.constant 16 : i32
          %div3A_138 = arith.divsi %add3A_136, %jit3A_137 : i32
          %sign3A_139 = arith.constant 0 : i32
          %sign3A_140 = arith.cmpi sgt, %add3A_136, %sign3A_139 : i32
          %sign3A_141 = arith.extui %sign3A_140 : i1 to i32
          %sign3A_142 = arith.constant 0 : i32
          %sign3A_143 = arith.cmpi slt, %add3A_136, %sign3A_142 : i32
          %sign3A_144 = arith.extui %sign3A_143 : i1 to i32
          %sign3A_145 = arith.subi %sign3A_141, %sign3A_144 : i32
          %sign3A_146 = arith.constant 0 : i32
          %sign3A_147 = arith.cmpi sgt, %jit3A_137, %sign3A_146 : i32
          %sign3A_148 = arith.extui %sign3A_147 : i1 to i32
          %sign3A_149 = arith.constant 0 : i32
          %sign3A_150 = arith.cmpi slt, %jit3A_137, %sign3A_149 : i32
          %sign3A_151 = arith.extui %sign3A_150 : i1 to i32
          %sign3A_152 = arith.subi %sign3A_148, %sign3A_151 : i32
          %ne3A_153 = arith.cmpi ne, %sign3A_145, %sign3A_152 : i32
          %rem3A_154 = arith.remsi %add3A_136, %jit3A_137 : i32
          %ne3A_155 = arith.constant 0 : i32
          %ne3A_156 = arith.cmpi ne, %rem3A_154, %ne3A_155 : i32
          %and3A_157 = arith.andi %ne3A_153, %ne3A_156 : i1
          %sub3A_158 = arith.constant 1 : i32
          %sub3A_159 = arith.subi %div3A_138, %sub3A_158 : i32
          %select_n3A_160 = arith.select %and3A_157, %sub3A_159, %div3A_138 : i32
          %while3A_161 = arith.constant 0 : i32
          %while3A_162 = arith.subi %select_n3A_160, %while3A_161 : i32
          %while3A_163 = arith.addi %while3A_161, %while3A_162 : i32
          %while3A_164 = arith.constant 1 : i32
          %while3A_165 = arith.divsi %while3A_162, %while3A_164 : i32
          %while3A_166 = arith.muli %while3A_165, %while3A_164 : i32
          %while3A_167 = arith.addi %while3A_161, %while3A_166 : i32
          %while3A_168 = arith.constant 1 : i32
          scf.for %while3A_170 = %while3A_161 to %while3A_167 step %while3A_168  : i32 {
            %mul3A_171 = arith.constant 16 : i32
            %mul3A_172 = arith.muli %while3A_170, %mul3A_171 : i32
            %get3A_173 = arith.index_cast %mul3A_172 : i32 to index
            %get3A_174 = tpu.vector_load %arg7[%get3A_173] {strides = array<i32>} : memref<4096xi32, #tpu.memory_space<vmem>>, vector<16xi32>,
            %dma_start3A = arith.constant 0 : i32
            %dma_start3A_175 = arith.constant 0 : i32
            %dma_start3A_176 = tpu.memref_slice %arg3[%dma_start3A, %dma_start3A_175] : memref<64000x512xf32, #tpu.memory_space<hbm>> -> memref<64000x512xf32, #tpu.memory_space<hbm>>
            tpu.enqueue_indirect_dma source(%dma_start3A_176 : memref<64000x512xf32, #tpu.memory_space<hbm>>) target(%arg13 : memref<16x512xf32, #tpu.memory_space<vmem>>) offsets(%get3A_174 : vector<16xi32>) semaphore(%arg23 : memref<!tpu.dma_semaphore, #tpu.memory_space<semaphore_mem>>)
            %dma_wait3A = arith.constant 0 : i32
            %dma_wait3A_177 = arith.constant 0 : i32
            %dma_wait3A_178 = tpu.memref_slice %arg3[%dma_wait3A, %dma_wait3A_177] : memref<64000x512xf32, #tpu.memory_space<hbm>> -> memref<64000x512xf32, #tpu.memory_space<hbm>>
            tpu.wait_indirect_dma semaphore(%arg23 : memref<!tpu.dma_semaphore, #tpu.memory_space<semaphore_mem>>) src(%dma_wait3A_178 : memref<64000x512xf32, #tpu.memory_space<hbm>>) dst(%arg13 : memref<16x512xf32, #tpu.memory_space<vmem>>)
            %mul3A_179 = arith.constant 16 : i32
            %mul3A_180 = arith.muli %while3A_170, %mul3A_179 : i32
            %get3A_181 = arith.index_cast %mul3A_180 : i32 to index
            %get3A_182 = tpu.vector_load %arg8[%get3A_181] {strides = array<i32>} : memref<4096xi32, #tpu.memory_space<vmem>>, vector<16xi32>,
            %scan3A_183 = arith.constant 0 : i32
            %scan3A_184 = arith.constant 16 : i32
            %scan3A_185 = arith.addi %scan3A_183, %scan3A_184 : i32
            %scan3A_186 = arith.constant 1 : i32
            scf.for %scan3A_188 = %scan3A_183 to %scan3A_185 step %scan3A_186  : i32 {
              %eq3A_189 = vector.broadcast %scan3A_188 : i32 to vector<16xi32>
              %eq3A_190 = arith.cmpi eq, %iota3A, %eq3A_189 : vector<16xi32>
              %jit3A_191 = arith.constant 0 : i32
              %broadcast_in_dim3A_192 = vector.broadcast %jit3A_191 : i32 to vector<16xi32>
              %select_n3A_193 = arith.select %eq3A_190, %get3A_182, %broadcast_in_dim3A_192 : vector<16xi1>, vector<16xi32>
              %reduce_sum3A = arith.constant true
              %reduce_sum3A_194 = vector.broadcast %reduce_sum3A : i1 to vector<16xi1>
              %reduce_sum3A_195 = tpu.scan <sum>, %select_n3A_193 masked %reduce_sum3A_194 : vector<16xi32>, vector<16xi1> -> vector<16xi32>
              %reduce_sum3A_196 = vector.extract %reduce_sum3A_195[15] : i32 from vector<16xi32>
              %get3A_197 = arith.index_cast %scan3A_188 : i32 to index
              %get3A_198 = arith.constant 0 : index
              %get3A_199 = tpu.vector_load %arg13[%get3A_197, %get3A_198] {strides = array<i32>} : memref<16x512xf32, #tpu.memory_space<vmem>>, vector<16xf32>,
              %swap3A_200 = arith.index_cast %reduce_sum3A_196 : i32 to index
              %swap3A_201 = arith.constant 0 : index
              %swap3A_202 = tpu.vector_load %arg16[%swap3A_200, %swap3A_201] {strides = array<i32>} : memref<144x512xf32, #tpu.memory_space<vmem>>, vector<16xf32>,
              tpu.vector_store %arg16[%swap3A_200, %swap3A_201], %get3A_199 {add = true, strides = array<i32>} : memref<144x512xf32, #tpu.memory_space<vmem>>, vector<16xf32>,
              %get3A_203 = arith.index_cast %scan3A_188 : i32 to index
              %get3A_204 = arith.constant 16 : index
              %get3A_205 = tpu.vector_load %arg13[%get3A_203, %get3A_204] {strides = array<i32>} : memref<16x512xf32, #tpu.memory_space<vmem>>, vector<16xf32>,
              %swap3A_206 = arith.index_cast %reduce_sum3A_196 : i32 to index
              %swap3A_207 = arith.constant 16 : index
              %swap3A_208 = tpu.vector_load %arg16[%swap3A_206, %swap3A_207] {strides = array<i32>} : memref<144x512xf32, #tpu.memory_space<vmem>>, vector<16xf32>,
              tpu.vector_store %arg16[%swap3A_206, %swap3A_207], %get3A_205 {add = true, strides = array<i32>} : memref<144x512xf32, #tpu.memory_space<vmem>>, vector<16xf32>,
              %get3A_209 = arith.index_cast %scan3A_188 : i32 to index
              %get3A_210 = arith.constant 32 : index
              %get3A_211 = tpu.vector_load %arg13[%get3A_209, %get3A_210] {strides = array<i32>} : memref<16x512xf32, #tpu.memory_space<vmem>>, vector<16xf32>,
              %swap3A_212 = arith.index_cast %reduce_sum3A_196 : i32 to index
              %swap3A_213 = arith.constant 32 : index
              %swap3A_214 = tpu.vector_load %arg16[%swap3A_212, %swap3A_213] {strides = array<i32>} : memref<144x512xf32, #tpu.memory_space<vmem>>, vector<16xf32>,
              tpu.vector_store %arg16[%swap3A_212, %swap3A_213], %get3A_211 {add = true, strides = array<i32>} : memref<144x512xf32, #tpu.memory_space<vmem>>, vector<16xf32>,
              %get3A_215 = arith.index_cast %scan3A_188 : i32 to index
              %get3A_216 = arith.constant 48 : index
              %get3A_217 = tpu.vector_load %arg13[%get3A_215, %get3A_216] {strides = array<i32>} : memref<16x512xf32, #tpu.memory_space<vmem>>, vector<16xf32>,
              %swap3A_218 = arith.index_cast %reduce_sum3A_196 : i32 to index
              %swap3A_219 = arith.constant 48 : index
              %swap3A_220 = tpu.vector_load %arg16[%swap3A_218, %swap3A_219] {strides = array<i32>} : memref<144x512xf32, #tpu.memory_space<vmem>>, vector<16xf32>,
              tpu.vector_store %arg16[%swap3A_218, %swap3A_219], %get3A_217 {add = true, strides = array<i32>} : memref<144x512xf32, #tpu.memory_space<vmem>>, vector<16xf32>,
              %get3A_221 = arith.index_cast %scan3A_188 : i32 to index
              %get3A_222 = arith.constant 64 : index
              %get3A_223 = tpu.vector_load %arg13[%get3A_221, %get3A_222] {strides = array<i32>} : memref<16x512xf32, #tpu.memory_space<vmem>>, vector<16xf32>,
              %swap3A_224 = arith.index_cast %reduce_sum3A_196 : i32 to index
              %swap3A_225 = arith.constant 64 : index
              %swap3A_226 = tpu.vector_load %arg16[%swap3A_224, %swap3A_225] {strides = array<i32>} : memref<144x512xf32, #tpu.memory_space<vmem>>, vector<16xf32>,
              tpu.vector_store %arg16[%swap3A_224, %swap3A_225], %get3A_223 {add = true, strides = array<i32>} : memref<144x512xf32, #tpu.memory_space<vmem>>, vector<16xf32>,
              %get3A_227 = arith.index_cast %scan3A_188 : i32 to index
              %get3A_228 = arith.constant 80 : index
              %get3A_229 = tpu.vector_load %arg13[%get3A_227, %get3A_228] {strides = array<i32>} : memref<16x512xf32, #tpu.memory_space<vmem>>, vector<16xf32>,
              %swap3A_230 = arith.index_cast %reduce_sum3A_196 : i32 to index
              %swap3A_231 = arith.constant 80 : index
              %swap3A_232 = tpu.vector_load %arg16[%swap3A_230, %swap3A_231] {strides = array<i32>} : memref<144x512xf32, #tpu.memory_space<vmem>>, vector<16xf32>,
              tpu.vector_store %arg16[%swap3A_230, %swap3A_231], %get3A_229 {add = true, strides = array<i32>} : memref<144x512xf32, #tpu.memory_space<vmem>>, vector<16xf32>,
              %get3A_233 = arith.index_cast %scan3A_188 : i32 to index
              %get3A_234 = arith.constant 96 : index
              %get3A_235 = tpu.vector_load %arg13[%get3A_233, %get3A_234] {strides = array<i32>} : memref<16x512xf32, #tpu.memory_space<vmem>>, vector<16xf32>,
              %swap3A_236 = arith.index_cast %reduce_sum3A_196 : i32 to index
              %swap3A_237 = arith.constant 96 : index
              %swap3A_238 = tpu.vector_load %arg16[%swap3A_236, %swap3A_237] {strides = array<i32>} : memref<144x512xf32, #tpu.memory_space<vmem>>, vector<16xf32>,
              tpu.vector_store %arg16[%swap3A_236, %swap3A_237], %get3A_235 {add = true, strides = array<i32>} : memref<144x512xf32, #tpu.memory_space<vmem>>, vector<16xf32>,
              %get3A_239 = arith.index_cast %scan3A_188 : i32 to index
              %get3A_240 = arith.constant 112 : index
              %get3A_241 = tpu.vector_load %arg13[%get3A_239, %get3A_240] {strides = array<i32>} : memref<16x512xf32, #tpu.memory_space<vmem>>, vector<16xf32>,
              %swap3A_242 = arith.index_cast %reduce_sum3A_196 : i32 to index
              %swap3A_243 = arith.constant 112 : index
              %swap3A_244 = tpu.vector_load %arg16[%swap3A_242, %swap3A_243] {strides = array<i32>} : memref<144x512xf32, #tpu.memory_space<vmem>>, vector<16xf32>,
              tpu.vector_store %arg16[%swap3A_242, %swap3A_243], %get3A_241 {add = true, strides = array<i32>} : memref<144x512xf32, #tpu.memory_space<vmem>>, vector<16xf32>,
              %get3A_245 = arith.index_cast %scan3A_188 : i32 to index
              %get3A_246 = arith.constant 128 : index
              %get3A_247 = tpu.vector_load %arg13[%get3A_245, %get3A_246] {strides = array<i32>} : memref<16x512xf32, #tpu.memory_space<vmem>>, vector<16xf32>,
              %swap3A_248 = arith.index_cast %reduce_sum3A_196 : i32 to index
              %swap3A_249 = arith.constant 128 : index
              %swap3A_250 = tpu.vector_load %arg16[%swap3A_248, %swap3A_249] {strides = array<i32>} : memref<144x512xf32, #tpu.memory_space<vmem>>, vector<16xf32>,
              tpu.vector_store %arg16[%swap3A_248, %swap3A_249], %get3A_247 {add = true, strides = array<i32>} : memref<144x512xf32, #tpu.memory_space<vmem>>, vector<16xf32>,
              %get3A_251 = arith.index_cast %scan3A_188 : i32 to index
              %get3A_252 = arith.constant 144 : index
              %get3A_253 = tpu.vector_load %arg13[%get3A_251, %get3A_252] {strides = array<i32>} : memref<16x512xf32, #tpu.memory_space<vmem>>, vector<16xf32>,
              %swap3A_254 = arith.index_cast %reduce_sum3A_196 : i32 to index
              %swap3A_255 = arith.constant 144 : index
              %swap3A_256 = tpu.vector_load %arg16[%swap3A_254, %swap3A_255] {strides = array<i32>} : memref<144x512xf32, #tpu.memory_space<vmem>>, vector<16xf32>,
              tpu.vector_store %arg16[%swap3A_254, %swap3A_255], %get3A_253 {add = true, strides = array<i32>} : memref<144x512xf32, #tpu.memory_space<vmem>>, vector<16xf32>,
              %get3A_257 = arith.index_cast %scan3A_188 : i32 to index
              %get3A_258 = arith.constant 160 : index
              %get3A_259 = tpu.vector_load %arg13[%get3A_257, %get3A_258] {strides = array<i32>} : memref<16x512xf32, #tpu.memory_space<vmem>>, vector<16xf32>,
              %swap3A_260 = arith.index_cast %reduce_sum3A_196 : i32 to index
              %swap3A_261 = arith.constant 160 : index
              %swap3A_262 = tpu.vector_load %arg16[%swap3A_260, %swap3A_261] {strides = array<i32>} : memref<144x512xf32, #tpu.memory_space<vmem>>, vector<16xf32>,
              tpu.vector_store %arg16[%swap3A_260, %swap3A_261], %get3A_259 {add = true, strides = array<i32>} : memref<144x512xf32, #tpu.memory_space<vmem>>, vector<16xf32>,
              %get3A_263 = arith.index_cast %scan3A_188 : i32 to index
              %get3A_264 = arith.constant 176 : index
              %get3A_265 = tpu.vector_load %arg13[%get3A_263, %get3A_264] {strides = array<i32>} : memref<16x512xf32, #tpu.memory_space<vmem>>, vector<16xf32>,
              %swap3A_266 = arith.index_cast %reduce_sum3A_196 : i32 to index
              %swap3A_267 = arith.constant 176 : index
              %swap3A_268 = tpu.vector_load %arg16[%swap3A_266, %swap3A_267] {strides = array<i32>} : memref<144x512xf32, #tpu.memory_space<vmem>>, vector<16xf32>,
              tpu.vector_store %arg16[%swap3A_266, %swap3A_267], %get3A_265 {add = true, strides = array<i32>} : memref<144x512xf32, #tpu.memory_space<vmem>>, vector<16xf32>,
              %get3A_269 = arith.index_cast %scan3A_188 : i32 to index
              %get3A_270 = arith.constant 192 : index
              %get3A_271 = tpu.vector_load %arg13[%get3A_269, %get3A_270] {strides = array<i32>} : memref<16x512xf32, #tpu.memory_space<vmem>>, vector<16xf32>,
              %swap3A_272 = arith.index_cast %reduce_sum3A_196 : i32 to index
              %swap3A_273 = arith.constant 192 : index
              %swap3A_274 = tpu.vector_load %arg16[%swap3A_272, %swap3A_273] {strides = array<i32>} : memref<144x512xf32, #tpu.memory_space<vmem>>, vector<16xf32>,
              tpu.vector_store %arg16[%swap3A_272, %swap3A_273], %get3A_271 {add = true, strides = array<i32>} : memref<144x512xf32, #tpu.memory_space<vmem>>, vector<16xf32>,
              %get3A_275 = arith.index_cast %scan3A_188 : i32 to index
              %get3A_276 = arith.constant 208 : index
              %get3A_277 = tpu.vector_load %arg13[%get3A_275, %get3A_276] {strides = array<i32>} : memref<16x512xf32, #tpu.memory_space<vmem>>, vector<16xf32>,
              %swap3A_278 = arith.index_cast %reduce_sum3A_196 : i32 to index
              %swap3A_279 = arith.constant 208 : index
              %swap3A_280 = tpu.vector_load %arg16[%swap3A_278, %swap3A_279] {strides = array<i32>} : memref<144x512xf32, #tpu.memory_space<vmem>>, vector<16xf32>,
              tpu.vector_store %arg16[%swap3A_278, %swap3A_279], %get3A_277 {add = true, strides = array<i32>} : memref<144x512xf32, #tpu.memory_space<vmem>>, vector<16xf32>,
              %get3A_281 = arith.index_cast %scan3A_188 : i32 to index
              %get3A_282 = arith.constant 224 : index
              %get3A_283 = tpu.vector_load %arg13[%get3A_281, %get3A_282] {strides = array<i32>} : memref<16x512xf32, #tpu.memory_space<vmem>>, vector<16xf32>,
              %swap3A_284 = arith.index_cast %reduce_sum3A_196 : i32 to index
              %swap3A_285 = arith.constant 224 : index
              %swap3A_286 = tpu.vector_load %arg16[%swap3A_284, %swap3A_285] {strides = array<i32>} : memref<144x512xf32, #tpu.memory_space<vmem>>, vector<16xf32>,
              tpu.vector_store %arg16[%swap3A_284, %swap3A_285], %get3A_283 {add = true, strides = array<i32>} : memref<144x512xf32, #tpu.memory_space<vmem>>, vector<16xf32>,
              %get3A_287 = arith.index_cast %scan3A_188 : i32 to index
              %get3A_288 = arith.constant 240 : index
              %get3A_289 = tpu.vector_load %arg13[%get3A_287, %get3A_288] {strides = array<i32>} : memref<16x512xf32, #tpu.memory_space<vmem>>, vector<16xf32>,
              %swap3A_290 = arith.index_cast %reduce_sum3A_196 : i32 to index
              %swap3A_291 = arith.constant 240 : index
              %swap3A_292 = tpu.vector_load %arg16[%swap3A_290, %swap3A_291] {strides = array<i32>} : memref<144x512xf32, #tpu.memory_space<vmem>>, vector<16xf32>,
              tpu.vector_store %arg16[%swap3A_290, %swap3A_291], %get3A_289 {add = true, strides = array<i32>} : memref<144x512xf32, #tpu.memory_space<vmem>>, vector<16xf32>,
              %get3A_293 = arith.index_cast %scan3A_188 : i32 to index
              %get3A_294 = arith.constant 256 : index
              %get3A_295 = tpu.vector_load %arg13[%get3A_293, %get3A_294] {strides = array<i32>} : memref<16x512xf32, #tpu.memory_space<vmem>>, vector<16xf32>,
              %swap3A_296 = arith.index_cast %reduce_sum3A_196 : i32 to index
              %swap3A_297 = arith.constant 256 : index
              %swap3A_298 = tpu.vector_load %arg16[%swap3A_296, %swap3A_297] {strides = array<i32>} : memref<144x512xf32, #tpu.memory_space<vmem>>, vector<16xf32>,
              tpu.vector_store %arg16[%swap3A_296, %swap3A_297], %get3A_295 {add = true, strides = array<i32>} : memref<144x512xf32, #tpu.memory_space<vmem>>, vector<16xf32>,
              %get3A_299 = arith.index_cast %scan3A_188 : i32 to index
              %get3A_300 = arith.constant 272 : index
              %get3A_301 = tpu.vector_load %arg13[%get3A_299, %get3A_300] {strides = array<i32>} : memref<16x512xf32, #tpu.memory_space<vmem>>, vector<16xf32>,
              %swap3A_302 = arith.index_cast %reduce_sum3A_196 : i32 to index
              %swap3A_303 = arith.constant 272 : index
              %swap3A_304 = tpu.vector_load %arg16[%swap3A_302, %swap3A_303] {strides = array<i32>} : memref<144x512xf32, #tpu.memory_space<vmem>>, vector<16xf32>,
              tpu.vector_store %arg16[%swap3A_302, %swap3A_303], %get3A_301 {add = true, strides = array<i32>} : memref<144x512xf32, #tpu.memory_space<vmem>>, vector<16xf32>,
              %get3A_305 = arith.index_cast %scan3A_188 : i32 to index
              %get3A_306 = arith.constant 288 : index
              %get3A_307 = tpu.vector_load %arg13[%get3A_305, %get3A_306] {strides = array<i32>} : memref<16x512xf32, #tpu.memory_space<vmem>>, vector<16xf32>,
              %swap3A_308 = arith.index_cast %reduce_sum3A_196 : i32 to index
              %swap3A_309 = arith.constant 288 : index
              %swap3A_310 = tpu.vector_load %arg16[%swap3A_308, %swap3A_309] {strides = array<i32>} : memref<144x512xf32, #tpu.memory_space<vmem>>, vector<16xf32>,
              tpu.vector_store %arg16[%swap3A_308, %swap3A_309], %get3A_307 {add = true, strides = array<i32>} : memref<144x512xf32, #tpu.memory_space<vmem>>, vector<16xf32>,
              %get3A_311 = arith.index_cast %scan3A_188 : i32 to index
              %get3A_312 = arith.constant 304 : index
              %get3A_313 = tpu.vector_load %arg13[%get3A_311, %get3A_312] {strides = array<i32>} : memref<16x512xf32, #tpu.memory_space<vmem>>, vector<16xf32>,
              %swap3A_314 = arith.index_cast %reduce_sum3A_196 : i32 to index
              %swap3A_315 = arith.constant 304 : index
              %swap3A_316 = tpu.vector_load %arg16[%swap3A_314, %swap3A_315] {strides = array<i32>} : memref<144x512xf32, #tpu.memory_space<vmem>>, vector<16xf32>,
              tpu.vector_store %arg16[%swap3A_314, %swap3A_315], %get3A_313 {add = true, strides = array<i32>} : memref<144x512xf32, #tpu.memory_space<vmem>>, vector<16xf32>,
              %get3A_317 = arith.index_cast %scan3A_188 : i32 to index
              %get3A_318 = arith.constant 320 : index
              %get3A_319 = tpu.vector_load %arg13[%get3A_317, %get3A_318] {strides = array<i32>} : memref<16x512xf32, #tpu.memory_space<vmem>>, vector<16xf32>,
              %swap3A_320 = arith.index_cast %reduce_sum3A_196 : i32 to index
              %swap3A_321 = arith.constant 320 : index
              %swap3A_322 = tpu.vector_load %arg16[%swap3A_320, %swap3A_321] {strides = array<i32>} : memref<144x512xf32, #tpu.memory_space<vmem>>, vector<16xf32>,
              tpu.vector_store %arg16[%swap3A_320, %swap3A_321], %get3A_319 {add = true, strides = array<i32>} : memref<144x512xf32, #tpu.memory_space<vmem>>, vector<16xf32>,
              %get3A_323 = arith.index_cast %scan3A_188 : i32 to index
              %get3A_324 = arith.constant 336 : index
              %get3A_325 = tpu.vector_load %arg13[%get3A_323, %get3A_324] {strides = array<i32>} : memref<16x512xf32, #tpu.memory_space<vmem>>, vector<16xf32>,
              %swap3A_326 = arith.index_cast %reduce_sum3A_196 : i32 to index
              %swap3A_327 = arith.constant 336 : index
              %swap3A_328 = tpu.vector_load %arg16[%swap3A_326, %swap3A_327] {strides = array<i32>} : memref<144x512xf32, #tpu.memory_space<vmem>>, vector<16xf32>,
              tpu.vector_store %arg16[%swap3A_326, %swap3A_327], %get3A_325 {add = true, strides = array<i32>} : memref<144x512xf32, #tpu.memory_space<vmem>>, vector<16xf32>,
              %get3A_329 = arith.index_cast %scan3A_188 : i32 to index
              %get3A_330 = arith.constant 352 : index
              %get3A_331 = tpu.vector_load %arg13[%get3A_329, %get3A_330] {strides = array<i32>} : memref<16x512xf32, #tpu.memory_space<vmem>>, vector<16xf32>,
              %swap3A_332 = arith.index_cast %reduce_sum3A_196 : i32 to index
              %swap3A_333 = arith.constant 352 : index
              %swap3A_334 = tpu.vector_load %arg16[%swap3A_332, %swap3A_333] {strides = array<i32>} : memref<144x512xf32, #tpu.memory_space<vmem>>, vector<16xf32>,
              tpu.vector_store %arg16[%swap3A_332, %swap3A_333], %get3A_331 {add = true, strides = array<i32>} : memref<144x512xf32, #tpu.memory_space<vmem>>, vector<16xf32>,
              %get3A_335 = arith.index_cast %scan3A_188 : i32 to index
              %get3A_336 = arith.constant 368 : index
              %get3A_337 = tpu.vector_load %arg13[%get3A_335, %get3A_336] {strides = array<i32>} : memref<16x512xf32, #tpu.memory_space<vmem>>, vector<16xf32>,
              %swap3A_338 = arith.index_cast %reduce_sum3A_196 : i32 to index
              %swap3A_339 = arith.constant 368 : index
              %swap3A_340 = tpu.vector_load %arg16[%swap3A_338, %swap3A_339] {strides = array<i32>} : memref<144x512xf32, #tpu.memory_space<vmem>>, vector<16xf32>,
              tpu.vector_store %arg16[%swap3A_338, %swap3A_339], %get3A_337 {add = true, strides = array<i32>} : memref<144x512xf32, #tpu.memory_space<vmem>>, vector<16xf32>,
              %get3A_341 = arith.index_cast %scan3A_188 : i32 to index
              %get3A_342 = arith.constant 384 : index
              %get3A_343 = tpu.vector_load %arg13[%get3A_341, %get3A_342] {strides = array<i32>} : memref<16x512xf32, #tpu.memory_space<vmem>>, vector<16xf32>,
              %swap3A_344 = arith.index_cast %reduce_sum3A_196 : i32 to index
              %swap3A_345 = arith.constant 384 : index
              %swap3A_346 = tpu.vector_load %arg16[%swap3A_344, %swap3A_345] {strides = array<i32>} : memref<144x512xf32, #tpu.memory_space<vmem>>, vector<16xf32>,
              tpu.vector_store %arg16[%swap3A_344, %swap3A_345], %get3A_343 {add = true, strides = array<i32>} : memref<144x512xf32, #tpu.memory_space<vmem>>, vector<16xf32>,
              %get3A_347 = arith.index_cast %scan3A_188 : i32 to index
              %get3A_348 = arith.constant 400 : index
              %get3A_349 = tpu.vector_load %arg13[%get3A_347, %get3A_348] {strides = array<i32>} : memref<16x512xf32, #tpu.memory_space<vmem>>, vector<16xf32>,
              %swap3A_350 = arith.index_cast %reduce_sum3A_196 : i32 to index
              %swap3A_351 = arith.constant 400 : index
              %swap3A_352 = tpu.vector_load %arg16[%swap3A_350, %swap3A_351] {strides = array<i32>} : memref<144x512xf32, #tpu.memory_space<vmem>>, vector<16xf32>,
              tpu.vector_store %arg16[%swap3A_350, %swap3A_351], %get3A_349 {add = true, strides = array<i32>} : memref<144x512xf32, #tpu.memory_space<vmem>>, vector<16xf32>,
              %get3A_353 = arith.index_cast %scan3A_188 : i32 to index
              %get3A_354 = arith.constant 416 : index
              %get3A_355 = tpu.vector_load %arg13[%get3A_353, %get3A_354] {strides = array<i32>} : memref<16x512xf32, #tpu.memory_space<vmem>>, vector<16xf32>,
              %swap3A_356 = arith.index_cast %reduce_sum3A_196 : i32 to index
              %swap3A_357 = arith.constant 416 : index
              %swap3A_358 = tpu.vector_load %arg16[%swap3A_356, %swap3A_357] {strides = array<i32>} : memref<144x512xf32, #tpu.memory_space<vmem>>, vector<16xf32>,
              tpu.vector_store %arg16[%swap3A_356, %swap3A_357], %get3A_355 {add = true, strides = array<i32>} : memref<144x512xf32, #tpu.memory_space<vmem>>, vector<16xf32>,
              %get3A_359 = arith.index_cast %scan3A_188 : i32 to index
              %get3A_360 = arith.constant 432 : index
              %get3A_361 = tpu.vector_load %arg13[%get3A_359, %get3A_360] {strides = array<i32>} : memref<16x512xf32, #tpu.memory_space<vmem>>, vector<16xf32>,
              %swap3A_362 = arith.index_cast %reduce_sum3A_196 : i32 to index
              %swap3A_363 = arith.constant 432 : index
              %swap3A_364 = tpu.vector_load %arg16[%swap3A_362, %swap3A_363] {strides = array<i32>} : memref<144x512xf32, #tpu.memory_space<vmem>>, vector<16xf32>,
              tpu.vector_store %arg16[%swap3A_362, %swap3A_363], %get3A_361 {add = true, strides = array<i32>} : memref<144x512xf32, #tpu.memory_space<vmem>>, vector<16xf32>,
              %get3A_365 = arith.index_cast %scan3A_188 : i32 to index
              %get3A_366 = arith.constant 448 : index
              %get3A_367 = tpu.vector_load %arg13[%get3A_365, %get3A_366] {strides = array<i32>} : memref<16x512xf32, #tpu.memory_space<vmem>>, vector<16xf32>,
              %swap3A_368 = arith.index_cast %reduce_sum3A_196 : i32 to index
              %swap3A_369 = arith.constant 448 : index
              %swap3A_370 = tpu.vector_load %arg16[%swap3A_368, %swap3A_369] {strides = array<i32>} : memref<144x512xf32, #tpu.memory_space<vmem>>, vector<16xf32>,
              tpu.vector_store %arg16[%swap3A_368, %swap3A_369], %get3A_367 {add = true, strides = array<i32>} : memref<144x512xf32, #tpu.memory_space<vmem>>, vector<16xf32>,
              %get3A_371 = arith.index_cast %scan3A_188 : i32 to index
              %get3A_372 = arith.constant 464 : index
              %get3A_373 = tpu.vector_load %arg13[%get3A_371, %get3A_372] {strides = array<i32>} : memref<16x512xf32, #tpu.memory_space<vmem>>, vector<16xf32>,
              %swap3A_374 = arith.index_cast %reduce_sum3A_196 : i32 to index
              %swap3A_375 = arith.constant 464 : index
              %swap3A_376 = tpu.vector_load %arg16[%swap3A_374, %swap3A_375] {strides = array<i32>} : memref<144x512xf32, #tpu.memory_space<vmem>>, vector<16xf32>,
              tpu.vector_store %arg16[%swap3A_374, %swap3A_375], %get3A_373 {add = true, strides = array<i32>} : memref<144x512xf32, #tpu.memory_space<vmem>>, vector<16xf32>,
              %get3A_377 = arith.index_cast %scan3A_188 : i32 to index
              %get3A_378 = arith.constant 480 : index
              %get3A_379 = tpu.vector_load %arg13[%get3A_377, %get3A_378] {strides = array<i32>} : memref<16x512xf32, #tpu.memory_space<vmem>>, vector<16xf32>,
              %swap3A_380 = arith.index_cast %reduce_sum3A_196 : i32 to index
              %swap3A_381 = arith.constant 480 : index
              %swap3A_382 = tpu.vector_load %arg16[%swap3A_380, %swap3A_381] {strides = array<i32>} : memref<144x512xf32, #tpu.memory_space<vmem>>, vector<16xf32>,
              tpu.vector_store %arg16[%swap3A_380, %swap3A_381], %get3A_379 {add = true, strides = array<i32>} : memref<144x512xf32, #tpu.memory_space<vmem>>, vector<16xf32>,
              %get3A_383 = arith.index_cast %scan3A_188 : i32 to index
              %get3A_384 = arith.constant 496 : index
              %get3A_385 = tpu.vector_load %arg13[%get3A_383, %get3A_384] {strides = array<i32>} : memref<16x512xf32, #tpu.memory_space<vmem>>, vector<16xf32>,
              %swap3A_386 = arith.index_cast %reduce_sum3A_196 : i32 to index
              %swap3A_387 = arith.constant 496 : index
              %swap3A_388 = tpu.vector_load %arg16[%swap3A_386, %swap3A_387] {strides = array<i32>} : memref<144x512xf32, #tpu.memory_space<vmem>>, vector<16xf32>,
              tpu.vector_store %arg16[%swap3A_386, %swap3A_387], %get3A_385 {add = true, strides = array<i32>} : memref<144x512xf32, #tpu.memory_space<vmem>>, vector<16xf32>,
              %get3A_389 = arith.constant 0 : i32
              %get3A_390 = arith.index_cast %get3A_389 : i32 to index
              %get3A_391 = arith.constant 0 : index
              %get3A_392 = tpu.vector_load %arg15[%get3A_390, %get3A_391] {strides = array<i32>} : memref<16x16xf32, #tpu.memory_space<vmem>>, vector<16xf32>,
              %swap3A_393 = arith.index_cast %reduce_sum3A_196 : i32 to index
              %swap3A_394 = arith.constant 0 : index
              %swap3A_395 = tpu.vector_load %arg17[%swap3A_393, %swap3A_394] {strides = array<i32>} : memref<144x16xf32, #tpu.memory_space<vmem>>, vector<16xf32>,
              tpu.vector_store %arg17[%swap3A_393, %swap3A_394], %get3A_392 {add = true, strides = array<i32>} : memref<144x16xf32, #tpu.memory_space<vmem>>, vector<16xf32>,
            }
            %scan3A_187 = arith.constant 16 : i32
          }
          %while3A_169 = arith.constant 1 : i32
          scf.for %while3A_170 = %while3A_167 to %while3A_163 step %while3A_169  : i32 {
            %mul3A_171 = arith.constant 16 : i32
            %mul3A_172 = arith.muli %while3A_170, %mul3A_171 : i32
            %get3A_173 = arith.index_cast %mul3A_172 : i32 to index
            %get3A_174 = tpu.vector_load %arg7[%get3A_173] {strides = array<i32>} : memref<4096xi32, #tpu.memory_space<vmem>>, vector<16xi32>,
            %dma_start3A = arith.constant 0 : i32
            %dma_start3A_175 = arith.constant 0 : i32
            %dma_start3A_176 = tpu.memref_slice %arg3[%dma_start3A, %dma_start3A_175] : memref<64000x512xf32, #tpu.memory_space<hbm>> -> memref<64000x512xf32, #tpu.memory_space<hbm>>
            tpu.enqueue_indirect_dma source(%dma_start3A_176 : memref<64000x512xf32, #tpu.memory_space<hbm>>) target(%arg13 : memref<16x512xf32, #tpu.memory_space<vmem>>) offsets(%get3A_174 : vector<16xi32>) semaphore(%arg23 : memref<!tpu.dma_semaphore, #tpu.memory_space<semaphore_mem>>)
            %dma_wait3A = arith.constant 0 : i32
            %dma_wait3A_177 = arith.constant 0 : i32
            %dma_wait3A_178 = tpu.memref_slice %arg3[%dma_wait3A, %dma_wait3A_177] : memref<64000x512xf32, #tpu.memory_space<hbm>> -> memref<64000x512xf32, #tpu.memory_space<hbm>>
            tpu.wait_indirect_dma semaphore(%arg23 : memref<!tpu.dma_semaphore, #tpu.memory_space<semaphore_mem>>) src(%dma_wait3A_178 : memref<64000x512xf32, #tpu.memory_space<hbm>>) dst(%arg13 : memref<16x512xf32, #tpu.memory_space<vmem>>)
            %mul3A_179 = arith.constant 16 : i32
            %mul3A_180 = arith.muli %while3A_170, %mul3A_179 : i32
            %get3A_181 = arith.index_cast %mul3A_180 : i32 to index
            %get3A_182 = tpu.vector_load %arg8[%get3A_181] {strides = array<i32>} : memref<4096xi32, #tpu.memory_space<vmem>>, vector<16xi32>,
            %scan3A_183 = arith.constant 0 : i32
            %scan3A_184 = arith.constant 16 : i32
            %scan3A_185 = arith.addi %scan3A_183, %scan3A_184 : i32
            %scan3A_186 = arith.constant 1 : i32
            scf.for %scan3A_188 = %scan3A_183 to %scan3A_185 step %scan3A_186  : i32 {
              %eq3A_189 = vector.broadcast %scan3A_188 : i32 to vector<16xi32>
              %eq3A_190 = arith.cmpi eq, %iota3A, %eq3A_189 : vector<16xi32>
              %jit3A_191 = arith.constant 0 : i32
              %broadcast_in_dim3A_192 = vector.broadcast %jit3A_191 : i32 to vector<16xi32>
              %select_n3A_193 = arith.select %eq3A_190, %get3A_182, %broadcast_in_dim3A_192 : vector<16xi1>, vector<16xi32>
              %reduce_sum3A = arith.constant true
              %reduce_sum3A_194 = vector.broadcast %reduce_sum3A : i1 to vector<16xi1>
              %reduce_sum3A_195 = tpu.scan <sum>, %select_n3A_193 masked %reduce_sum3A_194 : vector<16xi32>, vector<16xi1> -> vector<16xi32>
              %reduce_sum3A_196 = vector.extract %reduce_sum3A_195[15] : i32 from vector<16xi32>
              %get3A_197 = arith.index_cast %scan3A_188 : i32 to index
              %get3A_198 = arith.constant 0 : index
              %get3A_199 = tpu.vector_load %arg13[%get3A_197, %get3A_198] {strides = array<i32>} : memref<16x512xf32, #tpu.memory_space<vmem>>, vector<16xf32>,
              %swap3A_200 = arith.index_cast %reduce_sum3A_196 : i32 to index
              %swap3A_201 = arith.constant 0 : index
              %swap3A_202 = tpu.vector_load %arg16[%swap3A_200, %swap3A_201] {strides = array<i32>} : memref<144x512xf32, #tpu.memory_space<vmem>>, vector<16xf32>,
              tpu.vector_store %arg16[%swap3A_200, %swap3A_201], %get3A_199 {add = true, strides = array<i32>} : memref<144x512xf32, #tpu.memory_space<vmem>>, vector<16xf32>,
              %get3A_203 = arith.index_cast %scan3A_188 : i32 to index
              %get3A_204 = arith.constant 16 : index
              %get3A_205 = tpu.vector_load %arg13[%get3A_203, %get3A_204] {strides = array<i32>} : memref<16x512xf32, #tpu.memory_space<vmem>>, vector<16xf32>,
              %swap3A_206 = arith.index_cast %reduce_sum3A_196 : i32 to index
              %swap3A_207 = arith.constant 16 : index
              %swap3A_208 = tpu.vector_load %arg16[%swap3A_206, %swap3A_207] {strides = array<i32>} : memref<144x512xf32, #tpu.memory_space<vmem>>, vector<16xf32>,
              tpu.vector_store %arg16[%swap3A_206, %swap3A_207], %get3A_205 {add = true, strides = array<i32>} : memref<144x512xf32, #tpu.memory_space<vmem>>, vector<16xf32>,
              %get3A_209 = arith.index_cast %scan3A_188 : i32 to index
              %get3A_210 = arith.constant 32 : index
              %get3A_211 = tpu.vector_load %arg13[%get3A_209, %get3A_210] {strides = array<i32>} : memref<16x512xf32, #tpu.memory_space<vmem>>, vector<16xf32>,
              %swap3A_212 = arith.index_cast %reduce_sum3A_196 : i32 to index
              %swap3A_213 = arith.constant 32 : index
              %swap3A_214 = tpu.vector_load %arg16[%swap3A_212, %swap3A_213] {strides = array<i32>} : memref<144x512xf32, #tpu.memory_space<vmem>>, vector<16xf32>,
              tpu.vector_store %arg16[%swap3A_212, %swap3A_213], %get3A_211 {add = true, strides = array<i32>} : memref<144x512xf32, #tpu.memory_space<vmem>>, vector<16xf32>,
              %get3A_215 = arith.index_cast %scan3A_188 : i32 to index
              %get3A_216 = arith.constant 48 : index
              %get3A_217 = tpu.vector_load %arg13[%get3A_215, %get3A_216] {strides = array<i32>} : memref<16x512xf32, #tpu.memory_space<vmem>>, vector<16xf32>,
              %swap3A_218 = arith.index_cast %reduce_sum3A_196 : i32 to index
              %swap3A_219 = arith.constant 48 : index
              %swap3A_220 = tpu.vector_load %arg16[%swap3A_218, %swap3A_219] {strides = array<i32>} : memref<144x512xf32, #tpu.memory_space<vmem>>, vector<16xf32>,
              tpu.vector_store %arg16[%swap3A_218, %swap3A_219], %get3A_217 {add = true, strides = array<i32>} : memref<144x512xf32, #tpu.memory_space<vmem>>, vector<16xf32>,
              %get3A_221 = arith.index_cast %scan3A_188 : i32 to index
              %get3A_222 = arith.constant 64 : index
              %get3A_223 = tpu.vector_load %arg13[%get3A_221, %get3A_222] {strides = array<i32>} : memref<16x512xf32, #tpu.memory_space<vmem>>, vector<16xf32>,
              %swap3A_224 = arith.index_cast %reduce_sum3A_196 : i32 to index
              %swap3A_225 = arith.constant 64 : index
              %swap3A_226 = tpu.vector_load %arg16[%swap3A_224, %swap3A_225] {strides = array<i32>} : memref<144x512xf32, #tpu.memory_space<vmem>>, vector<16xf32>,
              tpu.vector_store %arg16[%swap3A_224, %swap3A_225], %get3A_223 {add = true, strides = array<i32>} : memref<144x512xf32, #tpu.memory_space<vmem>>, vector<16xf32>,
              %get3A_227 = arith.index_cast %scan3A_188 : i32 to index
              %get3A_228 = arith.constant 80 : index
              %get3A_229 = tpu.vector_load %arg13[%get3A_227, %get3A_228] {strides = array<i32>} : memref<16x512xf32, #tpu.memory_space<vmem>>, vector<16xf32>,
              %swap3A_230 = arith.index_cast %reduce_sum3A_196 : i32 to index
              %swap3A_231 = arith.constant 80 : index
              %swap3A_232 = tpu.vector_load %arg16[%swap3A_230, %swap3A_231] {strides = array<i32>} : memref<144x512xf32, #tpu.memory_space<vmem>>, vector<16xf32>,
              tpu.vector_store %arg16[%swap3A_230, %swap3A_231], %get3A_229 {add = true, strides = array<i32>} : memref<144x512xf32, #tpu.memory_space<vmem>>, vector<16xf32>,
              %get3A_233 = arith.index_cast %scan3A_188 : i32 to index
              %get3A_234 = arith.constant 96 : index
              %get3A_235 = tpu.vector_load %arg13[%get3A_233, %get3A_234] {strides = array<i32>} : memref<16x512xf32, #tpu.memory_space<vmem>>, vector<16xf32>,
              %swap3A_236 = arith.index_cast %reduce_sum3A_196 : i32 to index
              %swap3A_237 = arith.constant 96 : index
              %swap3A_238 = tpu.vector_load %arg16[%swap3A_236, %swap3A_237] {strides = array<i32>} : memref<144x512xf32, #tpu.memory_space<vmem>>, vector<16xf32>,
              tpu.vector_store %arg16[%swap3A_236, %swap3A_237], %get3A_235 {add = true, strides = array<i32>} : memref<144x512xf32, #tpu.memory_space<vmem>>, vector<16xf32>,
              %get3A_239 = arith.index_cast %scan3A_188 : i32 to index
              %get3A_240 = arith.constant 112 : index
              %get3A_241 = tpu.vector_load %arg13[%get3A_239, %get3A_240] {strides = array<i32>} : memref<16x512xf32, #tpu.memory_space<vmem>>, vector<16xf32>,
              %swap3A_242 = arith.index_cast %reduce_sum3A_196 : i32 to index
              %swap3A_243 = arith.constant 112 : index
              %swap3A_244 = tpu.vector_load %arg16[%swap3A_242, %swap3A_243] {strides = array<i32>} : memref<144x512xf32, #tpu.memory_space<vmem>>, vector<16xf32>,
              tpu.vector_store %arg16[%swap3A_242, %swap3A_243], %get3A_241 {add = true, strides = array<i32>} : memref<144x512xf32, #tpu.memory_space<vmem>>, vector<16xf32>,
              %get3A_245 = arith.index_cast %scan3A_188 : i32 to index
              %get3A_246 = arith.constant 128 : index
              %get3A_247 = tpu.vector_load %arg13[%get3A_245, %get3A_246] {strides = array<i32>} : memref<16x512xf32, #tpu.memory_space<vmem>>, vector<16xf32>,
              %swap3A_248 = arith.index_cast %reduce_sum3A_196 : i32 to index
              %swap3A_249 = arith.constant 128 : index
              %swap3A_250 = tpu.vector_load %arg16[%swap3A_248, %swap3A_249] {strides = array<i32>} : memref<144x512xf32, #tpu.memory_space<vmem>>, vector<16xf32>,
              tpu.vector_store %arg16[%swap3A_248, %swap3A_249], %get3A_247 {add = true, strides = array<i32>} : memref<144x512xf32, #tpu.memory_space<vmem>>, vector<16xf32>,
              %get3A_251 = arith.index_cast %scan3A_188 : i32 to index
              %get3A_252 = arith.constant 144 : index
              %get3A_253 = tpu.vector_load %arg13[%get3A_251, %get3A_252] {strides = array<i32>} : memref<16x512xf32, #tpu.memory_space<vmem>>, vector<16xf32>,
              %swap3A_254 = arith.index_cast %reduce_sum3A_196 : i32 to index
              %swap3A_255 = arith.constant 144 : index
              %swap3A_256 = tpu.vector_load %arg16[%swap3A_254, %swap3A_255] {strides = array<i32>} : memref<144x512xf32, #tpu.memory_space<vmem>>, vector<16xf32>,
              tpu.vector_store %arg16[%swap3A_254, %swap3A_255], %get3A_253 {add = true, strides = array<i32>} : memref<144x512xf32, #tpu.memory_space<vmem>>, vector<16xf32>,
              %get3A_257 = arith.index_cast %scan3A_188 : i32 to index
              %get3A_258 = arith.constant 160 : index
              %get3A_259 = tpu.vector_load %arg13[%get3A_257, %get3A_258] {strides = array<i32>} : memref<16x512xf32, #tpu.memory_space<vmem>>, vector<16xf32>,
              %swap3A_260 = arith.index_cast %reduce_sum3A_196 : i32 to index
              %swap3A_261 = arith.constant 160 : index
              %swap3A_262 = tpu.vector_load %arg16[%swap3A_260, %swap3A_261] {strides = array<i32>} : memref<144x512xf32, #tpu.memory_space<vmem>>, vector<16xf32>,
              tpu.vector_store %arg16[%swap3A_260, %swap3A_261], %get3A_259 {add = true, strides = array<i32>} : memref<144x512xf32, #tpu.memory_space<vmem>>, vector<16xf32>,
              %get3A_263 = arith.index_cast %scan3A_188 : i32 to index
              %get3A_264 = arith.constant 176 : index
              %get3A_265 = tpu.vector_load %arg13[%get3A_263, %get3A_264] {strides = array<i32>} : memref<16x512xf32, #tpu.memory_space<vmem>>, vector<16xf32>,
              %swap3A_266 = arith.index_cast %reduce_sum3A_196 : i32 to index
              %swap3A_267 = arith.constant 176 : index
              %swap3A_268 = tpu.vector_load %arg16[%swap3A_266, %swap3A_267] {strides = array<i32>} : memref<144x512xf32, #tpu.memory_space<vmem>>, vector<16xf32>,
              tpu.vector_store %arg16[%swap3A_266, %swap3A_267], %get3A_265 {add = true, strides = array<i32>} : memref<144x512xf32, #tpu.memory_space<vmem>>, vector<16xf32>,
              %get3A_269 = arith.index_cast %scan3A_188 : i32 to index
              %get3A_270 = arith.constant 192 : index
              %get3A_271 = tpu.vector_load %arg13[%get3A_269, %get3A_270] {strides = array<i32>} : memref<16x512xf32, #tpu.memory_space<vmem>>, vector<16xf32>,
              %swap3A_272 = arith.index_cast %reduce_sum3A_196 : i32 to index
              %swap3A_273 = arith.constant 192 : index
              %swap3A_274 = tpu.vector_load %arg16[%swap3A_272, %swap3A_273] {strides = array<i32>} : memref<144x512xf32, #tpu.memory_space<vmem>>, vector<16xf32>,
              tpu.vector_store %arg16[%swap3A_272, %swap3A_273], %get3A_271 {add = true, strides = array<i32>} : memref<144x512xf32, #tpu.memory_space<vmem>>, vector<16xf32>,
              %get3A_275 = arith.index_cast %scan3A_188 : i32 to index
              %get3A_276 = arith.constant 208 : index
              %get3A_277 = tpu.vector_load %arg13[%get3A_275, %get3A_276] {strides = array<i32>} : memref<16x512xf32, #tpu.memory_space<vmem>>, vector<16xf32>,
              %swap3A_278 = arith.index_cast %reduce_sum3A_196 : i32 to index
              %swap3A_279 = arith.constant 208 : index
              %swap3A_280 = tpu.vector_load %arg16[%swap3A_278, %swap3A_279] {strides = array<i32>} : memref<144x512xf32, #tpu.memory_space<vmem>>, vector<16xf32>,
              tpu.vector_store %arg16[%swap3A_278, %swap3A_279], %get3A_277 {add = true, strides = array<i32>} : memref<144x512xf32, #tpu.memory_space<vmem>>, vector<16xf32>,
              %get3A_281 = arith.index_cast %scan3A_188 : i32 to index
              %get3A_282 = arith.constant 224 : index
              %get3A_283 = tpu.vector_load %arg13[%get3A_281, %get3A_282] {strides = array<i32>} : memref<16x512xf32, #tpu.memory_space<vmem>>, vector<16xf32>,
              %swap3A_284 = arith.index_cast %reduce_sum3A_196 : i32 to index
              %swap3A_285 = arith.constant 224 : index
              %swap3A_286 = tpu.vector_load %arg16[%swap3A_284, %swap3A_285] {strides = array<i32>} : memref<144x512xf32, #tpu.memory_space<vmem>>, vector<16xf32>,
              tpu.vector_store %arg16[%swap3A_284, %swap3A_285], %get3A_283 {add = true, strides = array<i32>} : memref<144x512xf32, #tpu.memory_space<vmem>>, vector<16xf32>,
              %get3A_287 = arith.index_cast %scan3A_188 : i32 to index
              %get3A_288 = arith.constant 240 : index
              %get3A_289 = tpu.vector_load %arg13[%get3A_287, %get3A_288] {strides = array<i32>} : memref<16x512xf32, #tpu.memory_space<vmem>>, vector<16xf32>,
              %swap3A_290 = arith.index_cast %reduce_sum3A_196 : i32 to index
              %swap3A_291 = arith.constant 240 : index
              %swap3A_292 = tpu.vector_load %arg16[%swap3A_290, %swap3A_291] {strides = array<i32>} : memref<144x512xf32, #tpu.memory_space<vmem>>, vector<16xf32>,
              tpu.vector_store %arg16[%swap3A_290, %swap3A_291], %get3A_289 {add = true, strides = array<i32>} : memref<144x512xf32, #tpu.memory_space<vmem>>, vector<16xf32>,
              %get3A_293 = arith.index_cast %scan3A_188 : i32 to index
              %get3A_294 = arith.constant 256 : index
              %get3A_295 = tpu.vector_load %arg13[%get3A_293, %get3A_294] {strides = array<i32>} : memref<16x512xf32, #tpu.memory_space<vmem>>, vector<16xf32>,
              %swap3A_296 = arith.index_cast %reduce_sum3A_196 : i32 to index
              %swap3A_297 = arith.constant 256 : index
              %swap3A_298 = tpu.vector_load %arg16[%swap3A_296, %swap3A_297] {strides = array<i32>} : memref<144x512xf32, #tpu.memory_space<vmem>>, vector<16xf32>,
              tpu.vector_store %arg16[%swap3A_296, %swap3A_297], %get3A_295 {add = true, strides = array<i32>} : memref<144x512xf32, #tpu.memory_space<vmem>>, vector<16xf32>,
              %get3A_299 = arith.index_cast %scan3A_188 : i32 to index
              %get3A_300 = arith.constant 272 : index
              %get3A_301 = tpu.vector_load %arg13[%get3A_299, %get3A_300] {strides = array<i32>} : memref<16x512xf32, #tpu.memory_space<vmem>>, vector<16xf32>,
              %swap3A_302 = arith.index_cast %reduce_sum3A_196 : i32 to index
              %swap3A_303 = arith.constant 272 : index
              %swap3A_304 = tpu.vector_load %arg16[%swap3A_302, %swap3A_303] {strides = array<i32>} : memref<144x512xf32, #tpu.memory_space<vmem>>, vector<16xf32>,
              tpu.vector_store %arg16[%swap3A_302, %swap3A_303], %get3A_301 {add = true, strides = array<i32>} : memref<144x512xf32, #tpu.memory_space<vmem>>, vector<16xf32>,
              %get3A_305 = arith.index_cast %scan3A_188 : i32 to index
              %get3A_306 = arith.constant 288 : index
              %get3A_307 = tpu.vector_load %arg13[%get3A_305, %get3A_306] {strides = array<i32>} : memref<16x512xf32, #tpu.memory_space<vmem>>, vector<16xf32>,
              %swap3A_308 = arith.index_cast %reduce_sum3A_196 : i32 to index
              %swap3A_309 = arith.constant 288 : index
              %swap3A_310 = tpu.vector_load %arg16[%swap3A_308, %swap3A_309] {strides = array<i32>} : memref<144x512xf32, #tpu.memory_space<vmem>>, vector<16xf32>,
              tpu.vector_store %arg16[%swap3A_308, %swap3A_309], %get3A_307 {add = true, strides = array<i32>} : memref<144x512xf32, #tpu.memory_space<vmem>>, vector<16xf32>,
              %get3A_311 = arith.index_cast %scan3A_188 : i32 to index
              %get3A_312 = arith.constant 304 : index
              %get3A_313 = tpu.vector_load %arg13[%get3A_311, %get3A_312] {strides = array<i32>} : memref<16x512xf32, #tpu.memory_space<vmem>>, vector<16xf32>,
              %swap3A_314 = arith.index_cast %reduce_sum3A_196 : i32 to index
              %swap3A_315 = arith.constant 304 : index
              %swap3A_316 = tpu.vector_load %arg16[%swap3A_314, %swap3A_315] {strides = array<i32>} : memref<144x512xf32, #tpu.memory_space<vmem>>, vector<16xf32>,
              tpu.vector_store %arg16[%swap3A_314, %swap3A_315], %get3A_313 {add = true, strides = array<i32>} : memref<144x512xf32, #tpu.memory_space<vmem>>, vector<16xf32>,
              %get3A_317 = arith.index_cast %scan3A_188 : i32 to index
              %get3A_318 = arith.constant 320 : index
              %get3A_319 = tpu.vector_load %arg13[%get3A_317, %get3A_318] {strides = array<i32>} : memref<16x512xf32, #tpu.memory_space<vmem>>, vector<16xf32>,
              %swap3A_320 = arith.index_cast %reduce_sum3A_196 : i32 to index
              %swap3A_321 = arith.constant 320 : index
              %swap3A_322 = tpu.vector_load %arg16[%swap3A_320, %swap3A_321] {strides = array<i32>} : memref<144x512xf32, #tpu.memory_space<vmem>>, vector<16xf32>,
              tpu.vector_store %arg16[%swap3A_320, %swap3A_321], %get3A_319 {add = true, strides = array<i32>} : memref<144x512xf32, #tpu.memory_space<vmem>>, vector<16xf32>,
              %get3A_323 = arith.index_cast %scan3A_188 : i32 to index
              %get3A_324 = arith.constant 336 : index
              %get3A_325 = tpu.vector_load %arg13[%get3A_323, %get3A_324] {strides = array<i32>} : memref<16x512xf32, #tpu.memory_space<vmem>>, vector<16xf32>,
              %swap3A_326 = arith.index_cast %reduce_sum3A_196 : i32 to index
              %swap3A_327 = arith.constant 336 : index
              %swap3A_328 = tpu.vector_load %arg16[%swap3A_326, %swap3A_327] {strides = array<i32>} : memref<144x512xf32, #tpu.memory_space<vmem>>, vector<16xf32>,
              tpu.vector_store %arg16[%swap3A_326, %swap3A_327], %get3A_325 {add = true, strides = array<i32>} : memref<144x512xf32, #tpu.memory_space<vmem>>, vector<16xf32>,
              %get3A_329 = arith.index_cast %scan3A_188 : i32 to index
              %get3A_330 = arith.constant 352 : index
              %get3A_331 = tpu.vector_load %arg13[%get3A_329, %get3A_330] {strides = array<i32>} : memref<16x512xf32, #tpu.memory_space<vmem>>, vector<16xf32>,
              %swap3A_332 = arith.index_cast %reduce_sum3A_196 : i32 to index
              %swap3A_333 = arith.constant 352 : index
              %swap3A_334 = tpu.vector_load %arg16[%swap3A_332, %swap3A_333] {strides = array<i32>} : memref<144x512xf32, #tpu.memory_space<vmem>>, vector<16xf32>,
              tpu.vector_store %arg16[%swap3A_332, %swap3A_333], %get3A_331 {add = true, strides = array<i32>} : memref<144x512xf32, #tpu.memory_space<vmem>>, vector<16xf32>,
              %get3A_335 = arith.index_cast %scan3A_188 : i32 to index
              %get3A_336 = arith.constant 368 : index
              %get3A_337 = tpu.vector_load %arg13[%get3A_335, %get3A_336] {strides = array<i32>} : memref<16x512xf32, #tpu.memory_space<vmem>>, vector<16xf32>,
              %swap3A_338 = arith.index_cast %reduce_sum3A_196 : i32 to index
              %swap3A_339 = arith.constant 368 : index
              %swap3A_340 = tpu.vector_load %arg16[%swap3A_338, %swap3A_339] {strides = array<i32>} : memref<144x512xf32, #tpu.memory_space<vmem>>, vector<16xf32>,
              tpu.vector_store %arg16[%swap3A_338, %swap3A_339], %get3A_337 {add = true, strides = array<i32>} : memref<144x512xf32, #tpu.memory_space<vmem>>, vector<16xf32>,
              %get3A_341 = arith.index_cast %scan3A_188 : i32 to index
              %get3A_342 = arith.constant 384 : index
              %get3A_343 = tpu.vector_load %arg13[%get3A_341, %get3A_342] {strides = array<i32>} : memref<16x512xf32, #tpu.memory_space<vmem>>, vector<16xf32>,
              %swap3A_344 = arith.index_cast %reduce_sum3A_196 : i32 to index
              %swap3A_345 = arith.constant 384 : index
              %swap3A_346 = tpu.vector_load %arg16[%swap3A_344, %swap3A_345] {strides = array<i32>} : memref<144x512xf32, #tpu.memory_space<vmem>>, vector<16xf32>,
              tpu.vector_store %arg16[%swap3A_344, %swap3A_345], %get3A_343 {add = true, strides = array<i32>} : memref<144x512xf32, #tpu.memory_space<vmem>>, vector<16xf32>,
              %get3A_347 = arith.index_cast %scan3A_188 : i32 to index
              %get3A_348 = arith.constant 400 : index
              %get3A_349 = tpu.vector_load %arg13[%get3A_347, %get3A_348] {strides = array<i32>} : memref<16x512xf32, #tpu.memory_space<vmem>>, vector<16xf32>,
              %swap3A_350 = arith.index_cast %reduce_sum3A_196 : i32 to index
              %swap3A_351 = arith.constant 400 : index
              %swap3A_352 = tpu.vector_load %arg16[%swap3A_350, %swap3A_351] {strides = array<i32>} : memref<144x512xf32, #tpu.memory_space<vmem>>, vector<16xf32>,
              tpu.vector_store %arg16[%swap3A_350, %swap3A_351], %get3A_349 {add = true, strides = array<i32>} : memref<144x512xf32, #tpu.memory_space<vmem>>, vector<16xf32>,
              %get3A_353 = arith.index_cast %scan3A_188 : i32 to index
              %get3A_354 = arith.constant 416 : index
              %get3A_355 = tpu.vector_load %arg13[%get3A_353, %get3A_354] {strides = array<i32>} : memref<16x512xf32, #tpu.memory_space<vmem>>, vector<16xf32>,
              %swap3A_356 = arith.index_cast %reduce_sum3A_196 : i32 to index
              %swap3A_357 = arith.constant 416 : index
              %swap3A_358 = tpu.vector_load %arg16[%swap3A_356, %swap3A_357] {strides = array<i32>} : memref<144x512xf32, #tpu.memory_space<vmem>>, vector<16xf32>,
              tpu.vector_store %arg16[%swap3A_356, %swap3A_357], %get3A_355 {add = true, strides = array<i32>} : memref<144x512xf32, #tpu.memory_space<vmem>>, vector<16xf32>,
              %get3A_359 = arith.index_cast %scan3A_188 : i32 to index
              %get3A_360 = arith.constant 432 : index
              %get3A_361 = tpu.vector_load %arg13[%get3A_359, %get3A_360] {strides = array<i32>} : memref<16x512xf32, #tpu.memory_space<vmem>>, vector<16xf32>,
              %swap3A_362 = arith.index_cast %reduce_sum3A_196 : i32 to index
              %swap3A_363 = arith.constant 432 : index
              %swap3A_364 = tpu.vector_load %arg16[%swap3A_362, %swap3A_363] {strides = array<i32>} : memref<144x512xf32, #tpu.memory_space<vmem>>, vector<16xf32>,
              tpu.vector_store %arg16[%swap3A_362, %swap3A_363], %get3A_361 {add = true, strides = array<i32>} : memref<144x512xf32, #tpu.memory_space<vmem>>, vector<16xf32>,
              %get3A_365 = arith.index_cast %scan3A_188 : i32 to index
              %get3A_366 = arith.constant 448 : index
              %get3A_367 = tpu.vector_load %arg13[%get3A_365, %get3A_366] {strides = array<i32>} : memref<16x512xf32, #tpu.memory_space<vmem>>, vector<16xf32>,
              %swap3A_368 = arith.index_cast %reduce_sum3A_196 : i32 to index
              %swap3A_369 = arith.constant 448 : index
              %swap3A_370 = tpu.vector_load %arg16[%swap3A_368, %swap3A_369] {strides = array<i32>} : memref<144x512xf32, #tpu.memory_space<vmem>>, vector<16xf32>,
              tpu.vector_store %arg16[%swap3A_368, %swap3A_369], %get3A_367 {add = true, strides = array<i32>} : memref<144x512xf32, #tpu.memory_space<vmem>>, vector<16xf32>,
              %get3A_371 = arith.index_cast %scan3A_188 : i32 to index
              %get3A_372 = arith.constant 464 : index
              %get3A_373 = tpu.vector_load %arg13[%get3A_371, %get3A_372] {strides = array<i32>} : memref<16x512xf32, #tpu.memory_space<vmem>>, vector<16xf32>,
              %swap3A_374 = arith.index_cast %reduce_sum3A_196 : i32 to index
              %swap3A_375 = arith.constant 464 : index
              %swap3A_376 = tpu.vector_load %arg16[%swap3A_374, %swap3A_375] {strides = array<i32>} : memref<144x512xf32, #tpu.memory_space<vmem>>, vector<16xf32>,
              tpu.vector_store %arg16[%swap3A_374, %swap3A_375], %get3A_373 {add = true, strides = array<i32>} : memref<144x512xf32, #tpu.memory_space<vmem>>, vector<16xf32>,
              %get3A_377 = arith.index_cast %scan3A_188 : i32 to index
              %get3A_378 = arith.constant 480 : index
              %get3A_379 = tpu.vector_load %arg13[%get3A_377, %get3A_378] {strides = array<i32>} : memref<16x512xf32, #tpu.memory_space<vmem>>, vector<16xf32>,
              %swap3A_380 = arith.index_cast %reduce_sum3A_196 : i32 to index
              %swap3A_381 = arith.constant 480 : index
              %swap3A_382 = tpu.vector_load %arg16[%swap3A_380, %swap3A_381] {strides = array<i32>} : memref<144x512xf32, #tpu.memory_space<vmem>>, vector<16xf32>,
              tpu.vector_store %arg16[%swap3A_380, %swap3A_381], %get3A_379 {add = true, strides = array<i32>} : memref<144x512xf32, #tpu.memory_space<vmem>>, vector<16xf32>,
              %get3A_383 = arith.index_cast %scan3A_188 : i32 to index
              %get3A_384 = arith.constant 496 : index
              %get3A_385 = tpu.vector_load %arg13[%get3A_383, %get3A_384] {strides = array<i32>} : memref<16x512xf32, #tpu.memory_space<vmem>>, vector<16xf32>,
              %swap3A_386 = arith.index_cast %reduce_sum3A_196 : i32 to index
              %swap3A_387 = arith.constant 496 : index
              %swap3A_388 = tpu.vector_load %arg16[%swap3A_386, %swap3A_387] {strides = array<i32>} : memref<144x512xf32, #tpu.memory_space<vmem>>, vector<16xf32>,
              tpu.vector_store %arg16[%swap3A_386, %swap3A_387], %get3A_385 {add = true, strides = array<i32>} : memref<144x512xf32, #tpu.memory_space<vmem>>, vector<16xf32>,
              %get3A_389 = arith.constant 0 : i32
              %get3A_390 = arith.index_cast %get3A_389 : i32 to index
              %get3A_391 = arith.constant 0 : index
              %get3A_392 = tpu.vector_load %arg15[%get3A_390, %get3A_391] {strides = array<i32>} : memref<16x16xf32, #tpu.memory_space<vmem>>, vector<16xf32>,
              %swap3A_393 = arith.index_cast %reduce_sum3A_196 : i32 to index
              %swap3A_394 = arith.constant 0 : index
              %swap3A_395 = tpu.vector_load %arg17[%swap3A_393, %swap3A_394] {strides = array<i32>} : memref<144x16xf32, #tpu.memory_space<vmem>>, vector<16xf32>,
              tpu.vector_store %arg17[%swap3A_393, %swap3A_394], %get3A_392 {add = true, strides = array<i32>} : memref<144x16xf32, #tpu.memory_space<vmem>>, vector<16xf32>,
            }
            %scan3A_187 = arith.constant 16 : i32
          }
        } else {
        }
        %jit3A = arith.constant 0 : i32
        %select_n3A = arith.select %and3A_90, %jit3A, %scan3A_75 : i32
        %add3A_94 = arith.constant 256 : i32
        %add3A_95 = arith.addi %reduce_max3A_84, %add3A_94 : i32
        %sub3A = arith.constant 1 : i32
        %sub3A_96 = arith.subi %add3A_95, %sub3A : i32
        %jit3A_97 = arith.constant 256 : i32
        %div3A = arith.divsi %sub3A_96, %jit3A_97 : i32
        %sign3A = arith.constant 0 : i32
        %sign3A_98 = arith.cmpi sgt, %sub3A_96, %sign3A : i32
        %sign3A_99 = arith.extui %sign3A_98 : i1 to i32
        %sign3A_100 = arith.constant 0 : i32
        %sign3A_101 = arith.cmpi slt, %sub3A_96, %sign3A_100 : i32
        %sign3A_102 = arith.extui %sign3A_101 : i1 to i32
        %sign3A_103 = arith.subi %sign3A_99, %sign3A_102 : i32
        %sign3A_104 = arith.constant 0 : i32
        %sign3A_105 = arith.cmpi sgt, %jit3A_97, %sign3A_104 : i32
        %sign3A_106 = arith.extui %sign3A_105 : i1 to i32
        %sign3A_107 = arith.constant 0 : i32
        %sign3A_108 = arith.cmpi slt, %jit3A_97, %sign3A_107 : i32
        %sign3A_109 = arith.extui %sign3A_108 : i1 to i32
        %sign3A_110 = arith.subi %sign3A_106, %sign3A_109 : i32
        %ne3A = arith.cmpi ne, %sign3A_103, %sign3A_110 : i32
        %rem3A = arith.remsi %sub3A_96, %jit3A_97 : i32
        %ne3A_111 = arith.constant 0 : i32
        %ne3A_112 = arith.cmpi ne, %rem3A, %ne3A_111 : i32
        %and3A_113 = arith.andi %ne3A, %ne3A_112 : i1
        %sub3A_114 = arith.constant 1 : i32
        %sub3A_115 = arith.subi %div3A, %sub3A_114 : i32
        %select_n3A_116 = arith.select %and3A_113, %sub3A_115, %div3A : i32
        %while3A = arith.constant 0 : i32
        %while3A_117 = arith.subi %select_n3A_116, %while3A : i32
        %while3A_118 = arith.addi %while3A, %while3A_117 : i32
        %while3A_119 = arith.constant 1 : i32
        %while3A_120 = arith.divsi %while3A_117, %while3A_119 : i32
        %while3A_121 = arith.muli %while3A_120, %while3A_119 : i32
        %while3A_122 = arith.addi %while3A, %while3A_121 : i32
        %while3A_123 = arith.constant 1 : i32
        %while3A_124 = scf.for %while3A_127 = %while3A to %while3A_122 step %while3A_123 iter_args(%while3A_128 = %select_n3A) -> (i32)  : i32 {
          %mul3A_129 = arith.constant 256 : i32
          %mul3A_130 = arith.muli %while3A_127, %mul3A_129 : i32
          "tpu.region"() ({
            %run_scoped3A = tpu.sem_alloc : memref<!tpu.dma_semaphore, #tpu.memory_space<semaphore_mem>>
            %dma_start3A = tpu.memref_slice %arg18[%scan3A_74, %mul3A_130] : memref<16x4096xi32, #tpu.memory_space<vmem_shared>> -> memref<1x256xi32, #tpu.memory_space<vmem_shared>>
            %dma_start3A_139 = tpu.memref_squeeze %dma_start3A : memref<1x256xi32, #tpu.memory_space<vmem_shared>> -> memref<256xi32, #tpu.memory_space<vmem_shared>>
            %dma_start3A_140 = tpu.memref_slice %arg18[%scan3A_74, %mul3A_130] : memref<16x4096xi32, #tpu.memory_space<vmem_shared>> -> memref<1x256xi32, #tpu.memory_space<vmem_shared>>
            %dma_start3A_141 = tpu.memref_squeeze %dma_start3A_140 : memref<1x256xi32, #tpu.memory_space<vmem_shared>> -> memref<256xi32, #tpu.memory_space<vmem_shared>>
            tpu.enqueue_dma source(%dma_start3A_141 : memref<256xi32, #tpu.memory_space<vmem_shared>>) target(%arg9 : memref<256xi32, #tpu.memory_space<vmem>>) target_semaphore(%run_scoped3A : memref<!tpu.dma_semaphore, #tpu.memory_space<semaphore_mem>>)
            %dma_wait3A = tpu.memref_slice %arg18[%scan3A_74, %mul3A_130] : memref<16x4096xi32, #tpu.memory_space<vmem_shared>> -> memref<1x256xi32, #tpu.memory_space<vmem_shared>>
            %dma_wait3A_142 = tpu.memref_squeeze %dma_wait3A : memref<1x256xi32, #tpu.memory_space<vmem_shared>> -> memref<256xi32, #tpu.memory_space<vmem_shared>>
            %dma_wait3A_143 = tpu.memref_slice %arg18[%scan3A_74, %mul3A_130] : memref<16x4096xi32, #tpu.memory_space<vmem_shared>> -> memref<1x256xi32, #tpu.memory_space<vmem_shared>>
            %dma_wait3A_144 = tpu.memref_squeeze %dma_wait3A_143 : memref<1x256xi32, #tpu.memory_space<vmem_shared>> -> memref<256xi32, #tpu.memory_space<vmem_shared>>
            tpu.wait_dma2 semaphore(%run_scoped3A : memref<!tpu.dma_semaphore, #tpu.memory_space<semaphore_mem>>) src(%dma_wait3A_144 : memref<256xi32, #tpu.memory_space<vmem_shared>>) dst(%arg9 : memref<256xi32, #tpu.memory_space<vmem>>)
            tpu.yield
          }) : () -> ()
          %mul3A_131 = arith.constant 256 : i32
          %mul3A_132 = arith.muli %while3A_127, %mul3A_131 : i32
          "tpu.region"() ({
            %run_scoped3A = tpu.sem_alloc : memref<!tpu.dma_semaphore, #tpu.memory_space<semaphore_mem>>
            %dma_start3A = tpu.memref_slice %arg19[%scan3A_74, %mul3A_132] : memref<16x4096xi32, #tpu.memory_space<vmem_shared>> -> memref<1x256xi32, #tpu.memory_space<vmem_shared>>
            %dma_start3A_139 = tpu.memref_squeeze %dma_start3A : memref<1x256xi32, #tpu.memory_space<vmem_shared>> -> memref<256xi32, #tpu.memory_space<vmem_shared>>
            %dma_start3A_140 = tpu.memref_slice %arg19[%scan3A_74, %mul3A_132] : memref<16x4096xi32, #tpu.memory_space<vmem_shared>> -> memref<1x256xi32, #tpu.memory_space<vmem_shared>>
            %dma_start3A_141 = tpu.memref_squeeze %dma_start3A_140 : memref<1x256xi32, #tpu.memory_space<vmem_shared>> -> memref<256xi32, #tpu.memory_space<vmem_shared>>
            tpu.enqueue_dma source(%dma_start3A_141 : memref<256xi32, #tpu.memory_space<vmem_shared>>) target(%arg10 : memref<256xi32, #tpu.memory_space<vmem>>) target_semaphore(%run_scoped3A : memref<!tpu.dma_semaphore, #tpu.memory_space<semaphore_mem>>)
            %dma_wait3A = tpu.memref_slice %arg19[%scan3A_74, %mul3A_132] : memref<16x4096xi32, #tpu.memory_space<vmem_shared>> -> memref<1x256xi32, #tpu.memory_space<vmem_shared>>
            %dma_wait3A_142 = tpu.memref_squeeze %dma_wait3A : memref<1x256xi32, #tpu.memory_space<vmem_shared>> -> memref<256xi32, #tpu.memory_space<vmem_shared>>
            %dma_wait3A_143 = tpu.memref_slice %arg19[%scan3A_74, %mul3A_132] : memref<16x4096xi32, #tpu.memory_space<vmem_shared>> -> memref<1x256xi32, #tpu.memory_space<vmem_shared>>
            %dma_wait3A_144 = tpu.memref_squeeze %dma_wait3A_143 : memref<1x256xi32, #tpu.memory_space<vmem_shared>> -> memref<256xi32, #tpu.memory_space<vmem_shared>>
            tpu.wait_dma2 semaphore(%run_scoped3A : memref<!tpu.dma_semaphore, #tpu.memory_space<semaphore_mem>>) src(%dma_wait3A_144 : memref<256xi32, #tpu.memory_space<vmem_shared>>) dst(%arg10 : memref<256xi32, #tpu.memory_space<vmem>>)
            tpu.yield
          }) : () -> ()
          %scan3A_133 = arith.constant 0 : i32
          %scan3A_134 = arith.constant 16 : i32
          %scan3A_135 = arith.addi %scan3A_133, %scan3A_134 : i32
          %scan3A_136 = arith.constant 1 : i32
          %scan3A_137 = scf.for %scan3A_139 = %scan3A_133 to %scan3A_135 step %scan3A_136 iter_args(%scan3A_140 = %while3A_128) -> (i32)  : i32 {
            %mul3A_141 = arith.constant 256 : i32
            %mul3A_142 = arith.muli %while3A_127, %mul3A_141 : i32
            %mul3A_143 = arith.constant 16 : i32
            %mul3A_144 = arith.muli %scan3A_139, %mul3A_143 : i32
            %add3A_145 = arith.addi %mul3A_142, %mul3A_144 : i32
            %mul3A_146 = arith.constant 16 : i32
            %mul3A_147 = arith.muli %scan3A_139, %mul3A_146 : i32
            %get3A_148 = arith.index_cast %mul3A_147 : i32 to index
            %get3A_149 = tpu.vector_load %arg9[%get3A_148] {strides = array<i32>} : memref<256xi32, #tpu.memory_space<vmem>>, vector<16xi32>,
            %mul3A_150 = arith.constant 16 : i32
            %mul3A_151 = arith.muli %scan3A_139, %mul3A_150 : i32
            %get3A_152 = arith.index_cast %mul3A_151 : i32 to index
            %get3A_153 = tpu.vector_load %arg10[%get3A_152] {strides = array<i32>} : memref<256xi32, #tpu.memory_space<vmem>>, vector<16xi32>,
            %sub3A_154 = vector.broadcast %mul3A_44 : i32 to vector<16xi32>
            %sub3A_155 = arith.subi %get3A_153, %sub3A_154 : vector<16xi32>
            %add3A_156 = vector.broadcast %add3A_145 : i32 to vector<16xi32>
            %add3A_157 = arith.addi %add3A_156, %iota3A : vector<16xi32>
            %lt3A_158 = vector.broadcast %reduce_max3A_84 : i32 to vector<16xi32>
            %lt3A_159 = arith.cmpi slt, %add3A_157, %lt3A_158 : vector<16xi32>
            %ge3A = arith.constant 0 : i32
            %ge3A_160 = vector.broadcast %ge3A : i32 to vector<16xi32>
            %ge3A_161 = arith.cmpi sge, %sub3A_155, %ge3A_160 : vector<16xi32>
            %and3A_162 = arith.andi %lt3A_159, %ge3A_161 : vector<16xi1>
            %lt3A_163 = arith.constant 128 : i32
            %lt3A_164 = vector.broadcast %lt3A_163 : i32 to vector<16xi32>
            %lt3A_165 = arith.cmpi slt, %sub3A_155, %lt3A_164 : vector<16xi32>
            %and3A_166 = arith.andi %and3A_162, %lt3A_165 : vector<16xi1>
            %convert_element_type3A_167 = arith.extui %and3A_166 : vector<16xi1> to vector<16xi32>
            %broadcast_in_dim3A_168 = arith.constant true
            %broadcast_in_dim3A_169 = vector.broadcast %broadcast_in_dim3A_168 : i1 to vector<16xi1>
            %masked_cumsum3A = tpu.scan <sum>, %convert_element_type3A_167 masked %broadcast_in_dim3A_169 : vector<16xi32>, vector<16xi1> -> vector<16xi32>
            %add3A_170 = vector.broadcast %scan3A_140 : i32 to vector<16xi32>
            %add3A_171 = arith.addi %add3A_170, %masked_cumsum3A : vector<16xi32>
            %sub3A_172 = arith.constant 1 : i32
            %sub3A_173 = vector.broadcast %sub3A_172 : i32 to vector<16xi32>
            %sub3A_174 = arith.subi %add3A_171, %sub3A_173 : vector<16xi32>
            %add3A_175 = arith.constant 4080 : i32
            %add3A_176 = vector.broadcast %add3A_175 : i32 to vector<16xi32>
            %add3A_177 = arith.addi %add3A_176, %iota3A : vector<16xi32>
            %select_n3A_178 = arith.select %and3A_166, %sub3A_174, %add3A_177 : vector<16xi1>, vector<16xi32>
            tpu.vector_store_idx %arg7[%select_n3A_178], %get3A_149 : memref<4096xi32, #tpu.memory_space<vmem>>[vector<16xi32>], vector<16xi32>,
            tpu.vector_store_idx %arg8[%select_n3A_178], %sub3A_155 : memref<4096xi32, #tpu.memory_space<vmem>>[vector<16xi32>], vector<16xi32>,
            %slice3A = vector.extract_strided_slice %masked_cumsum3A {offsets = [15], sizes = [1], strides = [1]} : vector<16xi32> to vector<1xi32>
            %squeeze3A = vector.extract %slice3A[0] : i32 from vector<1xi32>
            %add3A_179 = arith.addi %scan3A_140, %squeeze3A : i32
            scf.yield %add3A_179 : i32
          }
          %scan3A_138 = arith.constant 16 : i32
          scf.yield %scan3A_137 : i32
        }
        %while3A_125 = arith.constant 1 : i32
        %while3A_126 = scf.for %while3A_127 = %while3A_122 to %while3A_118 step %while3A_125 iter_args(%while3A_128 = %while3A_124) -> (i32)  : i32 {
          %mul3A_129 = arith.constant 256 : i32
          %mul3A_130 = arith.muli %while3A_127, %mul3A_129 : i32
          "tpu.region"() ({
            %run_scoped3A = tpu.sem_alloc : memref<!tpu.dma_semaphore, #tpu.memory_space<semaphore_mem>>
            %dma_start3A = tpu.memref_slice %arg18[%scan3A_74, %mul3A_130] : memref<16x4096xi32, #tpu.memory_space<vmem_shared>> -> memref<1x256xi32, #tpu.memory_space<vmem_shared>>
            %dma_start3A_139 = tpu.memref_squeeze %dma_start3A : memref<1x256xi32, #tpu.memory_space<vmem_shared>> -> memref<256xi32, #tpu.memory_space<vmem_shared>>
            %dma_start3A_140 = tpu.memref_slice %arg18[%scan3A_74, %mul3A_130] : memref<16x4096xi32, #tpu.memory_space<vmem_shared>> -> memref<1x256xi32, #tpu.memory_space<vmem_shared>>
            %dma_start3A_141 = tpu.memref_squeeze %dma_start3A_140 : memref<1x256xi32, #tpu.memory_space<vmem_shared>> -> memref<256xi32, #tpu.memory_space<vmem_shared>>
            tpu.enqueue_dma source(%dma_start3A_141 : memref<256xi32, #tpu.memory_space<vmem_shared>>) target(%arg9 : memref<256xi32, #tpu.memory_space<vmem>>) target_semaphore(%run_scoped3A : memref<!tpu.dma_semaphore, #tpu.memory_space<semaphore_mem>>)
            %dma_wait3A = tpu.memref_slice %arg18[%scan3A_74, %mul3A_130] : memref<16x4096xi32, #tpu.memory_space<vmem_shared>> -> memref<1x256xi32, #tpu.memory_space<vmem_shared>>
            %dma_wait3A_142 = tpu.memref_squeeze %dma_wait3A : memref<1x256xi32, #tpu.memory_space<vmem_shared>> -> memref<256xi32, #tpu.memory_space<vmem_shared>>
            %dma_wait3A_143 = tpu.memref_slice %arg18[%scan3A_74, %mul3A_130] : memref<16x4096xi32, #tpu.memory_space<vmem_shared>> -> memref<1x256xi32, #tpu.memory_space<vmem_shared>>
            %dma_wait3A_144 = tpu.memref_squeeze %dma_wait3A_143 : memref<1x256xi32, #tpu.memory_space<vmem_shared>> -> memref<256xi32, #tpu.memory_space<vmem_shared>>
            tpu.wait_dma2 semaphore(%run_scoped3A : memref<!tpu.dma_semaphore, #tpu.memory_space<semaphore_mem>>) src(%dma_wait3A_144 : memref<256xi32, #tpu.memory_space<vmem_shared>>) dst(%arg9 : memref<256xi32, #tpu.memory_space<vmem>>)
            tpu.yield
          }) : () -> ()
          %mul3A_131 = arith.constant 256 : i32
          %mul3A_132 = arith.muli %while3A_127, %mul3A_131 : i32
          "tpu.region"() ({
            %run_scoped3A = tpu.sem_alloc : memref<!tpu.dma_semaphore, #tpu.memory_space<semaphore_mem>>
            %dma_start3A = tpu.memref_slice %arg19[%scan3A_74, %mul3A_132] : memref<16x4096xi32, #tpu.memory_space<vmem_shared>> -> memref<1x256xi32, #tpu.memory_space<vmem_shared>>
            %dma_start3A_139 = tpu.memref_squeeze %dma_start3A : memref<1x256xi32, #tpu.memory_space<vmem_shared>> -> memref<256xi32, #tpu.memory_space<vmem_shared>>
            %dma_start3A_140 = tpu.memref_slice %arg19[%scan3A_74, %mul3A_132] : memref<16x4096xi32, #tpu.memory_space<vmem_shared>> -> memref<1x256xi32, #tpu.memory_space<vmem_shared>>
            %dma_start3A_141 = tpu.memref_squeeze %dma_start3A_140 : memref<1x256xi32, #tpu.memory_space<vmem_shared>> -> memref<256xi32, #tpu.memory_space<vmem_shared>>
            tpu.enqueue_dma source(%dma_start3A_141 : memref<256xi32, #tpu.memory_space<vmem_shared>>) target(%arg10 : memref<256xi32, #tpu.memory_space<vmem>>) target_semaphore(%run_scoped3A : memref<!tpu.dma_semaphore, #tpu.memory_space<semaphore_mem>>)
            %dma_wait3A = tpu.memref_slice %arg19[%scan3A_74, %mul3A_132] : memref<16x4096xi32, #tpu.memory_space<vmem_shared>> -> memref<1x256xi32, #tpu.memory_space<vmem_shared>>
            %dma_wait3A_142 = tpu.memref_squeeze %dma_wait3A : memref<1x256xi32, #tpu.memory_space<vmem_shared>> -> memref<256xi32, #tpu.memory_space<vmem_shared>>
            %dma_wait3A_143 = tpu.memref_slice %arg19[%scan3A_74, %mul3A_132] : memref<16x4096xi32, #tpu.memory_space<vmem_shared>> -> memref<1x256xi32, #tpu.memory_space<vmem_shared>>
            %dma_wait3A_144 = tpu.memref_squeeze %dma_wait3A_143 : memref<1x256xi32, #tpu.memory_space<vmem_shared>> -> memref<256xi32, #tpu.memory_space<vmem_shared>>
            tpu.wait_dma2 semaphore(%run_scoped3A : memref<!tpu.dma_semaphore, #tpu.memory_space<semaphore_mem>>) src(%dma_wait3A_144 : memref<256xi32, #tpu.memory_space<vmem_shared>>) dst(%arg10 : memref<256xi32, #tpu.memory_space<vmem>>)
            tpu.yield
          }) : () -> ()
          %scan3A_133 = arith.constant 0 : i32
          %scan3A_134 = arith.constant 16 : i32
          %scan3A_135 = arith.addi %scan3A_133, %scan3A_134 : i32
          %scan3A_136 = arith.constant 1 : i32
          %scan3A_137 = scf.for %scan3A_139 = %scan3A_133 to %scan3A_135 step %scan3A_136 iter_args(%scan3A_140 = %while3A_128) -> (i32)  : i32 {
            %mul3A_141 = arith.constant 256 : i32
            %mul3A_142 = arith.muli %while3A_127, %mul3A_141 : i32
            %mul3A_143 = arith.constant 16 : i32
            %mul3A_144 = arith.muli %scan3A_139, %mul3A_143 : i32
            %add3A_145 = arith.addi %mul3A_142, %mul3A_144 : i32
            %mul3A_146 = arith.constant 16 : i32
            %mul3A_147 = arith.muli %scan3A_139, %mul3A_146 : i32
            %get3A_148 = arith.index_cast %mul3A_147 : i32 to index
            %get3A_149 = tpu.vector_load %arg9[%get3A_148] {strides = array<i32>} : memref<256xi32, #tpu.memory_space<vmem>>, vector<16xi32>,
            %mul3A_150 = arith.constant 16 : i32
            %mul3A_151 = arith.muli %scan3A_139, %mul3A_150 : i32
            %get3A_152 = arith.index_cast %mul3A_151 : i32 to index
            %get3A_153 = tpu.vector_load %arg10[%get3A_152] {strides = array<i32>} : memref<256xi32, #tpu.memory_space<vmem>>, vector<16xi32>,
            %sub3A_154 = vector.broadcast %mul3A_44 : i32 to vector<16xi32>
            %sub3A_155 = arith.subi %get3A_153, %sub3A_154 : vector<16xi32>
            %add3A_156 = vector.broadcast %add3A_145 : i32 to vector<16xi32>
            %add3A_157 = arith.addi %add3A_156, %iota3A : vector<16xi32>
            %lt3A_158 = vector.broadcast %reduce_max3A_84 : i32 to vector<16xi32>
            %lt3A_159 = arith.cmpi slt, %add3A_157, %lt3A_158 : vector<16xi32>
            %ge3A = arith.constant 0 : i32
            %ge3A_160 = vector.broadcast %ge3A : i32 to vector<16xi32>
            %ge3A_161 = arith.cmpi sge, %sub3A_155, %ge3A_160 : vector<16xi32>
            %and3A_162 = arith.andi %lt3A_159, %ge3A_161 : vector<16xi1>
            %lt3A_163 = arith.constant 128 : i32
            %lt3A_164 = vector.broadcast %lt3A_163 : i32 to vector<16xi32>
            %lt3A_165 = arith.cmpi slt, %sub3A_155, %lt3A_164 : vector<16xi32>
            %and3A_166 = arith.andi %and3A_162, %lt3A_165 : vector<16xi1>
            %convert_element_type3A_167 = arith.extui %and3A_166 : vector<16xi1> to vector<16xi32>
            %broadcast_in_dim3A_168 = arith.constant true
            %broadcast_in_dim3A_169 = vector.broadcast %broadcast_in_dim3A_168 : i1 to vector<16xi1>
            %masked_cumsum3A = tpu.scan <sum>, %convert_element_type3A_167 masked %broadcast_in_dim3A_169 : vector<16xi32>, vector<16xi1> -> vector<16xi32>
            %add3A_170 = vector.broadcast %scan3A_140 : i32 to vector<16xi32>
            %add3A_171 = arith.addi %add3A_170, %masked_cumsum3A : vector<16xi32>
            %sub3A_172 = arith.constant 1 : i32
            %sub3A_173 = vector.broadcast %sub3A_172 : i32 to vector<16xi32>
            %sub3A_174 = arith.subi %add3A_171, %sub3A_173 : vector<16xi32>
            %add3A_175 = arith.constant 4080 : i32
            %add3A_176 = vector.broadcast %add3A_175 : i32 to vector<16xi32>
            %add3A_177 = arith.addi %add3A_176, %iota3A : vector<16xi32>
            %select_n3A_178 = arith.select %and3A_166, %sub3A_174, %add3A_177 : vector<16xi1>, vector<16xi32>
            tpu.vector_store_idx %arg7[%select_n3A_178], %get3A_149 : memref<4096xi32, #tpu.memory_space<vmem>>[vector<16xi32>], vector<16xi32>,
            tpu.vector_store_idx %arg8[%select_n3A_178], %sub3A_155 : memref<4096xi32, #tpu.memory_space<vmem>>[vector<16xi32>], vector<16xi32>,
            %slice3A = vector.extract_strided_slice %masked_cumsum3A {offsets = [15], sizes = [1], strides = [1]} : vector<16xi32> to vector<1xi32>
            %squeeze3A = vector.extract %slice3A[0] : i32 from vector<1xi32>
            %add3A_179 = arith.addi %scan3A_140, %squeeze3A : i32
            scf.yield %add3A_179 : i32
          }
          %scan3A_138 = arith.constant 16 : i32
          scf.yield %scan3A_137 : i32
        }
        scf.yield %while3A_126 : i32
      }
      %scan3A_51 = arith.constant 16 : i32
      %gt3A = arith.constant 0 : i32
      %gt3A_52 = arith.cmpi sgt, %scan3A_50, %gt3A : i32
      %convert_element_type3A_53 = arith.extui %gt3A_52 : i1 to i32
      %cond3A_54 = arith.constant 0 : i32
      %cond3A_55 = arith.cmpi ne, %convert_element_type3A_53, %cond3A_54 : i32
      scf.if %cond3A_55 {
        %broadcast_in_dim3A_74 = arith.constant 0 : i32
        %broadcast_in_dim3A_75 = vector.broadcast %broadcast_in_dim3A_74 : i32 to vector<16xi32>
        %swap3A_76 = arith.index_cast %scan3A_50 : i32 to index
        %swap3A_77 = tpu.vector_load %arg7[%swap3A_76] {strides = array<i32>} : memref<4096xi32, #tpu.memory_space<vmem>>, vector<16xi32>,
        tpu.vector_store %arg7[%swap3A_76], %broadcast_in_dim3A_75 {strides = array<i32>} : memref<4096xi32, #tpu.memory_space<vmem>>, vector<16xi32>,
        %broadcast_in_dim3A_78 = arith.constant 128 : i32
        %broadcast_in_dim3A_79 = vector.broadcast %broadcast_in_dim3A_78 : i32 to vector<16xi32>
        %swap3A_80 = arith.index_cast %scan3A_50 : i32 to index
        %swap3A_81 = tpu.vector_load %arg8[%swap3A_80] {strides = array<i32>} : memref<4096xi32, #tpu.memory_space<vmem>>, vector<16xi32>,
        tpu.vector_store %arg8[%swap3A_80], %broadcast_in_dim3A_79 {strides = array<i32>} : memref<4096xi32, #tpu.memory_space<vmem>>, vector<16xi32>,
        %add3A_82 = arith.constant 15 : i32
        %add3A_83 = arith.addi %scan3A_50, %add3A_82 : i32
        %jit3A = arith.constant 16 : i32
        %div3A = arith.divsi %add3A_83, %jit3A : i32
        %sign3A = arith.constant 0 : i32
        %sign3A_84 = arith.cmpi sgt, %add3A_83, %sign3A : i32
        %sign3A_85 = arith.extui %sign3A_84 : i1 to i32
        %sign3A_86 = arith.constant 0 : i32
        %sign3A_87 = arith.cmpi slt, %add3A_83, %sign3A_86 : i32
        %sign3A_88 = arith.extui %sign3A_87 : i1 to i32
        %sign3A_89 = arith.subi %sign3A_85, %sign3A_88 : i32
        %sign3A_90 = arith.constant 0 : i32
        %sign3A_91 = arith.cmpi sgt, %jit3A, %sign3A_90 : i32
        %sign3A_92 = arith.extui %sign3A_91 : i1 to i32
        %sign3A_93 = arith.constant 0 : i32
        %sign3A_94 = arith.cmpi slt, %jit3A, %sign3A_93 : i32
        %sign3A_95 = arith.extui %sign3A_94 : i1 to i32
        %sign3A_96 = arith.subi %sign3A_92, %sign3A_95 : i32
        %ne3A = arith.cmpi ne, %sign3A_89, %sign3A_96 : i32
        %rem3A = arith.remsi %add3A_83, %jit3A : i32
        %ne3A_97 = arith.constant 0 : i32
        %ne3A_98 = arith.cmpi ne, %rem3A, %ne3A_97 : i32
        %and3A_99 = arith.andi %ne3A, %ne3A_98 : i1
        %sub3A = arith.constant 1 : i32
        %sub3A_100 = arith.subi %div3A, %sub3A : i32
        %select_n3A = arith.select %and3A_99, %sub3A_100, %div3A : i32
        %while3A = arith.constant 0 : i32
        %while3A_101 = arith.subi %select_n3A, %while3A : i32
        %while3A_102 = arith.addi %while3A, %while3A_101 : i32
        %while3A_103 = arith.constant 1 : i32
        %while3A_104 = arith.divsi %while3A_101, %while3A_103 : i32
        %while3A_105 = arith.muli %while3A_104, %while3A_103 : i32
        %while3A_106 = arith.addi %while3A, %while3A_105 : i32
        %while3A_107 = arith.constant 1 : i32
        scf.for %while3A_109 = %while3A to %while3A_106 step %while3A_107  : i32 {
          %mul3A_110 = arith.constant 16 : i32
          %mul3A_111 = arith.muli %while3A_109, %mul3A_110 : i32
          %get3A = arith.index_cast %mul3A_111 : i32 to index
          %get3A_112 = tpu.vector_load %arg7[%get3A] {strides = array<i32>} : memref<4096xi32, #tpu.memory_space<vmem>>, vector<16xi32>,
          %dma_start3A = arith.constant 0 : i32
          %dma_start3A_113 = arith.constant 0 : i32
          %dma_start3A_114 = tpu.memref_slice %arg3[%dma_start3A, %dma_start3A_113] : memref<64000x512xf32, #tpu.memory_space<hbm>> -> memref<64000x512xf32, #tpu.memory_space<hbm>>
          tpu.enqueue_indirect_dma source(%dma_start3A_114 : memref<64000x512xf32, #tpu.memory_space<hbm>>) target(%arg13 : memref<16x512xf32, #tpu.memory_space<vmem>>) offsets(%get3A_112 : vector<16xi32>) semaphore(%arg23 : memref<!tpu.dma_semaphore, #tpu.memory_space<semaphore_mem>>)
          %dma_wait3A = arith.constant 0 : i32
          %dma_wait3A_115 = arith.constant 0 : i32
          %dma_wait3A_116 = tpu.memref_slice %arg3[%dma_wait3A, %dma_wait3A_115] : memref<64000x512xf32, #tpu.memory_space<hbm>> -> memref<64000x512xf32, #tpu.memory_space<hbm>>
          tpu.wait_indirect_dma semaphore(%arg23 : memref<!tpu.dma_semaphore, #tpu.memory_space<semaphore_mem>>) src(%dma_wait3A_116 : memref<64000x512xf32, #tpu.memory_space<hbm>>) dst(%arg13 : memref<16x512xf32, #tpu.memory_space<vmem>>)
          %mul3A_117 = arith.constant 16 : i32
          %mul3A_118 = arith.muli %while3A_109, %mul3A_117 : i32
          %get3A_119 = arith.index_cast %mul3A_118 : i32 to index
          %get3A_120 = tpu.vector_load %arg8[%get3A_119] {strides = array<i32>} : memref<4096xi32, #tpu.memory_space<vmem>>, vector<16xi32>,
          %scan3A_121 = arith.constant 0 : i32
          %scan3A_122 = arith.constant 16 : i32
          %scan3A_123 = arith.addi %scan3A_121, %scan3A_122 : i32
          %scan3A_124 = arith.constant 1 : i32
          scf.for %scan3A_126 = %scan3A_121 to %scan3A_123 step %scan3A_124  : i32 {
            %eq3A_127 = vector.broadcast %scan3A_126 : i32 to vector<16xi32>
            %eq3A_128 = arith.cmpi eq, %iota3A, %eq3A_127 : vector<16xi32>
            %jit3A_129 = arith.constant 0 : i32
            %broadcast_in_dim3A_130 = vector.broadcast %jit3A_129 : i32 to vector<16xi32>
            %select_n3A_131 = arith.select %eq3A_128, %get3A_120, %broadcast_in_dim3A_130 : vector<16xi1>, vector<16xi32>
            %reduce_sum3A = arith.constant true
            %reduce_sum3A_132 = vector.broadcast %reduce_sum3A : i1 to vector<16xi1>
            %reduce_sum3A_133 = tpu.scan <sum>, %select_n3A_131 masked %reduce_sum3A_132 : vector<16xi32>, vector<16xi1> -> vector<16xi32>
            %reduce_sum3A_134 = vector.extract %reduce_sum3A_133[15] : i32 from vector<16xi32>
            %get3A_135 = arith.index_cast %scan3A_126 : i32 to index
            %get3A_136 = arith.constant 0 : index
            %get3A_137 = tpu.vector_load %arg13[%get3A_135, %get3A_136] {strides = array<i32>} : memref<16x512xf32, #tpu.memory_space<vmem>>, vector<16xf32>,
            %swap3A_138 = arith.index_cast %reduce_sum3A_134 : i32 to index
            %swap3A_139 = arith.constant 0 : index
            %swap3A_140 = tpu.vector_load %arg16[%swap3A_138, %swap3A_139] {strides = array<i32>} : memref<144x512xf32, #tpu.memory_space<vmem>>, vector<16xf32>,
            tpu.vector_store %arg16[%swap3A_138, %swap3A_139], %get3A_137 {add = true, strides = array<i32>} : memref<144x512xf32, #tpu.memory_space<vmem>>, vector<16xf32>,
            %get3A_141 = arith.index_cast %scan3A_126 : i32 to index
            %get3A_142 = arith.constant 16 : index
            %get3A_143 = tpu.vector_load %arg13[%get3A_141, %get3A_142] {strides = array<i32>} : memref<16x512xf32, #tpu.memory_space<vmem>>, vector<16xf32>,
            %swap3A_144 = arith.index_cast %reduce_sum3A_134 : i32 to index
            %swap3A_145 = arith.constant 16 : index
            %swap3A_146 = tpu.vector_load %arg16[%swap3A_144, %swap3A_145] {strides = array<i32>} : memref<144x512xf32, #tpu.memory_space<vmem>>, vector<16xf32>,
            tpu.vector_store %arg16[%swap3A_144, %swap3A_145], %get3A_143 {add = true, strides = array<i32>} : memref<144x512xf32, #tpu.memory_space<vmem>>, vector<16xf32>,
            %get3A_147 = arith.index_cast %scan3A_126 : i32 to index
            %get3A_148 = arith.constant 32 : index
            %get3A_149 = tpu.vector_load %arg13[%get3A_147, %get3A_148] {strides = array<i32>} : memref<16x512xf32, #tpu.memory_space<vmem>>, vector<16xf32>,
            %swap3A_150 = arith.index_cast %reduce_sum3A_134 : i32 to index
            %swap3A_151 = arith.constant 32 : index
            %swap3A_152 = tpu.vector_load %arg16[%swap3A_150, %swap3A_151] {strides = array<i32>} : memref<144x512xf32, #tpu.memory_space<vmem>>, vector<16xf32>,
            tpu.vector_store %arg16[%swap3A_150, %swap3A_151], %get3A_149 {add = true, strides = array<i32>} : memref<144x512xf32, #tpu.memory_space<vmem>>, vector<16xf32>,
            %get3A_153 = arith.index_cast %scan3A_126 : i32 to index
            %get3A_154 = arith.constant 48 : index
            %get3A_155 = tpu.vector_load %arg13[%get3A_153, %get3A_154] {strides = array<i32>} : memref<16x512xf32, #tpu.memory_space<vmem>>, vector<16xf32>,
            %swap3A_156 = arith.index_cast %reduce_sum3A_134 : i32 to index
            %swap3A_157 = arith.constant 48 : index
            %swap3A_158 = tpu.vector_load %arg16[%swap3A_156, %swap3A_157] {strides = array<i32>} : memref<144x512xf32, #tpu.memory_space<vmem>>, vector<16xf32>,
            tpu.vector_store %arg16[%swap3A_156, %swap3A_157], %get3A_155 {add = true, strides = array<i32>} : memref<144x512xf32, #tpu.memory_space<vmem>>, vector<16xf32>,
            %get3A_159 = arith.index_cast %scan3A_126 : i32 to index
            %get3A_160 = arith.constant 64 : index
            %get3A_161 = tpu.vector_load %arg13[%get3A_159, %get3A_160] {strides = array<i32>} : memref<16x512xf32, #tpu.memory_space<vmem>>, vector<16xf32>,
            %swap3A_162 = arith.index_cast %reduce_sum3A_134 : i32 to index
            %swap3A_163 = arith.constant 64 : index
            %swap3A_164 = tpu.vector_load %arg16[%swap3A_162, %swap3A_163] {strides = array<i32>} : memref<144x512xf32, #tpu.memory_space<vmem>>, vector<16xf32>,
            tpu.vector_store %arg16[%swap3A_162, %swap3A_163], %get3A_161 {add = true, strides = array<i32>} : memref<144x512xf32, #tpu.memory_space<vmem>>, vector<16xf32>,
            %get3A_165 = arith.index_cast %scan3A_126 : i32 to index
            %get3A_166 = arith.constant 80 : index
            %get3A_167 = tpu.vector_load %arg13[%get3A_165, %get3A_166] {strides = array<i32>} : memref<16x512xf32, #tpu.memory_space<vmem>>, vector<16xf32>,
            %swap3A_168 = arith.index_cast %reduce_sum3A_134 : i32 to index
            %swap3A_169 = arith.constant 80 : index
            %swap3A_170 = tpu.vector_load %arg16[%swap3A_168, %swap3A_169] {strides = array<i32>} : memref<144x512xf32, #tpu.memory_space<vmem>>, vector<16xf32>,
            tpu.vector_store %arg16[%swap3A_168, %swap3A_169], %get3A_167 {add = true, strides = array<i32>} : memref<144x512xf32, #tpu.memory_space<vmem>>, vector<16xf32>,
            %get3A_171 = arith.index_cast %scan3A_126 : i32 to index
            %get3A_172 = arith.constant 96 : index
            %get3A_173 = tpu.vector_load %arg13[%get3A_171, %get3A_172] {strides = array<i32>} : memref<16x512xf32, #tpu.memory_space<vmem>>, vector<16xf32>,
            %swap3A_174 = arith.index_cast %reduce_sum3A_134 : i32 to index
            %swap3A_175 = arith.constant 96 : index
            %swap3A_176 = tpu.vector_load %arg16[%swap3A_174, %swap3A_175] {strides = array<i32>} : memref<144x512xf32, #tpu.memory_space<vmem>>, vector<16xf32>,
            tpu.vector_store %arg16[%swap3A_174, %swap3A_175], %get3A_173 {add = true, strides = array<i32>} : memref<144x512xf32, #tpu.memory_space<vmem>>, vector<16xf32>,
            %get3A_177 = arith.index_cast %scan3A_126 : i32 to index
            %get3A_178 = arith.constant 112 : index
            %get3A_179 = tpu.vector_load %arg13[%get3A_177, %get3A_178] {strides = array<i32>} : memref<16x512xf32, #tpu.memory_space<vmem>>, vector<16xf32>,
            %swap3A_180 = arith.index_cast %reduce_sum3A_134 : i32 to index
            %swap3A_181 = arith.constant 112 : index
            %swap3A_182 = tpu.vector_load %arg16[%swap3A_180, %swap3A_181] {strides = array<i32>} : memref<144x512xf32, #tpu.memory_space<vmem>>, vector<16xf32>,
            tpu.vector_store %arg16[%swap3A_180, %swap3A_181], %get3A_179 {add = true, strides = array<i32>} : memref<144x512xf32, #tpu.memory_space<vmem>>, vector<16xf32>,
            %get3A_183 = arith.index_cast %scan3A_126 : i32 to index
            %get3A_184 = arith.constant 128 : index
            %get3A_185 = tpu.vector_load %arg13[%get3A_183, %get3A_184] {strides = array<i32>} : memref<16x512xf32, #tpu.memory_space<vmem>>, vector<16xf32>,
            %swap3A_186 = arith.index_cast %reduce_sum3A_134 : i32 to index
            %swap3A_187 = arith.constant 128 : index
            %swap3A_188 = tpu.vector_load %arg16[%swap3A_186, %swap3A_187] {strides = array<i32>} : memref<144x512xf32, #tpu.memory_space<vmem>>, vector<16xf32>,
            tpu.vector_store %arg16[%swap3A_186, %swap3A_187], %get3A_185 {add = true, strides = array<i32>} : memref<144x512xf32, #tpu.memory_space<vmem>>, vector<16xf32>,
            %get3A_189 = arith.index_cast %scan3A_126 : i32 to index
            %get3A_190 = arith.constant 144 : index
            %get3A_191 = tpu.vector_load %arg13[%get3A_189, %get3A_190] {strides = array<i32>} : memref<16x512xf32, #tpu.memory_space<vmem>>, vector<16xf32>,
            %swap3A_192 = arith.index_cast %reduce_sum3A_134 : i32 to index
            %swap3A_193 = arith.constant 144 : index
            %swap3A_194 = tpu.vector_load %arg16[%swap3A_192, %swap3A_193] {strides = array<i32>} : memref<144x512xf32, #tpu.memory_space<vmem>>, vector<16xf32>,
            tpu.vector_store %arg16[%swap3A_192, %swap3A_193], %get3A_191 {add = true, strides = array<i32>} : memref<144x512xf32, #tpu.memory_space<vmem>>, vector<16xf32>,
            %get3A_195 = arith.index_cast %scan3A_126 : i32 to index
            %get3A_196 = arith.constant 160 : index
            %get3A_197 = tpu.vector_load %arg13[%get3A_195, %get3A_196] {strides = array<i32>} : memref<16x512xf32, #tpu.memory_space<vmem>>, vector<16xf32>,
            %swap3A_198 = arith.index_cast %reduce_sum3A_134 : i32 to index
            %swap3A_199 = arith.constant 160 : index
            %swap3A_200 = tpu.vector_load %arg16[%swap3A_198, %swap3A_199] {strides = array<i32>} : memref<144x512xf32, #tpu.memory_space<vmem>>, vector<16xf32>,
            tpu.vector_store %arg16[%swap3A_198, %swap3A_199], %get3A_197 {add = true, strides = array<i32>} : memref<144x512xf32, #tpu.memory_space<vmem>>, vector<16xf32>,
            %get3A_201 = arith.index_cast %scan3A_126 : i32 to index
            %get3A_202 = arith.constant 176 : index
            %get3A_203 = tpu.vector_load %arg13[%get3A_201, %get3A_202] {strides = array<i32>} : memref<16x512xf32, #tpu.memory_space<vmem>>, vector<16xf32>,
            %swap3A_204 = arith.index_cast %reduce_sum3A_134 : i32 to index
            %swap3A_205 = arith.constant 176 : index
            %swap3A_206 = tpu.vector_load %arg16[%swap3A_204, %swap3A_205] {strides = array<i32>} : memref<144x512xf32, #tpu.memory_space<vmem>>, vector<16xf32>,
            tpu.vector_store %arg16[%swap3A_204, %swap3A_205], %get3A_203 {add = true, strides = array<i32>} : memref<144x512xf32, #tpu.memory_space<vmem>>, vector<16xf32>,
            %get3A_207 = arith.index_cast %scan3A_126 : i32 to index
            %get3A_208 = arith.constant 192 : index
            %get3A_209 = tpu.vector_load %arg13[%get3A_207, %get3A_208] {strides = array<i32>} : memref<16x512xf32, #tpu.memory_space<vmem>>, vector<16xf32>,
            %swap3A_210 = arith.index_cast %reduce_sum3A_134 : i32 to index
            %swap3A_211 = arith.constant 192 : index
            %swap3A_212 = tpu.vector_load %arg16[%swap3A_210, %swap3A_211] {strides = array<i32>} : memref<144x512xf32, #tpu.memory_space<vmem>>, vector<16xf32>,
            tpu.vector_store %arg16[%swap3A_210, %swap3A_211], %get3A_209 {add = true, strides = array<i32>} : memref<144x512xf32, #tpu.memory_space<vmem>>, vector<16xf32>,
            %get3A_213 = arith.index_cast %scan3A_126 : i32 to index
            %get3A_214 = arith.constant 208 : index
            %get3A_215 = tpu.vector_load %arg13[%get3A_213, %get3A_214] {strides = array<i32>} : memref<16x512xf32, #tpu.memory_space<vmem>>, vector<16xf32>,
            %swap3A_216 = arith.index_cast %reduce_sum3A_134 : i32 to index
            %swap3A_217 = arith.constant 208 : index
            %swap3A_218 = tpu.vector_load %arg16[%swap3A_216, %swap3A_217] {strides = array<i32>} : memref<144x512xf32, #tpu.memory_space<vmem>>, vector<16xf32>,
            tpu.vector_store %arg16[%swap3A_216, %swap3A_217], %get3A_215 {add = true, strides = array<i32>} : memref<144x512xf32, #tpu.memory_space<vmem>>, vector<16xf32>,
            %get3A_219 = arith.index_cast %scan3A_126 : i32 to index
            %get3A_220 = arith.constant 224 : index
            %get3A_221 = tpu.vector_load %arg13[%get3A_219, %get3A_220] {strides = array<i32>} : memref<16x512xf32, #tpu.memory_space<vmem>>, vector<16xf32>,
            %swap3A_222 = arith.index_cast %reduce_sum3A_134 : i32 to index
            %swap3A_223 = arith.constant 224 : index
            %swap3A_224 = tpu.vector_load %arg16[%swap3A_222, %swap3A_223] {strides = array<i32>} : memref<144x512xf32, #tpu.memory_space<vmem>>, vector<16xf32>,
            tpu.vector_store %arg16[%swap3A_222, %swap3A_223], %get3A_221 {add = true, strides = array<i32>} : memref<144x512xf32, #tpu.memory_space<vmem>>, vector<16xf32>,
            %get3A_225 = arith.index_cast %scan3A_126 : i32 to index
            %get3A_226 = arith.constant 240 : index
            %get3A_227 = tpu.vector_load %arg13[%get3A_225, %get3A_226] {strides = array<i32>} : memref<16x512xf32, #tpu.memory_space<vmem>>, vector<16xf32>,
            %swap3A_228 = arith.index_cast %reduce_sum3A_134 : i32 to index
            %swap3A_229 = arith.constant 240 : index
            %swap3A_230 = tpu.vector_load %arg16[%swap3A_228, %swap3A_229] {strides = array<i32>} : memref<144x512xf32, #tpu.memory_space<vmem>>, vector<16xf32>,
            tpu.vector_store %arg16[%swap3A_228, %swap3A_229], %get3A_227 {add = true, strides = array<i32>} : memref<144x512xf32, #tpu.memory_space<vmem>>, vector<16xf32>,
            %get3A_231 = arith.index_cast %scan3A_126 : i32 to index
            %get3A_232 = arith.constant 256 : index
            %get3A_233 = tpu.vector_load %arg13[%get3A_231, %get3A_232] {strides = array<i32>} : memref<16x512xf32, #tpu.memory_space<vmem>>, vector<16xf32>,
            %swap3A_234 = arith.index_cast %reduce_sum3A_134 : i32 to index
            %swap3A_235 = arith.constant 256 : index
            %swap3A_236 = tpu.vector_load %arg16[%swap3A_234, %swap3A_235] {strides = array<i32>} : memref<144x512xf32, #tpu.memory_space<vmem>>, vector<16xf32>,
            tpu.vector_store %arg16[%swap3A_234, %swap3A_235], %get3A_233 {add = true, strides = array<i32>} : memref<144x512xf32, #tpu.memory_space<vmem>>, vector<16xf32>,
            %get3A_237 = arith.index_cast %scan3A_126 : i32 to index
            %get3A_238 = arith.constant 272 : index
            %get3A_239 = tpu.vector_load %arg13[%get3A_237, %get3A_238] {strides = array<i32>} : memref<16x512xf32, #tpu.memory_space<vmem>>, vector<16xf32>,
            %swap3A_240 = arith.index_cast %reduce_sum3A_134 : i32 to index
            %swap3A_241 = arith.constant 272 : index
            %swap3A_242 = tpu.vector_load %arg16[%swap3A_240, %swap3A_241] {strides = array<i32>} : memref<144x512xf32, #tpu.memory_space<vmem>>, vector<16xf32>,
            tpu.vector_store %arg16[%swap3A_240, %swap3A_241], %get3A_239 {add = true, strides = array<i32>} : memref<144x512xf32, #tpu.memory_space<vmem>>, vector<16xf32>,
            %get3A_243 = arith.index_cast %scan3A_126 : i32 to index
            %get3A_244 = arith.constant 288 : index
            %get3A_245 = tpu.vector_load %arg13[%get3A_243, %get3A_244] {strides = array<i32>} : memref<16x512xf32, #tpu.memory_space<vmem>>, vector<16xf32>,
            %swap3A_246 = arith.index_cast %reduce_sum3A_134 : i32 to index
            %swap3A_247 = arith.constant 288 : index
            %swap3A_248 = tpu.vector_load %arg16[%swap3A_246, %swap3A_247] {strides = array<i32>} : memref<144x512xf32, #tpu.memory_space<vmem>>, vector<16xf32>,
            tpu.vector_store %arg16[%swap3A_246, %swap3A_247], %get3A_245 {add = true, strides = array<i32>} : memref<144x512xf32, #tpu.memory_space<vmem>>, vector<16xf32>,
            %get3A_249 = arith.index_cast %scan3A_126 : i32 to index
            %get3A_250 = arith.constant 304 : index
            %get3A_251 = tpu.vector_load %arg13[%get3A_249, %get3A_250] {strides = array<i32>} : memref<16x512xf32, #tpu.memory_space<vmem>>, vector<16xf32>,
            %swap3A_252 = arith.index_cast %reduce_sum3A_134 : i32 to index
            %swap3A_253 = arith.constant 304 : index
            %swap3A_254 = tpu.vector_load %arg16[%swap3A_252, %swap3A_253] {strides = array<i32>} : memref<144x512xf32, #tpu.memory_space<vmem>>, vector<16xf32>,
            tpu.vector_store %arg16[%swap3A_252, %swap3A_253], %get3A_251 {add = true, strides = array<i32>} : memref<144x512xf32, #tpu.memory_space<vmem>>, vector<16xf32>,
            %get3A_255 = arith.index_cast %scan3A_126 : i32 to index
            %get3A_256 = arith.constant 320 : index
            %get3A_257 = tpu.vector_load %arg13[%get3A_255, %get3A_256] {strides = array<i32>} : memref<16x512xf32, #tpu.memory_space<vmem>>, vector<16xf32>,
            %swap3A_258 = arith.index_cast %reduce_sum3A_134 : i32 to index
            %swap3A_259 = arith.constant 320 : index
            %swap3A_260 = tpu.vector_load %arg16[%swap3A_258, %swap3A_259] {strides = array<i32>} : memref<144x512xf32, #tpu.memory_space<vmem>>, vector<16xf32>,
            tpu.vector_store %arg16[%swap3A_258, %swap3A_259], %get3A_257 {add = true, strides = array<i32>} : memref<144x512xf32, #tpu.memory_space<vmem>>, vector<16xf32>,
            %get3A_261 = arith.index_cast %scan3A_126 : i32 to index
            %get3A_262 = arith.constant 336 : index
            %get3A_263 = tpu.vector_load %arg13[%get3A_261, %get3A_262] {strides = array<i32>} : memref<16x512xf32, #tpu.memory_space<vmem>>, vector<16xf32>,
            %swap3A_264 = arith.index_cast %reduce_sum3A_134 : i32 to index
            %swap3A_265 = arith.constant 336 : index
            %swap3A_266 = tpu.vector_load %arg16[%swap3A_264, %swap3A_265] {strides = array<i32>} : memref<144x512xf32, #tpu.memory_space<vmem>>, vector<16xf32>,
            tpu.vector_store %arg16[%swap3A_264, %swap3A_265], %get3A_263 {add = true, strides = array<i32>} : memref<144x512xf32, #tpu.memory_space<vmem>>, vector<16xf32>,
            %get3A_267 = arith.index_cast %scan3A_126 : i32 to index
            %get3A_268 = arith.constant 352 : index
            %get3A_269 = tpu.vector_load %arg13[%get3A_267, %get3A_268] {strides = array<i32>} : memref<16x512xf32, #tpu.memory_space<vmem>>, vector<16xf32>,
            %swap3A_270 = arith.index_cast %reduce_sum3A_134 : i32 to index
            %swap3A_271 = arith.constant 352 : index
            %swap3A_272 = tpu.vector_load %arg16[%swap3A_270, %swap3A_271] {strides = array<i32>} : memref<144x512xf32, #tpu.memory_space<vmem>>, vector<16xf32>,
            tpu.vector_store %arg16[%swap3A_270, %swap3A_271], %get3A_269 {add = true, strides = array<i32>} : memref<144x512xf32, #tpu.memory_space<vmem>>, vector<16xf32>,
            %get3A_273 = arith.index_cast %scan3A_126 : i32 to index
            %get3A_274 = arith.constant 368 : index
            %get3A_275 = tpu.vector_load %arg13[%get3A_273, %get3A_274] {strides = array<i32>} : memref<16x512xf32, #tpu.memory_space<vmem>>, vector<16xf32>,
            %swap3A_276 = arith.index_cast %reduce_sum3A_134 : i32 to index
            %swap3A_277 = arith.constant 368 : index
            %swap3A_278 = tpu.vector_load %arg16[%swap3A_276, %swap3A_277] {strides = array<i32>} : memref<144x512xf32, #tpu.memory_space<vmem>>, vector<16xf32>,
            tpu.vector_store %arg16[%swap3A_276, %swap3A_277], %get3A_275 {add = true, strides = array<i32>} : memref<144x512xf32, #tpu.memory_space<vmem>>, vector<16xf32>,
            %get3A_279 = arith.index_cast %scan3A_126 : i32 to index
            %get3A_280 = arith.constant 384 : index
            %get3A_281 = tpu.vector_load %arg13[%get3A_279, %get3A_280] {strides = array<i32>} : memref<16x512xf32, #tpu.memory_space<vmem>>, vector<16xf32>,
            %swap3A_282 = arith.index_cast %reduce_sum3A_134 : i32 to index
            %swap3A_283 = arith.constant 384 : index
            %swap3A_284 = tpu.vector_load %arg16[%swap3A_282, %swap3A_283] {strides = array<i32>} : memref<144x512xf32, #tpu.memory_space<vmem>>, vector<16xf32>,
            tpu.vector_store %arg16[%swap3A_282, %swap3A_283], %get3A_281 {add = true, strides = array<i32>} : memref<144x512xf32, #tpu.memory_space<vmem>>, vector<16xf32>,
            %get3A_285 = arith.index_cast %scan3A_126 : i32 to index
            %get3A_286 = arith.constant 400 : index
            %get3A_287 = tpu.vector_load %arg13[%get3A_285, %get3A_286] {strides = array<i32>} : memref<16x512xf32, #tpu.memory_space<vmem>>, vector<16xf32>,
            %swap3A_288 = arith.index_cast %reduce_sum3A_134 : i32 to index
            %swap3A_289 = arith.constant 400 : index
            %swap3A_290 = tpu.vector_load %arg16[%swap3A_288, %swap3A_289] {strides = array<i32>} : memref<144x512xf32, #tpu.memory_space<vmem>>, vector<16xf32>,
            tpu.vector_store %arg16[%swap3A_288, %swap3A_289], %get3A_287 {add = true, strides = array<i32>} : memref<144x512xf32, #tpu.memory_space<vmem>>, vector<16xf32>,
            %get3A_291 = arith.index_cast %scan3A_126 : i32 to index
            %get3A_292 = arith.constant 416 : index
            %get3A_293 = tpu.vector_load %arg13[%get3A_291, %get3A_292] {strides = array<i32>} : memref<16x512xf32, #tpu.memory_space<vmem>>, vector<16xf32>,
            %swap3A_294 = arith.index_cast %reduce_sum3A_134 : i32 to index
            %swap3A_295 = arith.constant 416 : index
            %swap3A_296 = tpu.vector_load %arg16[%swap3A_294, %swap3A_295] {strides = array<i32>} : memref<144x512xf32, #tpu.memory_space<vmem>>, vector<16xf32>,
            tpu.vector_store %arg16[%swap3A_294, %swap3A_295], %get3A_293 {add = true, strides = array<i32>} : memref<144x512xf32, #tpu.memory_space<vmem>>, vector<16xf32>,
            %get3A_297 = arith.index_cast %scan3A_126 : i32 to index
            %get3A_298 = arith.constant 432 : index
            %get3A_299 = tpu.vector_load %arg13[%get3A_297, %get3A_298] {strides = array<i32>} : memref<16x512xf32, #tpu.memory_space<vmem>>, vector<16xf32>,
            %swap3A_300 = arith.index_cast %reduce_sum3A_134 : i32 to index
            %swap3A_301 = arith.constant 432 : index
            %swap3A_302 = tpu.vector_load %arg16[%swap3A_300, %swap3A_301] {strides = array<i32>} : memref<144x512xf32, #tpu.memory_space<vmem>>, vector<16xf32>,
            tpu.vector_store %arg16[%swap3A_300, %swap3A_301], %get3A_299 {add = true, strides = array<i32>} : memref<144x512xf32, #tpu.memory_space<vmem>>, vector<16xf32>,
            %get3A_303 = arith.index_cast %scan3A_126 : i32 to index
            %get3A_304 = arith.constant 448 : index
            %get3A_305 = tpu.vector_load %arg13[%get3A_303, %get3A_304] {strides = array<i32>} : memref<16x512xf32, #tpu.memory_space<vmem>>, vector<16xf32>,
            %swap3A_306 = arith.index_cast %reduce_sum3A_134 : i32 to index
            %swap3A_307 = arith.constant 448 : index
            %swap3A_308 = tpu.vector_load %arg16[%swap3A_306, %swap3A_307] {strides = array<i32>} : memref<144x512xf32, #tpu.memory_space<vmem>>, vector<16xf32>,
            tpu.vector_store %arg16[%swap3A_306, %swap3A_307], %get3A_305 {add = true, strides = array<i32>} : memref<144x512xf32, #tpu.memory_space<vmem>>, vector<16xf32>,
            %get3A_309 = arith.index_cast %scan3A_126 : i32 to index
            %get3A_310 = arith.constant 464 : index
            %get3A_311 = tpu.vector_load %arg13[%get3A_309, %get3A_310] {strides = array<i32>} : memref<16x512xf32, #tpu.memory_space<vmem>>, vector<16xf32>,
            %swap3A_312 = arith.index_cast %reduce_sum3A_134 : i32 to index
            %swap3A_313 = arith.constant 464 : index
            %swap3A_314 = tpu.vector_load %arg16[%swap3A_312, %swap3A_313] {strides = array<i32>} : memref<144x512xf32, #tpu.memory_space<vmem>>, vector<16xf32>,
            tpu.vector_store %arg16[%swap3A_312, %swap3A_313], %get3A_311 {add = true, strides = array<i32>} : memref<144x512xf32, #tpu.memory_space<vmem>>, vector<16xf32>,
            %get3A_315 = arith.index_cast %scan3A_126 : i32 to index
            %get3A_316 = arith.constant 480 : index
            %get3A_317 = tpu.vector_load %arg13[%get3A_315, %get3A_316] {strides = array<i32>} : memref<16x512xf32, #tpu.memory_space<vmem>>, vector<16xf32>,
            %swap3A_318 = arith.index_cast %reduce_sum3A_134 : i32 to index
            %swap3A_319 = arith.constant 480 : index
            %swap3A_320 = tpu.vector_load %arg16[%swap3A_318, %swap3A_319] {strides = array<i32>} : memref<144x512xf32, #tpu.memory_space<vmem>>, vector<16xf32>,
            tpu.vector_store %arg16[%swap3A_318, %swap3A_319], %get3A_317 {add = true, strides = array<i32>} : memref<144x512xf32, #tpu.memory_space<vmem>>, vector<16xf32>,
            %get3A_321 = arith.index_cast %scan3A_126 : i32 to index
            %get3A_322 = arith.constant 496 : index
            %get3A_323 = tpu.vector_load %arg13[%get3A_321, %get3A_322] {strides = array<i32>} : memref<16x512xf32, #tpu.memory_space<vmem>>, vector<16xf32>,
            %swap3A_324 = arith.index_cast %reduce_sum3A_134 : i32 to index
            %swap3A_325 = arith.constant 496 : index
            %swap3A_326 = tpu.vector_load %arg16[%swap3A_324, %swap3A_325] {strides = array<i32>} : memref<144x512xf32, #tpu.memory_space<vmem>>, vector<16xf32>,
            tpu.vector_store %arg16[%swap3A_324, %swap3A_325], %get3A_323 {add = true, strides = array<i32>} : memref<144x512xf32, #tpu.memory_space<vmem>>, vector<16xf32>,
            %get3A_327 = arith.constant 0 : i32
            %get3A_328 = arith.index_cast %get3A_327 : i32 to index
            %get3A_329 = arith.constant 0 : index
            %get3A_330 = tpu.vector_load %arg15[%get3A_328, %get3A_329] {strides = array<i32>} : memref<16x16xf32, #tpu.memory_space<vmem>>, vector<16xf32>,
            %swap3A_331 = arith.index_cast %reduce_sum3A_134 : i32 to index
            %swap3A_332 = arith.constant 0 : index
            %swap3A_333 = tpu.vector_load %arg17[%swap3A_331, %swap3A_332] {strides = array<i32>} : memref<144x16xf32, #tpu.memory_space<vmem>>, vector<16xf32>,
            tpu.vector_store %arg17[%swap3A_331, %swap3A_332], %get3A_330 {add = true, strides = array<i32>} : memref<144x16xf32, #tpu.memory_space<vmem>>, vector<16xf32>,
          }
          %scan3A_125 = arith.constant 16 : i32
        }
        %while3A_108 = arith.constant 1 : i32
        scf.for %while3A_109 = %while3A_106 to %while3A_102 step %while3A_108  : i32 {
          %mul3A_110 = arith.constant 16 : i32
          %mul3A_111 = arith.muli %while3A_109, %mul3A_110 : i32
          %get3A = arith.index_cast %mul3A_111 : i32 to index
          %get3A_112 = tpu.vector_load %arg7[%get3A] {strides = array<i32>} : memref<4096xi32, #tpu.memory_space<vmem>>, vector<16xi32>,
          %dma_start3A = arith.constant 0 : i32
          %dma_start3A_113 = arith.constant 0 : i32
          %dma_start3A_114 = tpu.memref_slice %arg3[%dma_start3A, %dma_start3A_113] : memref<64000x512xf32, #tpu.memory_space<hbm>> -> memref<64000x512xf32, #tpu.memory_space<hbm>>
          tpu.enqueue_indirect_dma source(%dma_start3A_114 : memref<64000x512xf32, #tpu.memory_space<hbm>>) target(%arg13 : memref<16x512xf32, #tpu.memory_space<vmem>>) offsets(%get3A_112 : vector<16xi32>) semaphore(%arg23 : memref<!tpu.dma_semaphore, #tpu.memory_space<semaphore_mem>>)
          %dma_wait3A = arith.constant 0 : i32
          %dma_wait3A_115 = arith.constant 0 : i32
          %dma_wait3A_116 = tpu.memref_slice %arg3[%dma_wait3A, %dma_wait3A_115] : memref<64000x512xf32, #tpu.memory_space<hbm>> -> memref<64000x512xf32, #tpu.memory_space<hbm>>
          tpu.wait_indirect_dma semaphore(%arg23 : memref<!tpu.dma_semaphore, #tpu.memory_space<semaphore_mem>>) src(%dma_wait3A_116 : memref<64000x512xf32, #tpu.memory_space<hbm>>) dst(%arg13 : memref<16x512xf32, #tpu.memory_space<vmem>>)
          %mul3A_117 = arith.constant 16 : i32
          %mul3A_118 = arith.muli %while3A_109, %mul3A_117 : i32
          %get3A_119 = arith.index_cast %mul3A_118 : i32 to index
          %get3A_120 = tpu.vector_load %arg8[%get3A_119] {strides = array<i32>} : memref<4096xi32, #tpu.memory_space<vmem>>, vector<16xi32>,
          %scan3A_121 = arith.constant 0 : i32
          %scan3A_122 = arith.constant 16 : i32
          %scan3A_123 = arith.addi %scan3A_121, %scan3A_122 : i32
          %scan3A_124 = arith.constant 1 : i32
          scf.for %scan3A_126 = %scan3A_121 to %scan3A_123 step %scan3A_124  : i32 {
            %eq3A_127 = vector.broadcast %scan3A_126 : i32 to vector<16xi32>
            %eq3A_128 = arith.cmpi eq, %iota3A, %eq3A_127 : vector<16xi32>
            %jit3A_129 = arith.constant 0 : i32
            %broadcast_in_dim3A_130 = vector.broadcast %jit3A_129 : i32 to vector<16xi32>
            %select_n3A_131 = arith.select %eq3A_128, %get3A_120, %broadcast_in_dim3A_130 : vector<16xi1>, vector<16xi32>
            %reduce_sum3A = arith.constant true
            %reduce_sum3A_132 = vector.broadcast %reduce_sum3A : i1 to vector<16xi1>
            %reduce_sum3A_133 = tpu.scan <sum>, %select_n3A_131 masked %reduce_sum3A_132 : vector<16xi32>, vector<16xi1> -> vector<16xi32>
            %reduce_sum3A_134 = vector.extract %reduce_sum3A_133[15] : i32 from vector<16xi32>
            %get3A_135 = arith.index_cast %scan3A_126 : i32 to index
            %get3A_136 = arith.constant 0 : index
            %get3A_137 = tpu.vector_load %arg13[%get3A_135, %get3A_136] {strides = array<i32>} : memref<16x512xf32, #tpu.memory_space<vmem>>, vector<16xf32>,
            %swap3A_138 = arith.index_cast %reduce_sum3A_134 : i32 to index
            %swap3A_139 = arith.constant 0 : index
            %swap3A_140 = tpu.vector_load %arg16[%swap3A_138, %swap3A_139] {strides = array<i32>} : memref<144x512xf32, #tpu.memory_space<vmem>>, vector<16xf32>,
            tpu.vector_store %arg16[%swap3A_138, %swap3A_139], %get3A_137 {add = true, strides = array<i32>} : memref<144x512xf32, #tpu.memory_space<vmem>>, vector<16xf32>,
            %get3A_141 = arith.index_cast %scan3A_126 : i32 to index
            %get3A_142 = arith.constant 16 : index
            %get3A_143 = tpu.vector_load %arg13[%get3A_141, %get3A_142] {strides = array<i32>} : memref<16x512xf32, #tpu.memory_space<vmem>>, vector<16xf32>,
            %swap3A_144 = arith.index_cast %reduce_sum3A_134 : i32 to index
            %swap3A_145 = arith.constant 16 : index
            %swap3A_146 = tpu.vector_load %arg16[%swap3A_144, %swap3A_145] {strides = array<i32>} : memref<144x512xf32, #tpu.memory_space<vmem>>, vector<16xf32>,
            tpu.vector_store %arg16[%swap3A_144, %swap3A_145], %get3A_143 {add = true, strides = array<i32>} : memref<144x512xf32, #tpu.memory_space<vmem>>, vector<16xf32>,
            %get3A_147 = arith.index_cast %scan3A_126 : i32 to index
            %get3A_148 = arith.constant 32 : index
            %get3A_149 = tpu.vector_load %arg13[%get3A_147, %get3A_148] {strides = array<i32>} : memref<16x512xf32, #tpu.memory_space<vmem>>, vector<16xf32>,
            %swap3A_150 = arith.index_cast %reduce_sum3A_134 : i32 to index
            %swap3A_151 = arith.constant 32 : index
            %swap3A_152 = tpu.vector_load %arg16[%swap3A_150, %swap3A_151] {strides = array<i32>} : memref<144x512xf32, #tpu.memory_space<vmem>>, vector<16xf32>,
            tpu.vector_store %arg16[%swap3A_150, %swap3A_151], %get3A_149 {add = true, strides = array<i32>} : memref<144x512xf32, #tpu.memory_space<vmem>>, vector<16xf32>,
            %get3A_153 = arith.index_cast %scan3A_126 : i32 to index
            %get3A_154 = arith.constant 48 : index
            %get3A_155 = tpu.vector_load %arg13[%get3A_153, %get3A_154] {strides = array<i32>} : memref<16x512xf32, #tpu.memory_space<vmem>>, vector<16xf32>,
            %swap3A_156 = arith.index_cast %reduce_sum3A_134 : i32 to index
            %swap3A_157 = arith.constant 48 : index
            %swap3A_158 = tpu.vector_load %arg16[%swap3A_156, %swap3A_157] {strides = array<i32>} : memref<144x512xf32, #tpu.memory_space<vmem>>, vector<16xf32>,
            tpu.vector_store %arg16[%swap3A_156, %swap3A_157], %get3A_155 {add = true, strides = array<i32>} : memref<144x512xf32, #tpu.memory_space<vmem>>, vector<16xf32>,
            %get3A_159 = arith.index_cast %scan3A_126 : i32 to index
            %get3A_160 = arith.constant 64 : index
            %get3A_161 = tpu.vector_load %arg13[%get3A_159, %get3A_160] {strides = array<i32>} : memref<16x512xf32, #tpu.memory_space<vmem>>, vector<16xf32>,
            %swap3A_162 = arith.index_cast %reduce_sum3A_134 : i32 to index
            %swap3A_163 = arith.constant 64 : index
            %swap3A_164 = tpu.vector_load %arg16[%swap3A_162, %swap3A_163] {strides = array<i32>} : memref<144x512xf32, #tpu.memory_space<vmem>>, vector<16xf32>,
            tpu.vector_store %arg16[%swap3A_162, %swap3A_163], %get3A_161 {add = true, strides = array<i32>} : memref<144x512xf32, #tpu.memory_space<vmem>>, vector<16xf32>,
            %get3A_165 = arith.index_cast %scan3A_126 : i32 to index
            %get3A_166 = arith.constant 80 : index
            %get3A_167 = tpu.vector_load %arg13[%get3A_165, %get3A_166] {strides = array<i32>} : memref<16x512xf32, #tpu.memory_space<vmem>>, vector<16xf32>,
            %swap3A_168 = arith.index_cast %reduce_sum3A_134 : i32 to index
            %swap3A_169 = arith.constant 80 : index
            %swap3A_170 = tpu.vector_load %arg16[%swap3A_168, %swap3A_169] {strides = array<i32>} : memref<144x512xf32, #tpu.memory_space<vmem>>, vector<16xf32>,
            tpu.vector_store %arg16[%swap3A_168, %swap3A_169], %get3A_167 {add = true, strides = array<i32>} : memref<144x512xf32, #tpu.memory_space<vmem>>, vector<16xf32>,
            %get3A_171 = arith.index_cast %scan3A_126 : i32 to index
            %get3A_172 = arith.constant 96 : index
            %get3A_173 = tpu.vector_load %arg13[%get3A_171, %get3A_172] {strides = array<i32>} : memref<16x512xf32, #tpu.memory_space<vmem>>, vector<16xf32>,
            %swap3A_174 = arith.index_cast %reduce_sum3A_134 : i32 to index
            %swap3A_175 = arith.constant 96 : index
            %swap3A_176 = tpu.vector_load %arg16[%swap3A_174, %swap3A_175] {strides = array<i32>} : memref<144x512xf32, #tpu.memory_space<vmem>>, vector<16xf32>,
            tpu.vector_store %arg16[%swap3A_174, %swap3A_175], %get3A_173 {add = true, strides = array<i32>} : memref<144x512xf32, #tpu.memory_space<vmem>>, vector<16xf32>,
            %get3A_177 = arith.index_cast %scan3A_126 : i32 to index
            %get3A_178 = arith.constant 112 : index
            %get3A_179 = tpu.vector_load %arg13[%get3A_177, %get3A_178] {strides = array<i32>} : memref<16x512xf32, #tpu.memory_space<vmem>>, vector<16xf32>,
            %swap3A_180 = arith.index_cast %reduce_sum3A_134 : i32 to index
            %swap3A_181 = arith.constant 112 : index
            %swap3A_182 = tpu.vector_load %arg16[%swap3A_180, %swap3A_181] {strides = array<i32>} : memref<144x512xf32, #tpu.memory_space<vmem>>, vector<16xf32>,
            tpu.vector_store %arg16[%swap3A_180, %swap3A_181], %get3A_179 {add = true, strides = array<i32>} : memref<144x512xf32, #tpu.memory_space<vmem>>, vector<16xf32>,
            %get3A_183 = arith.index_cast %scan3A_126 : i32 to index
            %get3A_184 = arith.constant 128 : index
            %get3A_185 = tpu.vector_load %arg13[%get3A_183, %get3A_184] {strides = array<i32>} : memref<16x512xf32, #tpu.memory_space<vmem>>, vector<16xf32>,
            %swap3A_186 = arith.index_cast %reduce_sum3A_134 : i32 to index
            %swap3A_187 = arith.constant 128 : index
            %swap3A_188 = tpu.vector_load %arg16[%swap3A_186, %swap3A_187] {strides = array<i32>} : memref<144x512xf32, #tpu.memory_space<vmem>>, vector<16xf32>,
            tpu.vector_store %arg16[%swap3A_186, %swap3A_187], %get3A_185 {add = true, strides = array<i32>} : memref<144x512xf32, #tpu.memory_space<vmem>>, vector<16xf32>,
            %get3A_189 = arith.index_cast %scan3A_126 : i32 to index
            %get3A_190 = arith.constant 144 : index
            %get3A_191 = tpu.vector_load %arg13[%get3A_189, %get3A_190] {strides = array<i32>} : memref<16x512xf32, #tpu.memory_space<vmem>>, vector<16xf32>,
            %swap3A_192 = arith.index_cast %reduce_sum3A_134 : i32 to index
            %swap3A_193 = arith.constant 144 : index
            %swap3A_194 = tpu.vector_load %arg16[%swap3A_192, %swap3A_193] {strides = array<i32>} : memref<144x512xf32, #tpu.memory_space<vmem>>, vector<16xf32>,
            tpu.vector_store %arg16[%swap3A_192, %swap3A_193], %get3A_191 {add = true, strides = array<i32>} : memref<144x512xf32, #tpu.memory_space<vmem>>, vector<16xf32>,
            %get3A_195 = arith.index_cast %scan3A_126 : i32 to index
            %get3A_196 = arith.constant 160 : index
            %get3A_197 = tpu.vector_load %arg13[%get3A_195, %get3A_196] {strides = array<i32>} : memref<16x512xf32, #tpu.memory_space<vmem>>, vector<16xf32>,
            %swap3A_198 = arith.index_cast %reduce_sum3A_134 : i32 to index
            %swap3A_199 = arith.constant 160 : index
            %swap3A_200 = tpu.vector_load %arg16[%swap3A_198, %swap3A_199] {strides = array<i32>} : memref<144x512xf32, #tpu.memory_space<vmem>>, vector<16xf32>,
            tpu.vector_store %arg16[%swap3A_198, %swap3A_199], %get3A_197 {add = true, strides = array<i32>} : memref<144x512xf32, #tpu.memory_space<vmem>>, vector<16xf32>,
            %get3A_201 = arith.index_cast %scan3A_126 : i32 to index
            %get3A_202 = arith.constant 176 : index
            %get3A_203 = tpu.vector_load %arg13[%get3A_201, %get3A_202] {strides = array<i32>} : memref<16x512xf32, #tpu.memory_space<vmem>>, vector<16xf32>,
            %swap3A_204 = arith.index_cast %reduce_sum3A_134 : i32 to index
            %swap3A_205 = arith.constant 176 : index
            %swap3A_206 = tpu.vector_load %arg16[%swap3A_204, %swap3A_205] {strides = array<i32>} : memref<144x512xf32, #tpu.memory_space<vmem>>, vector<16xf32>,
            tpu.vector_store %arg16[%swap3A_204, %swap3A_205], %get3A_203 {add = true, strides = array<i32>} : memref<144x512xf32, #tpu.memory_space<vmem>>, vector<16xf32>,
            %get3A_207 = arith.index_cast %scan3A_126 : i32 to index
            %get3A_208 = arith.constant 192 : index
            %get3A_209 = tpu.vector_load %arg13[%get3A_207, %get3A_208] {strides = array<i32>} : memref<16x512xf32, #tpu.memory_space<vmem>>, vector<16xf32>,
            %swap3A_210 = arith.index_cast %reduce_sum3A_134 : i32 to index
            %swap3A_211 = arith.constant 192 : index
            %swap3A_212 = tpu.vector_load %arg16[%swap3A_210, %swap3A_211] {strides = array<i32>} : memref<144x512xf32, #tpu.memory_space<vmem>>, vector<16xf32>,
            tpu.vector_store %arg16[%swap3A_210, %swap3A_211], %get3A_209 {add = true, strides = array<i32>} : memref<144x512xf32, #tpu.memory_space<vmem>>, vector<16xf32>,
            %get3A_213 = arith.index_cast %scan3A_126 : i32 to index
            %get3A_214 = arith.constant 208 : index
            %get3A_215 = tpu.vector_load %arg13[%get3A_213, %get3A_214] {strides = array<i32>} : memref<16x512xf32, #tpu.memory_space<vmem>>, vector<16xf32>,
            %swap3A_216 = arith.index_cast %reduce_sum3A_134 : i32 to index
            %swap3A_217 = arith.constant 208 : index
            %swap3A_218 = tpu.vector_load %arg16[%swap3A_216, %swap3A_217] {strides = array<i32>} : memref<144x512xf32, #tpu.memory_space<vmem>>, vector<16xf32>,
            tpu.vector_store %arg16[%swap3A_216, %swap3A_217], %get3A_215 {add = true, strides = array<i32>} : memref<144x512xf32, #tpu.memory_space<vmem>>, vector<16xf32>,
            %get3A_219 = arith.index_cast %scan3A_126 : i32 to index
            %get3A_220 = arith.constant 224 : index
            %get3A_221 = tpu.vector_load %arg13[%get3A_219, %get3A_220] {strides = array<i32>} : memref<16x512xf32, #tpu.memory_space<vmem>>, vector<16xf32>,
            %swap3A_222 = arith.index_cast %reduce_sum3A_134 : i32 to index
            %swap3A_223 = arith.constant 224 : index
            %swap3A_224 = tpu.vector_load %arg16[%swap3A_222, %swap3A_223] {strides = array<i32>} : memref<144x512xf32, #tpu.memory_space<vmem>>, vector<16xf32>,
            tpu.vector_store %arg16[%swap3A_222, %swap3A_223], %get3A_221 {add = true, strides = array<i32>} : memref<144x512xf32, #tpu.memory_space<vmem>>, vector<16xf32>,
            %get3A_225 = arith.index_cast %scan3A_126 : i32 to index
            %get3A_226 = arith.constant 240 : index
            %get3A_227 = tpu.vector_load %arg13[%get3A_225, %get3A_226] {strides = array<i32>} : memref<16x512xf32, #tpu.memory_space<vmem>>, vector<16xf32>,
            %swap3A_228 = arith.index_cast %reduce_sum3A_134 : i32 to index
            %swap3A_229 = arith.constant 240 : index
            %swap3A_230 = tpu.vector_load %arg16[%swap3A_228, %swap3A_229] {strides = array<i32>} : memref<144x512xf32, #tpu.memory_space<vmem>>, vector<16xf32>,
            tpu.vector_store %arg16[%swap3A_228, %swap3A_229], %get3A_227 {add = true, strides = array<i32>} : memref<144x512xf32, #tpu.memory_space<vmem>>, vector<16xf32>,
            %get3A_231 = arith.index_cast %scan3A_126 : i32 to index
            %get3A_232 = arith.constant 256 : index
            %get3A_233 = tpu.vector_load %arg13[%get3A_231, %get3A_232] {strides = array<i32>} : memref<16x512xf32, #tpu.memory_space<vmem>>, vector<16xf32>,
            %swap3A_234 = arith.index_cast %reduce_sum3A_134 : i32 to index
            %swap3A_235 = arith.constant 256 : index
            %swap3A_236 = tpu.vector_load %arg16[%swap3A_234, %swap3A_235] {strides = array<i32>} : memref<144x512xf32, #tpu.memory_space<vmem>>, vector<16xf32>,
            tpu.vector_store %arg16[%swap3A_234, %swap3A_235], %get3A_233 {add = true, strides = array<i32>} : memref<144x512xf32, #tpu.memory_space<vmem>>, vector<16xf32>,
            %get3A_237 = arith.index_cast %scan3A_126 : i32 to index
            %get3A_238 = arith.constant 272 : index
            %get3A_239 = tpu.vector_load %arg13[%get3A_237, %get3A_238] {strides = array<i32>} : memref<16x512xf32, #tpu.memory_space<vmem>>, vector<16xf32>,
            %swap3A_240 = arith.index_cast %reduce_sum3A_134 : i32 to index
            %swap3A_241 = arith.constant 272 : index
            %swap3A_242 = tpu.vector_load %arg16[%swap3A_240, %swap3A_241] {strides = array<i32>} : memref<144x512xf32, #tpu.memory_space<vmem>>, vector<16xf32>,
            tpu.vector_store %arg16[%swap3A_240, %swap3A_241], %get3A_239 {add = true, strides = array<i32>} : memref<144x512xf32, #tpu.memory_space<vmem>>, vector<16xf32>,
            %get3A_243 = arith.index_cast %scan3A_126 : i32 to index
            %get3A_244 = arith.constant 288 : index
            %get3A_245 = tpu.vector_load %arg13[%get3A_243, %get3A_244] {strides = array<i32>} : memref<16x512xf32, #tpu.memory_space<vmem>>, vector<16xf32>,
            %swap3A_246 = arith.index_cast %reduce_sum3A_134 : i32 to index
            %swap3A_247 = arith.constant 288 : index
            %swap3A_248 = tpu.vector_load %arg16[%swap3A_246, %swap3A_247] {strides = array<i32>} : memref<144x512xf32, #tpu.memory_space<vmem>>, vector<16xf32>,
            tpu.vector_store %arg16[%swap3A_246, %swap3A_247], %get3A_245 {add = true, strides = array<i32>} : memref<144x512xf32, #tpu.memory_space<vmem>>, vector<16xf32>,
            %get3A_249 = arith.index_cast %scan3A_126 : i32 to index
            %get3A_250 = arith.constant 304 : index
            %get3A_251 = tpu.vector_load %arg13[%get3A_249, %get3A_250] {strides = array<i32>} : memref<16x512xf32, #tpu.memory_space<vmem>>, vector<16xf32>,
            %swap3A_252 = arith.index_cast %reduce_sum3A_134 : i32 to index
            %swap3A_253 = arith.constant 304 : index
            %swap3A_254 = tpu.vector_load %arg16[%swap3A_252, %swap3A_253] {strides = array<i32>} : memref<144x512xf32, #tpu.memory_space<vmem>>, vector<16xf32>,
            tpu.vector_store %arg16[%swap3A_252, %swap3A_253], %get3A_251 {add = true, strides = array<i32>} : memref<144x512xf32, #tpu.memory_space<vmem>>, vector<16xf32>,
            %get3A_255 = arith.index_cast %scan3A_126 : i32 to index
            %get3A_256 = arith.constant 320 : index
            %get3A_257 = tpu.vector_load %arg13[%get3A_255, %get3A_256] {strides = array<i32>} : memref<16x512xf32, #tpu.memory_space<vmem>>, vector<16xf32>,
            %swap3A_258 = arith.index_cast %reduce_sum3A_134 : i32 to index
            %swap3A_259 = arith.constant 320 : index
            %swap3A_260 = tpu.vector_load %arg16[%swap3A_258, %swap3A_259] {strides = array<i32>} : memref<144x512xf32, #tpu.memory_space<vmem>>, vector<16xf32>,
            tpu.vector_store %arg16[%swap3A_258, %swap3A_259], %get3A_257 {add = true, strides = array<i32>} : memref<144x512xf32, #tpu.memory_space<vmem>>, vector<16xf32>,
            %get3A_261 = arith.index_cast %scan3A_126 : i32 to index
            %get3A_262 = arith.constant 336 : index
            %get3A_263 = tpu.vector_load %arg13[%get3A_261, %get3A_262] {strides = array<i32>} : memref<16x512xf32, #tpu.memory_space<vmem>>, vector<16xf32>,
            %swap3A_264 = arith.index_cast %reduce_sum3A_134 : i32 to index
            %swap3A_265 = arith.constant 336 : index
            %swap3A_266 = tpu.vector_load %arg16[%swap3A_264, %swap3A_265] {strides = array<i32>} : memref<144x512xf32, #tpu.memory_space<vmem>>, vector<16xf32>,
            tpu.vector_store %arg16[%swap3A_264, %swap3A_265], %get3A_263 {add = true, strides = array<i32>} : memref<144x512xf32, #tpu.memory_space<vmem>>, vector<16xf32>,
            %get3A_267 = arith.index_cast %scan3A_126 : i32 to index
            %get3A_268 = arith.constant 352 : index
            %get3A_269 = tpu.vector_load %arg13[%get3A_267, %get3A_268] {strides = array<i32>} : memref<16x512xf32, #tpu.memory_space<vmem>>, vector<16xf32>,
            %swap3A_270 = arith.index_cast %reduce_sum3A_134 : i32 to index
            %swap3A_271 = arith.constant 352 : index
            %swap3A_272 = tpu.vector_load %arg16[%swap3A_270, %swap3A_271] {strides = array<i32>} : memref<144x512xf32, #tpu.memory_space<vmem>>, vector<16xf32>,
            tpu.vector_store %arg16[%swap3A_270, %swap3A_271], %get3A_269 {add = true, strides = array<i32>} : memref<144x512xf32, #tpu.memory_space<vmem>>, vector<16xf32>,
            %get3A_273 = arith.index_cast %scan3A_126 : i32 to index
            %get3A_274 = arith.constant 368 : index
            %get3A_275 = tpu.vector_load %arg13[%get3A_273, %get3A_274] {strides = array<i32>} : memref<16x512xf32, #tpu.memory_space<vmem>>, vector<16xf32>,
            %swap3A_276 = arith.index_cast %reduce_sum3A_134 : i32 to index
            %swap3A_277 = arith.constant 368 : index
            %swap3A_278 = tpu.vector_load %arg16[%swap3A_276, %swap3A_277] {strides = array<i32>} : memref<144x512xf32, #tpu.memory_space<vmem>>, vector<16xf32>,
            tpu.vector_store %arg16[%swap3A_276, %swap3A_277], %get3A_275 {add = true, strides = array<i32>} : memref<144x512xf32, #tpu.memory_space<vmem>>, vector<16xf32>,
            %get3A_279 = arith.index_cast %scan3A_126 : i32 to index
            %get3A_280 = arith.constant 384 : index
            %get3A_281 = tpu.vector_load %arg13[%get3A_279, %get3A_280] {strides = array<i32>} : memref<16x512xf32, #tpu.memory_space<vmem>>, vector<16xf32>,
            %swap3A_282 = arith.index_cast %reduce_sum3A_134 : i32 to index
            %swap3A_283 = arith.constant 384 : index
            %swap3A_284 = tpu.vector_load %arg16[%swap3A_282, %swap3A_283] {strides = array<i32>} : memref<144x512xf32, #tpu.memory_space<vmem>>, vector<16xf32>,
            tpu.vector_store %arg16[%swap3A_282, %swap3A_283], %get3A_281 {add = true, strides = array<i32>} : memref<144x512xf32, #tpu.memory_space<vmem>>, vector<16xf32>,
            %get3A_285 = arith.index_cast %scan3A_126 : i32 to index
            %get3A_286 = arith.constant 400 : index
            %get3A_287 = tpu.vector_load %arg13[%get3A_285, %get3A_286] {strides = array<i32>} : memref<16x512xf32, #tpu.memory_space<vmem>>, vector<16xf32>,
            %swap3A_288 = arith.index_cast %reduce_sum3A_134 : i32 to index
            %swap3A_289 = arith.constant 400 : index
            %swap3A_290 = tpu.vector_load %arg16[%swap3A_288, %swap3A_289] {strides = array<i32>} : memref<144x512xf32, #tpu.memory_space<vmem>>, vector<16xf32>,
            tpu.vector_store %arg16[%swap3A_288, %swap3A_289], %get3A_287 {add = true, strides = array<i32>} : memref<144x512xf32, #tpu.memory_space<vmem>>, vector<16xf32>,
            %get3A_291 = arith.index_cast %scan3A_126 : i32 to index
            %get3A_292 = arith.constant 416 : index
            %get3A_293 = tpu.vector_load %arg13[%get3A_291, %get3A_292] {strides = array<i32>} : memref<16x512xf32, #tpu.memory_space<vmem>>, vector<16xf32>,
            %swap3A_294 = arith.index_cast %reduce_sum3A_134 : i32 to index
            %swap3A_295 = arith.constant 416 : index
            %swap3A_296 = tpu.vector_load %arg16[%swap3A_294, %swap3A_295] {strides = array<i32>} : memref<144x512xf32, #tpu.memory_space<vmem>>, vector<16xf32>,
            tpu.vector_store %arg16[%swap3A_294, %swap3A_295], %get3A_293 {add = true, strides = array<i32>} : memref<144x512xf32, #tpu.memory_space<vmem>>, vector<16xf32>,
            %get3A_297 = arith.index_cast %scan3A_126 : i32 to index
            %get3A_298 = arith.constant 432 : index
            %get3A_299 = tpu.vector_load %arg13[%get3A_297, %get3A_298] {strides = array<i32>} : memref<16x512xf32, #tpu.memory_space<vmem>>, vector<16xf32>,
            %swap3A_300 = arith.index_cast %reduce_sum3A_134 : i32 to index
            %swap3A_301 = arith.constant 432 : index
            %swap3A_302 = tpu.vector_load %arg16[%swap3A_300, %swap3A_301] {strides = array<i32>} : memref<144x512xf32, #tpu.memory_space<vmem>>, vector<16xf32>,
            tpu.vector_store %arg16[%swap3A_300, %swap3A_301], %get3A_299 {add = true, strides = array<i32>} : memref<144x512xf32, #tpu.memory_space<vmem>>, vector<16xf32>,
            %get3A_303 = arith.index_cast %scan3A_126 : i32 to index
            %get3A_304 = arith.constant 448 : index
            %get3A_305 = tpu.vector_load %arg13[%get3A_303, %get3A_304] {strides = array<i32>} : memref<16x512xf32, #tpu.memory_space<vmem>>, vector<16xf32>,
            %swap3A_306 = arith.index_cast %reduce_sum3A_134 : i32 to index
            %swap3A_307 = arith.constant 448 : index
            %swap3A_308 = tpu.vector_load %arg16[%swap3A_306, %swap3A_307] {strides = array<i32>} : memref<144x512xf32, #tpu.memory_space<vmem>>, vector<16xf32>,
            tpu.vector_store %arg16[%swap3A_306, %swap3A_307], %get3A_305 {add = true, strides = array<i32>} : memref<144x512xf32, #tpu.memory_space<vmem>>, vector<16xf32>,
            %get3A_309 = arith.index_cast %scan3A_126 : i32 to index
            %get3A_310 = arith.constant 464 : index
            %get3A_311 = tpu.vector_load %arg13[%get3A_309, %get3A_310] {strides = array<i32>} : memref<16x512xf32, #tpu.memory_space<vmem>>, vector<16xf32>,
            %swap3A_312 = arith.index_cast %reduce_sum3A_134 : i32 to index
            %swap3A_313 = arith.constant 464 : index
            %swap3A_314 = tpu.vector_load %arg16[%swap3A_312, %swap3A_313] {strides = array<i32>} : memref<144x512xf32, #tpu.memory_space<vmem>>, vector<16xf32>,
            tpu.vector_store %arg16[%swap3A_312, %swap3A_313], %get3A_311 {add = true, strides = array<i32>} : memref<144x512xf32, #tpu.memory_space<vmem>>, vector<16xf32>,
            %get3A_315 = arith.index_cast %scan3A_126 : i32 to index
            %get3A_316 = arith.constant 480 : index
            %get3A_317 = tpu.vector_load %arg13[%get3A_315, %get3A_316] {strides = array<i32>} : memref<16x512xf32, #tpu.memory_space<vmem>>, vector<16xf32>,
            %swap3A_318 = arith.index_cast %reduce_sum3A_134 : i32 to index
            %swap3A_319 = arith.constant 480 : index
            %swap3A_320 = tpu.vector_load %arg16[%swap3A_318, %swap3A_319] {strides = array<i32>} : memref<144x512xf32, #tpu.memory_space<vmem>>, vector<16xf32>,
            tpu.vector_store %arg16[%swap3A_318, %swap3A_319], %get3A_317 {add = true, strides = array<i32>} : memref<144x512xf32, #tpu.memory_space<vmem>>, vector<16xf32>,
            %get3A_321 = arith.index_cast %scan3A_126 : i32 to index
            %get3A_322 = arith.constant 496 : index
            %get3A_323 = tpu.vector_load %arg13[%get3A_321, %get3A_322] {strides = array<i32>} : memref<16x512xf32, #tpu.memory_space<vmem>>, vector<16xf32>,
            %swap3A_324 = arith.index_cast %reduce_sum3A_134 : i32 to index
            %swap3A_325 = arith.constant 496 : index
            %swap3A_326 = tpu.vector_load %arg16[%swap3A_324, %swap3A_325] {strides = array<i32>} : memref<144x512xf32, #tpu.memory_space<vmem>>, vector<16xf32>,
            tpu.vector_store %arg16[%swap3A_324, %swap3A_325], %get3A_323 {add = true, strides = array<i32>} : memref<144x512xf32, #tpu.memory_space<vmem>>, vector<16xf32>,
            %get3A_327 = arith.constant 0 : i32
            %get3A_328 = arith.index_cast %get3A_327 : i32 to index
            %get3A_329 = arith.constant 0 : index
            %get3A_330 = tpu.vector_load %arg15[%get3A_328, %get3A_329] {strides = array<i32>} : memref<16x16xf32, #tpu.memory_space<vmem>>, vector<16xf32>,
            %swap3A_331 = arith.index_cast %reduce_sum3A_134 : i32 to index
            %swap3A_332 = arith.constant 0 : index
            %swap3A_333 = tpu.vector_load %arg17[%swap3A_331, %swap3A_332] {strides = array<i32>} : memref<144x16xf32, #tpu.memory_space<vmem>>, vector<16xf32>,
            tpu.vector_store %arg17[%swap3A_331, %swap3A_332], %get3A_330 {add = true, strides = array<i32>} : memref<144x16xf32, #tpu.memory_space<vmem>>, vector<16xf32>,
          }
          %scan3A_125 = arith.constant 16 : i32
        }
      } else {
      }
      %mul3A_56 = arith.constant 128 : i32
      %mul3A_57 = arith.muli %arg1, %mul3A_56 : i32
      %add3A_58 = arith.addi %mul3A_22, %mul3A_57 : i32
      %add3A_59 = arith.constant 128 : i32
      %add3A_60 = arith.addi %add3A_58, %add3A_59 : i32
      %le3A = arith.constant 50000 : i32
      %le3A_61 = arith.cmpi sle, %add3A_60, %le3A : i32
      %convert_element_type3A_62 = arith.extui %le3A_61 : i1 to i32
      %cond3A_63 = arith.constant 0 : i32
      %cond3A_64 = arith.cmpi ne, %convert_element_type3A_62, %cond3A_63 : i32
      scf.if %cond3A_64 {
        "tpu.region"() ({
          %run_scoped3A = tpu.sem_alloc : memref<!tpu.dma_semaphore, #tpu.memory_space<semaphore_mem>>
          %dma_start3A = arith.constant 0 : i32
          %dma_start3A_74 = arith.constant 0 : i32
          %dma_start3A_75 = tpu.memref_slice %arg16[%dma_start3A, %dma_start3A_74] : memref<144x512xf32, #tpu.memory_space<vmem>> -> memref<128x512xf32, #tpu.memory_space<vmem>>
          %dma_start3A_76 = arith.constant 0 : i32
          %dma_start3A_77 = tpu.memref_slice %arg4[%add3A_58, %dma_start3A_76] : memref<50000x512xf32, #tpu.memory_space<hbm>> -> memref<128x512xf32, #tpu.memory_space<hbm>>
          %dma_start3A_78 = arith.constant 0 : i32
          %dma_start3A_79 = tpu.memref_slice %arg4[%add3A_58, %dma_start3A_78] : memref<50000x512xf32, #tpu.memory_space<hbm>> -> memref<128x512xf32, #tpu.memory_space<hbm>>
          %dma_start3A_80 = arith.constant 0 : i32
          %dma_start3A_81 = arith.constant 0 : i32
          %dma_start3A_82 = tpu.memref_slice %arg16[%dma_start3A_80, %dma_start3A_81] : memref<144x512xf32, #tpu.memory_space<vmem>> -> memref<128x512xf32, #tpu.memory_space<vmem>>
          tpu.enqueue_dma source(%dma_start3A_82 : memref<128x512xf32, #tpu.memory_space<vmem>>) target(%dma_start3A_79 : memref<128x512xf32, #tpu.memory_space<hbm>>) target_semaphore(%run_scoped3A : memref<!tpu.dma_semaphore, #tpu.memory_space<semaphore_mem>>)
          %dma_wait3A = arith.constant 0 : i32
          %dma_wait3A_83 = arith.constant 0 : i32
          %dma_wait3A_84 = tpu.memref_slice %arg16[%dma_wait3A, %dma_wait3A_83] : memref<144x512xf32, #tpu.memory_space<vmem>> -> memref<128x512xf32, #tpu.memory_space<vmem>>
          %dma_wait3A_85 = arith.constant 0 : i32
          %dma_wait3A_86 = tpu.memref_slice %arg4[%add3A_58, %dma_wait3A_85] : memref<50000x512xf32, #tpu.memory_space<hbm>> -> memref<128x512xf32, #tpu.memory_space<hbm>>
          %dma_wait3A_87 = arith.constant 0 : i32
          %dma_wait3A_88 = tpu.memref_slice %arg4[%add3A_58, %dma_wait3A_87] : memref<50000x512xf32, #tpu.memory_space<hbm>> -> memref<128x512xf32, #tpu.memory_space<hbm>>
          %dma_wait3A_89 = arith.constant 0 : i32
          %dma_wait3A_90 = arith.constant 0 : i32
          %dma_wait3A_91 = tpu.memref_slice %arg16[%dma_wait3A_89, %dma_wait3A_90] : memref<144x512xf32, #tpu.memory_space<vmem>> -> memref<128x512xf32, #tpu.memory_space<vmem>>
          tpu.wait_dma2 semaphore(%run_scoped3A : memref<!tpu.dma_semaphore, #tpu.memory_space<semaphore_mem>>) src(%dma_wait3A_91 : memref<128x512xf32, #tpu.memory_space<vmem>>) dst(%dma_wait3A_88 : memref<128x512xf32, #tpu.memory_space<hbm>>)
          tpu.yield
        }) : () -> ()
        "tpu.region"() ({
          %run_scoped3A = tpu.sem_alloc : memref<!tpu.dma_semaphore, #tpu.memory_space<semaphore_mem>>
          %dma_start3A = arith.constant 0 : i32
          %dma_start3A_74 = arith.constant 0 : i32
          %dma_start3A_75 = tpu.memref_slice %arg17[%dma_start3A, %dma_start3A_74] : memref<144x16xf32, #tpu.memory_space<vmem>> -> memref<128x16xf32, #tpu.memory_space<vmem>>
          %dma_start3A_76 = arith.constant 0 : i32
          %dma_start3A_77 = tpu.memref_slice %arg5[%add3A_58, %dma_start3A_76] : memref<50000x16xf32, #tpu.memory_space<hbm>> -> memref<128x16xf32, #tpu.memory_space<hbm>>
          %dma_start3A_78 = arith.constant 0 : i32
          %dma_start3A_79 = tpu.memref_slice %arg5[%add3A_58, %dma_start3A_78] : memref<50000x16xf32, #tpu.memory_space<hbm>> -> memref<128x16xf32, #tpu.memory_space<hbm>>
          %dma_start3A_80 = arith.constant 0 : i32
          %dma_start3A_81 = arith.constant 0 : i32
          %dma_start3A_82 = tpu.memref_slice %arg17[%dma_start3A_80, %dma_start3A_81] : memref<144x16xf32, #tpu.memory_space<vmem>> -> memref<128x16xf32, #tpu.memory_space<vmem>>
          tpu.enqueue_dma source(%dma_start3A_82 : memref<128x16xf32, #tpu.memory_space<vmem>>) target(%dma_start3A_79 : memref<128x16xf32, #tpu.memory_space<hbm>>) target_semaphore(%run_scoped3A : memref<!tpu.dma_semaphore, #tpu.memory_space<semaphore_mem>>)
          %dma_wait3A = arith.constant 0 : i32
          %dma_wait3A_83 = arith.constant 0 : i32
          %dma_wait3A_84 = tpu.memref_slice %arg17[%dma_wait3A, %dma_wait3A_83] : memref<144x16xf32, #tpu.memory_space<vmem>> -> memref<128x16xf32, #tpu.memory_space<vmem>>
          %dma_wait3A_85 = arith.constant 0 : i32
          %dma_wait3A_86 = tpu.memref_slice %arg5[%add3A_58, %dma_wait3A_85] : memref<50000x16xf32, #tpu.memory_space<hbm>> -> memref<128x16xf32, #tpu.memory_space<hbm>>
          %dma_wait3A_87 = arith.constant 0 : i32
          %dma_wait3A_88 = tpu.memref_slice %arg5[%add3A_58, %dma_wait3A_87] : memref<50000x16xf32, #tpu.memory_space<hbm>> -> memref<128x16xf32, #tpu.memory_space<hbm>>
          %dma_wait3A_89 = arith.constant 0 : i32
          %dma_wait3A_90 = arith.constant 0 : i32
          %dma_wait3A_91 = tpu.memref_slice %arg17[%dma_wait3A_89, %dma_wait3A_90] : memref<144x16xf32, #tpu.memory_space<vmem>> -> memref<128x16xf32, #tpu.memory_space<vmem>>
          tpu.wait_dma2 semaphore(%run_scoped3A : memref<!tpu.dma_semaphore, #tpu.memory_space<semaphore_mem>>) src(%dma_wait3A_91 : memref<128x16xf32, #tpu.memory_space<vmem>>) dst(%dma_wait3A_88 : memref<128x16xf32, #tpu.memory_space<hbm>>)
          tpu.yield
        }) : () -> ()
      } else {
      }
      %lt3A = arith.constant 50000 : i32
      %lt3A_65 = arith.cmpi slt, %add3A_58, %lt3A : i32
      %add3A_66 = arith.constant 128 : i32
      %add3A_67 = arith.addi %add3A_58, %add3A_66 : i32
      %gt3A_68 = arith.constant 50000 : i32
      %gt3A_69 = arith.cmpi sgt, %add3A_67, %gt3A_68 : i32
      %and3A = arith.andi %lt3A_65, %gt3A_69 : i1
      %convert_element_type3A_70 = arith.extui %and3A : i1 to i32
      %cond3A_71 = arith.constant 0 : i32
      %cond3A_72 = arith.cmpi ne, %convert_element_type3A_70, %cond3A_71 : i32
      scf.if %cond3A_72 {
        "tpu.region"() ({
          %run_scoped3A = tpu.sem_alloc : memref<!tpu.dma_semaphore, #tpu.memory_space<semaphore_mem>>
          %dma_start3A = arith.constant 0 : i32
          %dma_start3A_74 = arith.constant 0 : i32
          %dma_start3A_75 = tpu.memref_slice %arg16[%dma_start3A, %dma_start3A_74] : memref<144x512xf32, #tpu.memory_space<vmem>> -> memref<80x512xf32, #tpu.memory_space<vmem>>
          %dma_start3A_76 = arith.constant 0 : i32
          %dma_start3A_77 = tpu.memref_slice %arg4[%add3A_58, %dma_start3A_76] : memref<50000x512xf32, #tpu.memory_space<hbm>> -> memref<80x512xf32, #tpu.memory_space<hbm>>
          %dma_start3A_78 = arith.constant 0 : i32
          %dma_start3A_79 = tpu.memref_slice %arg4[%add3A_58, %dma_start3A_78] : memref<50000x512xf32, #tpu.memory_space<hbm>> -> memref<80x512xf32, #tpu.memory_space<hbm>>
          %dma_start3A_80 = arith.constant 0 : i32
          %dma_start3A_81 = arith.constant 0 : i32
          %dma_start3A_82 = tpu.memref_slice %arg16[%dma_start3A_80, %dma_start3A_81] : memref<144x512xf32, #tpu.memory_space<vmem>> -> memref<80x512xf32, #tpu.memory_space<vmem>>
          tpu.enqueue_dma source(%dma_start3A_82 : memref<80x512xf32, #tpu.memory_space<vmem>>) target(%dma_start3A_79 : memref<80x512xf32, #tpu.memory_space<hbm>>) target_semaphore(%run_scoped3A : memref<!tpu.dma_semaphore, #tpu.memory_space<semaphore_mem>>)
          %dma_wait3A = arith.constant 0 : i32
          %dma_wait3A_83 = arith.constant 0 : i32
          %dma_wait3A_84 = tpu.memref_slice %arg16[%dma_wait3A, %dma_wait3A_83] : memref<144x512xf32, #tpu.memory_space<vmem>> -> memref<80x512xf32, #tpu.memory_space<vmem>>
          %dma_wait3A_85 = arith.constant 0 : i32
          %dma_wait3A_86 = tpu.memref_slice %arg4[%add3A_58, %dma_wait3A_85] : memref<50000x512xf32, #tpu.memory_space<hbm>> -> memref<80x512xf32, #tpu.memory_space<hbm>>
          %dma_wait3A_87 = arith.constant 0 : i32
          %dma_wait3A_88 = tpu.memref_slice %arg4[%add3A_58, %dma_wait3A_87] : memref<50000x512xf32, #tpu.memory_space<hbm>> -> memref<80x512xf32, #tpu.memory_space<hbm>>
          %dma_wait3A_89 = arith.constant 0 : i32
          %dma_wait3A_90 = arith.constant 0 : i32
          %dma_wait3A_91 = tpu.memref_slice %arg16[%dma_wait3A_89, %dma_wait3A_90] : memref<144x512xf32, #tpu.memory_space<vmem>> -> memref<80x512xf32, #tpu.memory_space<vmem>>
          tpu.wait_dma2 semaphore(%run_scoped3A : memref<!tpu.dma_semaphore, #tpu.memory_space<semaphore_mem>>) src(%dma_wait3A_91 : memref<80x512xf32, #tpu.memory_space<vmem>>) dst(%dma_wait3A_88 : memref<80x512xf32, #tpu.memory_space<hbm>>)
          tpu.yield
        }) : () -> ()
        "tpu.region"() ({
          %run_scoped3A = tpu.sem_alloc : memref<!tpu.dma_semaphore, #tpu.memory_space<semaphore_mem>>
          %dma_start3A = arith.constant 0 : i32
          %dma_start3A_74 = arith.constant 0 : i32
          %dma_start3A_75 = tpu.memref_slice %arg17[%dma_start3A, %dma_start3A_74] : memref<144x16xf32, #tpu.memory_space<vmem>> -> memref<80x16xf32, #tpu.memory_space<vmem>>
          %dma_start3A_76 = arith.constant 0 : i32
          %dma_start3A_77 = tpu.memref_slice %arg5[%add3A_58, %dma_start3A_76] : memref<50000x16xf32, #tpu.memory_space<hbm>> -> memref<80x16xf32, #tpu.memory_space<hbm>>
          %dma_start3A_78 = arith.constant 0 : i32
          %dma_start3A_79 = tpu.memref_slice %arg5[%add3A_58, %dma_start3A_78] : memref<50000x16xf32, #tpu.memory_space<hbm>> -> memref<80x16xf32, #tpu.memory_space<hbm>>
          %dma_start3A_80 = arith.constant 0 : i32
          %dma_start3A_81 = arith.constant 0 : i32
          %dma_start3A_82 = tpu.memref_slice %arg17[%dma_start3A_80, %dma_start3A_81] : memref<144x16xf32, #tpu.memory_space<vmem>> -> memref<80x16xf32, #tpu.memory_space<vmem>>
          tpu.enqueue_dma source(%dma_start3A_82 : memref<80x16xf32, #tpu.memory_space<vmem>>) target(%dma_start3A_79 : memref<80x16xf32, #tpu.memory_space<hbm>>) target_semaphore(%run_scoped3A : memref<!tpu.dma_semaphore, #tpu.memory_space<semaphore_mem>>)
          %dma_wait3A = arith.constant 0 : i32
          %dma_wait3A_83 = arith.constant 0 : i32
          %dma_wait3A_84 = tpu.memref_slice %arg17[%dma_wait3A, %dma_wait3A_83] : memref<144x16xf32, #tpu.memory_space<vmem>> -> memref<80x16xf32, #tpu.memory_space<vmem>>
          %dma_wait3A_85 = arith.constant 0 : i32
          %dma_wait3A_86 = tpu.memref_slice %arg5[%add3A_58, %dma_wait3A_85] : memref<50000x16xf32, #tpu.memory_space<hbm>> -> memref<80x16xf32, #tpu.memory_space<hbm>>
          %dma_wait3A_87 = arith.constant 0 : i32
          %dma_wait3A_88 = tpu.memref_slice %arg5[%add3A_58, %dma_wait3A_87] : memref<50000x16xf32, #tpu.memory_space<hbm>> -> memref<80x16xf32, #tpu.memory_space<hbm>>
          %dma_wait3A_89 = arith.constant 0 : i32
          %dma_wait3A_90 = arith.constant 0 : i32
          %dma_wait3A_91 = tpu.memref_slice %arg17[%dma_wait3A_89, %dma_wait3A_90] : memref<144x16xf32, #tpu.memory_space<vmem>> -> memref<80x16xf32, #tpu.memory_space<vmem>>
          tpu.wait_dma2 semaphore(%run_scoped3A : memref<!tpu.dma_semaphore, #tpu.memory_space<semaphore_mem>>) src(%dma_wait3A_91 : memref<80x16xf32, #tpu.memory_space<vmem>>) dst(%dma_wait3A_88 : memref<80x16xf32, #tpu.memory_space<hbm>>)
          tpu.yield
        }) : () -> ()
      } else {
      }
      %barrier3A_73 = arith.constant 0 : index
      tpu.barrier barrier_id(%barrier3A_73)
    }
    %scan3A_18 = arith.constant 13 : i32
    return
  }
}

module attributes {stable_mosaic.version = 14 : i64} {
  func.func @_tc_body(%arg0: i32, %arg1: memref<400x512xf32, #tpu.memory_space<vmem>>, %arg2: memref<400x512xf32, #tpu.memory_space<vmem>>, %arg3: memref<400x16xf32, #tpu.memory_space<vmem>>, %arg4: memref<400x1xf32, #tpu.memory_space<vmem>>, %arg5: memref<512x512xf32, #tpu.memory_space<vmem>>, %arg6: memref<512x512xf32, #tpu.memory_space<vmem>>, %arg7: memref<1x512xf32, #tpu.memory_space<vmem>>, %arg8: memref<400x512xf32, #tpu.memory_space<vmem>>) attributes {dimension_semantics = [#tpu.dimension_semantics<arbitrary>], iteration_bounds = array<i64: 125>, scalar_prefetch = 0 : i64, scratch_operands = 0 : i64, tpu.core_type = #tpu.core_type<tc>, window_params = [{transform_indices = @transform_0, window_bounds = array<i64: 400, 512>}, {transform_indices = @transform_1, window_bounds = array<i64: 400, 512>}, {transform_indices = @transform_2, window_bounds = array<i64: 400, 16>}, {transform_indices = @transform_3, window_bounds = array<i64: 400, 1>}, {pipeline_mode = #tpu.pipeline_mode<synchronous>, transform_indices = @transform_4, window_bounds = array<i64: 512, 512>}, {pipeline_mode = #tpu.pipeline_mode<synchronous>, transform_indices = @transform_5, window_bounds = array<i64: 512, 512>}, {pipeline_mode = #tpu.pipeline_mode<synchronous>, transform_indices = @transform_6, window_bounds = array<i64: 1, 512>}, {transform_indices = @transform_7, window_bounds = array<i64: 400, 512>}]} {
    %get3A = arith.constant 0 : index
    %get3A_0 = arith.constant 0 : index
    %get3A_1 = vector.load %arg3[%get3A, %get3A_0] : memref<400x16xf32, #tpu.memory_space<vmem>>, vector<400x1xf32>
    %get3A_2 = arith.constant 0 : index
    %get3A_3 = arith.constant 0 : index
    %get3A_4 = vector.load %arg2[%get3A_2, %get3A_3] : memref<400x512xf32, #tpu.memory_space<vmem>>, vector<400x512xf32>
    %max3A = arith.constant 1.000000e+00 : f32
    %max3A_5 = vector.broadcast %max3A : f32 to vector<400x1xf32>
    %max3A_6 = arith.maximumf %get3A_1, %max3A_5 : vector<400x1xf32>
    %div3A = vector.broadcast %max3A_6 : vector<400x1xf32> to vector<400x512xf32>
    %div3A_7 = arith.divf %get3A_4, %div3A : vector<400x512xf32>
    %get3A_8 = arith.constant 0 : index
    %get3A_9 = arith.constant 0 : index
    %get3A_10 = vector.load %arg1[%get3A_8, %get3A_9] : memref<400x512xf32, #tpu.memory_space<vmem>>, vector<400x512xf32>
    %get3A_11 = arith.constant 0 : index
    %get3A_12 = arith.constant 0 : index
    %get3A_13 = vector.load %arg5[%get3A_11, %get3A_12] : memref<512x512xf32, #tpu.memory_space<vmem>>, vector<512x512xf32>
    %dot_general3A = arith.constant dense<0.000000e+00> : vector<400x512xf32>
    %dot_general3A_14 = tpu.matmul %get3A_10, %get3A_13, %dot_general3A {dimension_numbers = #tpu.dot_dimension_numbers<[1], [1], [0], [0], [0, 0, 1, 0], [], []>, transpose_lhs_hint = false} : vector<400x512xf32>, vector<512x512xf32>, vector<400x512xf32> -> vector<400x512xf32>
    %get3A_15 = arith.constant 0 : index
    %get3A_16 = arith.constant 0 : index
    %get3A_17 = vector.load %arg6[%get3A_15, %get3A_16] : memref<512x512xf32, #tpu.memory_space<vmem>>, vector<512x512xf32>
    %dot_general3A_18 = arith.constant dense<0.000000e+00> : vector<400x512xf32>
    %dot_general3A_19 = tpu.matmul %div3A_7, %get3A_17, %dot_general3A_18 {dimension_numbers = #tpu.dot_dimension_numbers<[1], [1], [0], [0], [0, 0, 1, 0], [], []>, transpose_lhs_hint = false} : vector<400x512xf32>, vector<512x512xf32>, vector<400x512xf32> -> vector<400x512xf32>
    %add3A = arith.addf %dot_general3A_14, %dot_general3A_19 : vector<400x512xf32>
    %get3A_20 = arith.constant 0 : index
    %get3A_21 = arith.constant 0 : index
    %get3A_22 = vector.load %arg7[%get3A_20, %get3A_21] : memref<1x512xf32, #tpu.memory_space<vmem>>, vector<1x512xf32>
    %add3A_23 = vector.broadcast %get3A_22 : vector<1x512xf32> to vector<400x512xf32>
    %add3A_24 = arith.addf %add3A, %add3A_23 : vector<400x512xf32>
    %max3A_25 = arith.constant 0.000000e+00 : f32
    %max3A_26 = vector.broadcast %max3A_25 : f32 to vector<400x512xf32>
    %max3A_27 = arith.maximumf %add3A_24, %max3A_26 : vector<400x512xf32>
    %get3A_28 = arith.constant 0 : index
    %get3A_29 = arith.constant 0 : index
    %get3A_30 = vector.load %arg4[%get3A_28, %get3A_29] : memref<400x1xf32, #tpu.memory_space<vmem>>, vector<400x1xf32>
    %ne3A = arith.constant 0.000000e+00 : f32
    %ne3A_31 = vector.broadcast %ne3A : f32 to vector<400x1xf32>
    %ne3A_32 = arith.cmpf one, %get3A_30, %ne3A_31 : vector<400x1xf32>
    %get3A_33 = arith.constant 0 : index
    %get3A_34 = arith.constant 0 : index
    %get3A_35 = vector.load %arg1[%get3A_33, %get3A_34] : memref<400x512xf32, #tpu.memory_space<vmem>>, vector<400x512xf32>
    %broadcast_in_dim3A = vector.shape_cast %ne3A_32 : vector<400x1xi1> to vector<400x1xi1>
    %broadcast_in_dim3A_36 = vector.broadcast %broadcast_in_dim3A : vector<400x1xi1> to vector<400x512xi1>
    %select_n3A = arith.select %broadcast_in_dim3A_36, %max3A_27, %get3A_35 : vector<400x512xi1>, vector<400x512xf32>
    %swap3A = arith.constant 0 : index
    %swap3A_37 = arith.constant 0 : index
    %swap3A_38 = vector.load %arg8[%swap3A, %swap3A_37] : memref<400x512xf32, #tpu.memory_space<vmem>>, vector<400x512xf32>
    tpu.vector_store %arg8[%swap3A, %swap3A_37], %select_n3A {strides = array<i32>} : memref<400x512xf32, #tpu.memory_space<vmem>>, vector<400x512xf32>,
    return
  }
  func.func @transform_0(%arg0: i32) -> (i32, i32) {
    %c0_i32 = arith.constant 0 : i32
    %c0_i32_0 = arith.constant 0 : i32
    return %arg0, %c0_i32 : i32, i32
  }
  func.func @transform_1(%arg0: i32) -> (i32, i32) {
    %c0_i32 = arith.constant 0 : i32
    %c0_i32_0 = arith.constant 0 : i32
    return %arg0, %c0_i32 : i32, i32
  }
  func.func @transform_2(%arg0: i32) -> (i32, i32) {
    %c0_i32 = arith.constant 0 : i32
    %c0_i32_0 = arith.constant 0 : i32
    return %arg0, %c0_i32 : i32, i32
  }
  func.func @transform_3(%arg0: i32) -> (i32, i32) {
    %c0_i32 = arith.constant 0 : i32
    %c0_i32_0 = arith.constant 0 : i32
    return %arg0, %c0_i32 : i32, i32
  }
  func.func @transform_4(%arg0: i32) -> (i32, i32) {
    %c0_i32 = arith.constant 0 : i32
    %c0_i32_0 = arith.constant 0 : i32
    %c0_i32_1 = arith.constant 0 : i32
    return %c0_i32, %c0_i32_0 : i32, i32
  }
  func.func @transform_5(%arg0: i32) -> (i32, i32) {
    %c0_i32 = arith.constant 0 : i32
    %c0_i32_0 = arith.constant 0 : i32
    %c0_i32_1 = arith.constant 0 : i32
    return %c0_i32, %c0_i32_0 : i32, i32
  }
  func.func @transform_6(%arg0: i32) -> (i32, i32) {
    %c0_i32 = arith.constant 0 : i32
    %c0_i32_0 = arith.constant 0 : i32
    %c0_i32_1 = arith.constant 0 : i32
    return %c0_i32, %c0_i32_0 : i32, i32
  }
  func.func @transform_7(%arg0: i32) -> (i32, i32) {
    %c0_i32 = arith.constant 0 : i32
    %c0_i32_0 = arith.constant 0 : i32
    return %arg0, %c0_i32 : i32, i32
  }
}

</mosaic_0001>

<sc_bundles>
// kernel: kernel.4.cloned.1.call-start
scs
__scs_entry_jumppad:
0x0: {  	(pc) =	sbr.rel $0x88, $3  }
0x1: {  	(tag) =	ssettag $0x0;
	lr =	simm.s32 $0x1  }
0x2: {  	[smem:$0x3F9A] =	sst lr;
	_ =	strace $0xD0000000  }
0x3: {  	_ = 	snop  }
0x4: {  	_ = 	snop  }
0x5: {  	_ = 	snop  }
0x6: {  	_ = 	snop  }
0x7: {  	_ = 	snop  }
__scs_overlays_trampoline_lowered:
0x8: {  	[smem:$0x3FA9] =	sst s0  }
0x9: {  	[smem:$0x3FAA] =	sst s1  }
0xa: {  	[smem:$0x3FAB] =	sst s2  }
0xb: {  	[smem:$0x3FAC] =	sst s3  }
0xc: {  	[smem:$0x3FAD] =	sst s4  }
0xd: {  	[smem:$0x3FAE] =	sst s5  }
0xe: {  	[smem:$0x3FAF] =	sst s6  }
0xf: {  	[smem:$0x3FB0] =	sst s7  }
0x10: {  	[smem:$0x3FB1] =	sst s8  }
0x11: {  	[smem:$0x3FB2] =	sst s9;
	s0 =	simm.s32 @!p0 $0x0  }
0x12: {  	s1 =	sld [smem:$0x3F98];
	s0 =	simm.s32 @p0 $0x1  }
0x13: {  	[smem:$0x3FB3] =	sst s0;
	s0 =	simm.s32 @!p1 $0x0  }
0x14: {  	s2 =	sld [smem:$0x3F97];
	s0 =	simm.s32 @p1 $0x1  }
0x15: {  	[smem:$0x3FB4] =	sst s0;
	s0 =	simm.s32 @!p2 $0x0  }
0x16: {  	s3 =	sld [smem:$0x3FDB];
	s0 =	simm.s32 @p2 $0x1  }
0x17: {  	s4 =	simm.s32 $0x1BF5;
	[smem:$0x3FB6] =	sst s0  }
0x18: {  	s0 =	sld [smem:$0x3F99];
	_ =	swait.ge [sflag:s4], $0x0  }
0x19: {  	s7 =	sld [smem:$0x3F9A]  }
0x1a: {  	s8 =	sadd.s32 $0xFFFFE003, lr  }
0x1b: {  	s9 =	sadd.s32 $0xFFFFFEF7, lr;
	s5 =	simm.s32 $0xFFFFFFFF;
	p2 =	slt.u32 s8, $0xFFFFF086  }
0x1c: {  	p1 =	slt.u32 s9, $0xF7A;
	s5 =	simm.s32 @!p2 $0x0  }
0x1d: {  	s5 =	simm.s32 @p1 $0x1;
	p0 =	seq.s32 s7, s2  }
0x1e: {  	s7 =	smul.u32 @!p0 $0xF7A, s2;
	p2 =	seq.s32 @!p0 s5, $0x0  }
0x1f: {  	s9 =	smul.u32 $0xF7A, s1;
	s8 =	simm.s32 @!p0 $0x1BF5;
	p2 =	por !p2, p0  }
0x20: {  	[sflag:s8] =	ssyncset.s32 @!p0 $0xFFFFF086;
	s6 =	sadd.s32 @!p0 s3, s7;
	s7 =	simm.s32 @!p0 $0x108  }
0x21: {  	s3 =	sadd.s32 s3, s9;
	s6 =	sadd.s32 @!p0 $0x88, s6;
	s7 =	simm.s32 @p2 $0x1082  }
0x22: {  	[simem:s7], [sflag:s8] =	dma.local @!p0 [hbm:s6], $0xF7A  }
0x23: {  	s9 =	sor.u32 $0xD0000000, s2;
	s6 =	simm.s32 $0x108;
	_ =	swait.ge @!p0 [sflag:s8], $0x0  }
0x24: {  	s3 =	sadd.s32 $0x88, s3;
	s6 =	simm.s32 @!p1 $0x1082;
	[sflag:s4] =	ssyncset.s32 $0xFFFFF086  }
0x25: {  	[simem:s6], [sflag:s4] =	dma.local [hbm:s3], $0xF7A  }
0x26: {  	[smem:$0x3F9A] =	sst s1;
	(tag) =	ssettag s2;
	_ =	strace s9  }
0x27: {  	s1 =	sld [smem:$0x3FAA]  }
0x28: {  	s2 =	sld [smem:$0x3FAB]  }
0x29: {  	s4 =	sld [smem:$0x3FAD]  }
0x2a: {  	p0 =	seq.s32 s5, $0x0;
	s5 =	sld [smem:$0x3FAE]  }
0x2b: {  	s6 =	sld [smem:$0x3FAF]  }
0x2c: {  	s7 =	sld [smem:$0x3FB0]  }
0x2d: {  	s3 =	simm.s32 $0x108;
	s8 =	sld [smem:$0x3FB1]  }
0x2e: {  	s3 =	simm.s32 @!p0 $0x1082;
	s9 =	sld [smem:$0x3FB2]  }
0x2f: {  	lr =	sadd.s32 s0, s3;
	s0 =	sld [smem:$0x3FA9]  }
0x30: {  	s3 =	sld [smem:$0x3FAC]  }
0x31: {  	[smem:$0x3FB5] =	sst s10  }
0x32: {  	s10 =	sld [smem:$0x3FB3];
	_ =	sdelay $0x3  }
0x33: {  	p0 =	seq.s32 s10, $0x1;
	s10 =	sld [smem:$0x3FB5];
	_ =	sdelay $0x3  }
0x34: {  	[smem:$0x3FB5] =	sst s10  }
0x35: {  	s10 =	sld [smem:$0x3FB4];
	_ =	sdelay $0x3  }
0x36: {  	p1 =	seq.s32 s10, $0x1;
	s10 =	sld [smem:$0x3FB5];
	_ =	sdelay $0x3  }
0x37: {  	[smem:$0x3FB5] =	sst s10  }
0x38: {  	s10 =	sld [smem:$0x3FB6]  }
0x39: {  	_ = 	snop;
	(pc) =	sbr.ind lr, $3  }
0x3a: {  	_ = 	snop  }
0x3b: {  	_ = 	snop  }
0x3c: {  	p2 =	seq.s32 s10, $0x1;
	s10 =	sld [smem:$0x3FB5]  }
0x3d: {  	_ =	shalt  }
0x3e: {  	_ =	shalt  }
0x3f: {  	_ =	shalt  }
0x40: {  	_ =	shalt  }
0x41: {  	_ =	shalt  }
0x42: {  	_ =	shalt  }
0x43: {  	_ =	shalt  }
0x44: {  	_ =	shalt  }
0x45: {  	_ =	shalt  }
0x46: {  	_ =	shalt  }
0x47: {  	_ =	shalt  }
0x48: {  	_ =	shalt  }
0x49: {  	_ =	shalt  }
0x4a: {  	_ =	shalt  }
0x4b: {  	_ =	shalt  }
0x4c: {  	_ =	shalt  }
0x4d: {  	_ =	shalt  }
0x4e: {  	_ =	shalt  }
0x4f: {  	_ =	shalt  }
0x50: {  	_ =	shalt  }
0x51: {  	_ =	shalt  }
0x52: {  	_ =	shalt  }
0x53: {  	_ =	shalt  }
0x54: {  	_ =	shalt  }
0x55: {  	_ =	shalt  }
0x56: {  	_ =	shalt  }
0x57: {  	_ =	shalt  }
0x58: {  	_ =	shalt  }
0x59: {  	_ =	shalt  }
0x5a: {  	_ =	shalt  }
0x5b: {  	_ =	shalt  }
0x5c: {  	_ =	shalt  }
0x5d: {  	_ =	shalt  }
0x5e: {  	_ =	shalt  }
0x5f: {  	_ =	shalt  }
0x60: {  	_ =	shalt  }
0x61: {  	_ =	shalt  }
0x62: {  	_ =	shalt  }
0x63: {  	_ =	shalt  }
0x64: {  	_ =	shalt  }
0x65: {  	_ =	shalt  }
0x66: {  	_ =	shalt  }
0x67: {  	_ =	shalt  }
0x68: {  	_ =	shalt  }
0x69: {  	_ =	shalt  }
0x6a: {  	_ =	shalt  }
0x6b: {  	_ =	shalt  }
0x6c: {  	_ =	shalt  }
0x6d: {  	_ =	shalt  }
0x6e: {  	_ =	shalt  }
0x6f: {  	_ =	shalt  }
0x70: {  	_ =	shalt  }
0x71: {  	_ =	shalt  }
0x72: {  	_ =	shalt  }
0x73: {  	_ =	shalt  }
0x74: {  	_ =	shalt  }
0x75: {  	_ =	shalt  }
0x76: {  	_ =	shalt  }
0x77: {  	_ =	shalt  }
0x78: {  	_ =	shalt  }
0x79: {  	_ =	shalt  }
0x7a: {  	_ =	shalt  }
0x7b: {  	_ =	shalt  }
0x7c: {  	_ =	shalt  }
0x7d: {  	_ =	shalt  }
0x7e: {  	_ =	shalt  }
0x7f: {  	_ =	shalt  }
0x80: {  	_ =	shalt  }
0x81: {  	_ =	shalt  }
0x82: {  	_ =	shalt  }
0x83: {  	_ =	shalt  }
0x84: {  	_ =	shalt  }
0x85: {  	_ =	shalt  }
0x86: {  	_ =	shalt  }
0x87: {  	_ =	shalt  }
.Lfunc_end0:
.L_simem_size_0:
called_computation_lowered:
.L_overlay_start_0:
0x88: {  	s2 =	sld [smem:$0x3FD9]  }
0x89: {  	s3 =	sld [smem:$0x3FFE];
	_ =	sdelay $0x1  }
0x8a: {  	s1 =	srdreg.scid  }
0x8b: {  	s0 =	sand.u32 $0x1, s1  }
0x8c: {  	s17 =	sshll.u32 s0, $0xA;
	s2 =	sadd.s32 s3, s2  }
0x8d: {  	s2 =	sadd.s32 s2, s17  }
0x8e: {  	[smem:$0x3FC1] =	sst s2  }
0x8f: {  	_ = 	snop  }
0x90: {  	s2 =	sld [smem:$0x3FC9]  }
0x91: {  	s18 =	sld [smem:$0x3FD0];
	(tm) =	ssettm $0x1  }
0x92: {  	s4 =	sld [smem:$0x3FFB];
	_ =	sdelay $0x3  }
0x93: {  	_ =	strace s4  }
0x94: {  	s4 =	sld [smem:$0x3FFC];
	_ =	sdelay $0x3  }
0x95: {  	_ =	strace s4  }
0x96: {  	s4 =	sld [smem:$0x3FFD];
	_ =	sdelay $0x3  }
0x97: {  	_ =	strace s4  }
0x98: {  	_ =	strace $0x8FFFFFFF  }
0x99: {  	s19 =	sld [smem:$0x3FDB];
	_ =	sdelay $0x1  }
0x9a: {  	s5 =	simm.s32 $_scs_section_size  }
0x9b: {  	s6 =	simm.s32 $_size__tile_overlayer_lowered;
	s7 =	simm.s32 $_tile_overlayer_lowered  }
0x9c: {  	s22 =	simm.s32 $0x1BFF;
	s21 =	sshll.u32 s7, $0x1;
	s4 =	sadd.s32 s5, s19  }
0x9d: {  	s8 =	simm.s32 $0x0;
	s20 =	sshll.u32 s6, $0x1;
	s6 =	sadd.s32 s21, s4  }
0x9e: {  	[timem:s8], [sflag:s22] =	dma.local [hbm:s6], s20  }
0x9f: {  	_ =	swait.ge [sflag:s22], s20  }
0xa0: {  	s5 =	ssub.s32 $0x0, s20;
	[sflag:s22] =	ssyncset.done $0x0  }
0xa1: {  	[sflag:s22] =	ssyncadd.s32 s5;
	_ =	sdelay $0x1  }
0xa2: {  	s23 =	simm.s32 $0x1B8B  }
0xa3: {  	_ =	swait.ge [sflag:s23], $0x1  }
0xa4: {  	[sflag:s23] =	ssyncset.done $0x0  }
0xa5: {  	s25 =	simm.s32 $0x1B8E;
	s24 =	sld [smem:$0x3FFE];
	[sflag:s23] =	ssyncadd.s32 $0xFFFFFFFF  }
0xa6: {  	s26 =	simm.s32 $execute0_lowered;
	[smem:$0x3FD2] =	sst s25  }
0xa7: {  	s6 =	sshll.u32 s26, $0x1;
	_ =	strace $0x80000046;
	[dreg:$0x1] =	wrdreg $0xFFFFFFFF  }
0xa8: {  	s28 =	simm.s32 $_size_execute0_lowered;
	s4 =	sadd.s32 s4, s6;
	[dreg:$0x0] =	wrdreg $0x0  }
0xa9: {  	s6 =	sshll.u32 s28, $0x1;
	[dreg:$0x2] =	wrdreg s4  }
0xaa: {  	[dreg:$0x3] =	wrdreg s6  }
0xab: {  	[dreg:$0x4] =	wrdreg $0xC0  }
0xac: {  	_ =	task [dreg:s8], $0x5FFFF  }
0xad: {  	[dreg:$0x1] =	wrdreg $0xFFFFFFFF  }
0xae: {  	[dreg:$0x0] =	wrdreg $0x60  }
0xaf: {  	[dreg:$0x2] =	wrdreg s18  }
0xb0: {  	[dreg:$0x3] =	wrdreg s2  }
0xb1: {  	[dreg:$0x4] =	wrdreg s24  }
0xb2: {  	[dreg:$0x5] =	wrdreg $0x1E6000  }
0xb3: {  	[dreg:$0x6] =	wrdreg $0x1E6100  }
0xb4: {  	[dreg:$0x7] =	wrdreg $0x1E8100  }
0xb5: {  	[dreg:$0x8] =	wrdreg $0x1C6000  }
0xb6: {  	[dreg:$0x9] =	wrdreg $0x1D6000  }
0xb7: {  	[dreg:$0xa] =	wrdreg $0x9  }
0xb8: {  	_ =	task.clear_ibuf [dreg:s8], $0xBFFFF;
	_ =	strace $0x90000046  }
0xb9: {  	s29 =	simm.s32 $0x9;
	_ =	strace $0x80000048  }
0xba: {  	_ =	swait.ge [sflag:s29], $0x1  }
0xbb: {  	[sflag:s29] =	ssyncadd.s32 $0xFFFFFFFF  }
0xbc: {  	_ =	strace $0x90000048  }
0xbd: {  	_ =	sfence  }
0xbe: {  	s30 =	sld [smem:$0x0];
	_ =	sdelay $0x2  }
0xbf: {  	s31 =	sshll.u32 s1, $0xD;
	s1 =	sshrl.u32 s1, $0x2  }
0xc0: {  	s3 =	sand.u32 $0x4000, s31;
	s1 =	sadd.s32 s1, s30  }
0xc1: {  	s0 =	sor.u32 s3, s0;
	s1 =	sshll.u32 s1, $0x11  }
0xc2: {  	s0 =	sor.u32 s1, s0  }
0xc3: {  	s0 =	sadd.s32 $0x8F2B, s0  }
0xc4: {  	[sflag:s0] =	ssyncadd.remote.s32 $0x1  }
0xc5: {  	_ =	sfence.sel $0xFFFF  }
0xc6: {  	[dreg:$0x0] =	wrdreg $0xFFFFFFFF;
	(pc) =	sbr.abs _section_cstart, $3  }
0xc7: {  	[dreg:$0x1] =	wrdreg $0xFFFFFFFF  }
0xc8: {  	_ =	task.clear_ibuf [dreg:s8], $0x2FFFF;
	_ =	strace $0x9FFFFFFF  }
0xc9: {  	(tm) =	ssettm $0x7FFFFFFF  }
tec
execute0_lowered:
.L_overlay_start_1:
0x0: {  	(tag) =	ssettag $0x1  }
0x1: {  	s0 =	rddreg [dreg:$0x0]  }
0x2: {  	s1 =	rddreg [dreg:$0x1]  }
0x3: {  	s2 =	rddreg [dreg:$0x2]  }
0x4: {  	s9 =	rddreg [dreg:$0x3]  }
0x5: {  	s6 =	rddreg [dreg:$0x6]  }
0x6: {  	s7 =	rddreg [dreg:$0x7]  }
0x7: {  	s3 =	simm.s32 $0x0;
	s23 =	srdreg.scid;
	s24 =	stileid.u32  }
0x8: {  	s20 =	simm.s32 $0x2;
	s30 =	simm.s32 $0x2E00;
	s31 =	simm.s32 $0x3600  }
0x9: {  	s18 =	simm.s32 $0x1;
	s19 =	simm.s32 $0x2480;
	[smem:$0x7FF] =	sst s3  }
0xa: {  	s22 =	sadd.s32 $0x1000, s2;
	s2 =	sadd.s32 $0x30E400, s2;
	s3 =	sand.u32 $0x1, s23  }
0xb: {  	s5 =	sshll.u32 s24, $0xC;
	s10 =	sshll.u32 s24, $0x7;
	s13 =	smul.u32 $0xFA0, s24  }
0xc: {  	s17 =	sadd.s32 $0x100, s1;
	p0 =	sne.s32 s24, $0x0;
	s23 =	simm.s32 $0x380  }
0xd: {  	s24 =	simm.s32 $0x1380;
	_ =	strace $0x80000047;
	[dreg:$0x9] =	wrdreg s22  }
0xe: {  	[dreg:$0xa] =	wrdreg s2;
	s4 =	ssub.s32 $0x2, s3;
	s3 =	smul.u32 $0xD, s3  }
0xf: {  	s25 =	sor.u32 s10, s5;
	s28 =	sadd.s32 s10, s9;
	[dreg:$0xb] =	wrdreg s10  }
0x10: {  	s2 =	simm.s32 $0x3E00;
	s5 =	simm.s32 $0x0;
	s8 =	sshrl.u32 s4, $0x1  }
.Ltmp0:
0x11: {  	[dreg:$0xc] =	wrdreg s3;
	s3 =	sand.u32 $0x8380, s25;
	(pc) =	sbr.rel .LBB2_1-.Ltmp0, $4  }
0x12: {  	v1 =	vimm.f32 $0.0e+00;
	v2 =	vimm.f32 $1.000000000e+00;
	[dreg:$0xf] =	wrdreg s28;
	s4 =	ssub.s32 s4, s8;
	s26 =	sadd.s32 s3, s6  }
0x13: {  	v3 =	vlaneseq.u32;
	v4 =	vimm.s32 $0x0;
	vm0 =	vmmov $0xffff;
	s25 =	simm.s32 $0x80;
	s3 =	sadd.s32 s3, s7;
	[dreg:$0xd] =	wrdreg s26  }
0x14: {  	v5 =	vor.u32 $0xFF0, v3;
	v6 =	vand.u32 $0x7, v3;
	v7 =	vshrl.u32 v3, $0x3;
	s8 =	simm.s32 $0x4600;
	s29 =	smax.u32 s4, $0x1;
	[dreg:$0xe] =	wrdreg s3  }
0x15: {  	v8 =	vor.u32 $0x8, v3;
	v0 =	vmov s10;
	v7 =	vmul.u32 $0x8, v7;
	[dreg:$0x10] =	wrdreg s29;
	s26 =	simm.s32 $0x400;
	s3 =	simm.s32 $0x2380  }
.LBB2_26:
0x16: {  	s5 =	rddreg [dreg:$0x11]  }
0x17: {  	s4 =	rddreg [dreg:$0x10];
	s5 =	sadd.s32 $0x1, s5  }
0x18: {  	p1 =	sne.s32 s5, s4  }
.Ltmp1:
0x19: {  	_ = 	snop;
	(pc) =	sbr.rel @!p1 .LBB2_27-.Ltmp1, $1  }
0x1a: {  	_ =	sdelay $0x3  }
.LBB2_1:
0x1b: {  	[tilespmem:$0x4E00] =	vst v1  }
0x1c: {  	[tilespmem:$0x5600] =	vst v2  }
0x1d: {  	[tilespmem:$0x4E80] =	vst v1  }
0x1e: {  	[tilespmem:$0x5680] =	vst v2  }
0x1f: {  	[tilespmem:$0x4F00] =	vst v1  }
0x20: {  	[tilespmem:$0x5700] =	vst v2  }
0x21: {  	[tilespmem:$0x4F80] =	vst v1  }
0x22: {  	[tilespmem:$0x5780] =	vst v2  }
0x23: {  	[tilespmem:$0x5000] =	vst v1  }
0x24: {  	[tilespmem:$0x5800] =	vst v2  }
0x25: {  	[tilespmem:$0x5080] =	vst v1  }
0x26: {  	[tilespmem:$0x5880] =	vst v2  }
0x27: {  	[tilespmem:$0x5100] =	vst v1  }
0x28: {  	[tilespmem:$0x5900] =	vst v2  }
0x29: {  	[tilespmem:$0x5180] =	vst v1  }
0x2a: {  	[tilespmem:$0x5980] =	vst v2  }
0x2b: {  	[tilespmem:$0x5200] =	vst v1  }
0x2c: {  	[tilespmem:$0x5A00] =	vst v2  }
0x2d: {  	[tilespmem:$0x5280] =	vst v1  }
0x2e: {  	[tilespmem:$0x5A80] =	vst v2  }
0x2f: {  	[tilespmem:$0x5300] =	vst v1  }
0x30: {  	[tilespmem:$0x5B00] =	vst v2  }
0x31: {  	[tilespmem:$0x5380] =	vst v1  }
0x32: {  	[tilespmem:$0x5B80] =	vst v2  }
0x33: {  	[tilespmem:$0x5400] =	vst v1  }
0x34: {  	[tilespmem:$0x5C00] =	vst v2  }
0x35: {  	[tilespmem:$0x5480] =	vst v1  }
0x36: {  	[tilespmem:$0x5C80] =	vst v2;
	s4 =	simm.s32 $0x0;
	s10 =	simm.s32 $0x0  }
0x37: {  	[tilespmem:$0x5500] =	vst v1;
	s9 =	simm.s32 $0x0;
	s4 =	sand.u32 $0x1000, s4;
	s28 =	sand.u32 $0xC00, s10  }
0x38: {  	[tilespmem:$0x5D00] =	vst v2;
	s9 =	sand.u32 $0x380, s9;
	s4 =	sor.u32 s28, s4  }
0x39: {  	[tilespmem:$0x5580] =	vst v1;
	s29 =	sand.u32 $0x70, s10;
	s4 =	sor.u32 s9, s4  }
0x3a: {  	[dreg:$0x11] =	wrdreg s5;
	[tilespmem:$0x5D80] =	vst v2;
	s5 =	sor.u32 s29, s4  }
0x3b: {  	s9 =	simm.s32 $0x0;
	s4 =	simm.s32 $0x1;
	[tilespmem:s5+$0x2E00] =	vst v1;
	s5 =	simm.s32 $0x80  }
.LBB2_2:
0x3c: {  	s10 =	sshll.u32 s4, $0x4;
	p1 =	sne.s32 s4, $0x1FF  }
0x3d: {  	s11 =	smov.u32 s4;
	s4 =	sadd.s32 $0x1, s4;
	s12 =	sand.u32 $0xC00, s5  }
.Ltmp2:
0x3e: {  	s10 =	sand.u32 $0x1000, s10;
	s11 =	sshll.u32 s11, $0x2;
	(pc) =	sbr.rel @p1 .LBB2_2-.Ltmp2, $4  }
0x3f: {  	s9 =	sadd.s32 $0x10, s9;
	s11 =	sand.u32 $0x380, s11;
	s10 =	sor.u32 s12, s10  }
0x40: {  	s12 =	sand.u32 $0x70, s9;
	s10 =	sor.u32 s11, s10  }
0x41: {  	s10 =	sor.u32 s12, s10  }
0x42: {  	s5 =	sadd.s32 $0x80, s5;
	[tilespmem:s10+$0x2E00] =	vst v1  }
0x43: {  	s4 =	simm.s32 @!p0 $0x2E00;
	s5 =	rddreg [dreg:$0x4]  }
0x44: {  	[spmem:s5] =	stream.linear.scatter @!p0 [tilespmem:s4], [sflag:$0x2], $0x2000, $0x38;
	[tilespmem:$0x1E820] =	vst v63  }
0x45: {  	s4 =	simm.s32 @!p0 $0x2  }
0x46: {  	_ =	swait.ge @!p0 [sflag:s4], $0x2000  }
0x47: {  	[sflag:s4] =	ssyncset.done @!p0 $0x0  }
0x48: {  	[sflag:s4] =	ssyncadd.s32 @!p0 $0xFFFFE000  }
0x49: {  	s5 =	simm.s32 @!p0 $0x4E00;
	s9 =	rddreg [dreg:$0x5]  }
0x4a: {  	[spmem:s9] =	stream.linear.scatter @!p0 [tilespmem:s5], [sflag:$0x2], $0x800, $0x38;
	[tilespmem:$0x1E820] =	vst v63  }
.Ltmp3:
0x4b: {  	_ =	swait.ge @!p0 [sflag:s4], $0x800;
	(pc) =	sbr.rel .LBB2_4-.Ltmp3, $4  }
0x4c: {  	[sflag:s4] =	ssyncset.done @!p0 $0x0  }
0x4d: {  	[sflag:s4] =	ssyncadd.s32 @!p0 $0xFFFFF800  }
0x4e: {  	[bflag:$0x0] =	sbarrier.arrive $0xFFFF  }
0x4f: {  	s9 =	simm.s32 $0x0  }
.LBB2_25:
0x50: {  	s4 =	rddreg [dreg:$0xb]  }
0x51: {  	s5 =	rddreg [dreg:$0x13]  }
0x52: {  	s4 =	sor.u32 s4, s5  }
0x53: {  	p1 =	sgt.u32 s4, $0xC2D0  }
0x54: {  	p2 =	sgt.u32 @p1 s4, $0xC34F  }
0x55: {  	p2 =	por p2, !p1  }
0x56: {  	s12 =	rddreg [dreg:$0x9];
	s5 =	sshll.u32 @!p2 s4, $0x6  }
0x57: {  	s9 =	simm.s32 @!p2 $0x0;
	s10 =	simm.s32 @!p2 $0x5E00;
	s5 =	sadd.s32 @!p2 s12, s5  }
0x58: {  	[hbm4b:s5+s9] =	stream.linear.scatter @!p2 [tilespmem:s10], [sflag:$0x2], $0xA000, $0x38;
	[tilespmem:$0x1E820] =	vst v63  }
0x59: {  	s5 =	simm.s32 @!p2 $0x2  }
0x5a: {  	_ =	swait.ge @!p2 [sflag:s5], $0xA000  }
0x5b: {  	s10 =	sshll.u32 @!p2 s4, $0x4;
	[sflag:s5] =	ssyncset.done @!p2 $0x0;
	s14 =	rddreg [dreg:$0xa]  }
0x5c: {  	s11 =	simm.s32 @!p2 $0x17E00;
	[sflag:s5] =	ssyncadd.s32 @!p2 $0xFFFF6000;
	s10 =	sadd.s32 @!p2 s14, s10  }
0x5d: {  	[hbm4b:s10+s9] =	stream.linear.scatter @!p2 [tilespmem:s11], [sflag:$0x2], $0x2800, $0x38;
	[tilespmem:$0x1E820] =	vst v63  }
0x5e: {  	_ =	swait.ge @!p2 [sflag:s5], $0x2800  }
0x5f: {  	[sflag:s5] =	ssyncset.done @!p2 $0x0  }
0x60: {  	[sflag:s5] =	ssyncadd.s32 @!p2 $0xFFFFD800;
	s5 =	sshll.u32 @!p1 s4, $0x6  }
0x61: {  	s9 =	simm.s32 @!p1 $0x0;
	s10 =	simm.s32 @!p1 $0x5E00;
	s5 =	sadd.s32 @!p1 s12, s5  }
0x62: {  	[hbm4b:s5+s9] =	stream.linear.scatter @!p1 [tilespmem:s10], [sflag:$0x2], $0x10000, $0x38;
	[tilespmem:$0x1E820] =	vst v63  }
0x63: {  	s5 =	simm.s32 @!p1 $0x2  }
0x64: {  	_ =	swait.ge @!p1 [sflag:s5], $0x10000  }
0x65: {  	s4 =	sshll.u32 @!p1 s4, $0x4;
	[sflag:s5] =	ssyncset.done @!p1 $0x0  }
0x66: {  	s4 =	sadd.s32 @!p1 s14, s4;
	s10 =	simm.s32 @!p1 $0x17E00;
	[sflag:s5] =	ssyncadd.s32 @!p1 $0xFFFF0000  }
0x67: {  	[hbm4b:s4+s9] =	stream.linear.scatter @!p1 [tilespmem:s10], [sflag:$0x2], $0x4000, $0x38;
	[tilespmem:$0x1E820] =	vst v63  }
0x68: {  	_ =	swait.ge @!p1 [sflag:s5], $0x4000  }
0x69: {  	s29 =	rddreg [dreg:$0x12]  }
0x6a: {  	[sflag:s5] =	ssyncset.done @!p1 $0x0;
	s9 =	sadd.s32 $0x1, s29  }
0x6b: {  	[sflag:s5] =	ssyncadd.s32 @!p1 $0xFFFFC000;
	p1 =	sne.s32 s9, $0xD  }
.Ltmp4:
0x6c: {  	_ = 	snop;
	(pc) =	sbr.rel @!p1 .LBB2_26-.Ltmp4, $2  }
0x6d: {  	_ =	sdelay $0x1  }
0x6e: {  	[bflag:$0x0] =	sbarrier.arrive $0xFFFF;
	_ =	sdelay $0x1  }
.LBB2_4:
0x6f: {  	s4 =	rddreg [dreg:$0x4];
	s5 =	simm.s32 $0x5E00  }
0x70: {  	[tilespmem:s5], [sflag:$0x2] =	stream.linear.gather [spmem:s4], $0x2000, $0x38;
	[tilespmem:$0x1E820] =	vst v63  }
0x71: {  	_ =	swait.ge [sflag:s20], $0x2000  }
0x72: {  	[sflag:s20] =	ssyncset.done $0x0  }
0x73: {  	s11 =	simm.s32 $0x7E00;
	[sflag:s20] =	ssyncadd.s32 $0xFFFFE000  }
0x74: {  	[tilespmem:s11], [sflag:$0x2] =	stream.linear.gather [spmem:s4], $0x2000, $0x38;
	[tilespmem:$0x1E820] =	vst v63  }
0x75: {  	_ =	swait.ge [sflag:s20], $0x2000  }
0x76: {  	[sflag:s20] =	ssyncset.done $0x0  }
0x77: {  	s12 =	simm.s32 $0x9E00;
	[sflag:s20] =	ssyncadd.s32 $0xFFFFE000  }
0x78: {  	[tilespmem:s12], [sflag:$0x2] =	stream.linear.gather [spmem:s4], $0x2000, $0x38;
	[tilespmem:$0x1E820] =	vst v63  }
0x79: {  	_ =	swait.ge [sflag:s20], $0x2000  }
0x7a: {  	[sflag:s20] =	ssyncset.done $0x0  }
0x7b: {  	s14 =	simm.s32 $0xBE00;
	[sflag:s20] =	ssyncadd.s32 $0xFFFFE000  }
0x7c: {  	[tilespmem:s14], [sflag:$0x2] =	stream.linear.gather [spmem:s4], $0x2000, $0x38;
	[tilespmem:$0x1E820] =	vst v63  }
0x7d: {  	_ =	swait.ge [sflag:s20], $0x2000  }
0x7e: {  	[sflag:s20] =	ssyncset.done $0x0  }
0x7f: {  	s15 =	simm.s32 $0xDE00;
	[sflag:s20] =	ssyncadd.s32 $0xFFFFE000  }
0x80: {  	[tilespmem:s15], [sflag:$0x2] =	stream.linear.gather [spmem:s4], $0x2000, $0x38;
	[tilespmem:$0x1E820] =	vst v63  }
0x81: {  	_ =	swait.ge [sflag:s20], $0x2000  }
0x82: {  	[sflag:s20] =	ssyncset.done $0x0  }
0x83: {  	s16 =	simm.s32 $0xFE00;
	[sflag:s20] =	ssyncadd.s32 $0xFFFFE000  }
0x84: {  	[tilespmem:s16], [sflag:$0x2] =	stream.linear.gather [spmem:s4], $0x2000, $0x38;
	[tilespmem:$0x1E820] =	vst v63  }
0x85: {  	_ =	swait.ge [sflag:s20], $0x2000  }
0x86: {  	[sflag:s20] =	ssyncset.done $0x0  }
0x87: {  	s21 =	simm.s32 $0x11E00;
	[sflag:s20] =	ssyncadd.s32 $0xFFFFE000  }
0x88: {  	[tilespmem:s21], [sflag:$0x2] =	stream.linear.gather [spmem:s4], $0x2000, $0x38;
	[tilespmem:$0x1E820] =	vst v63  }
0x89: {  	_ =	swait.ge [sflag:s20], $0x2000  }
0x8a: {  	[sflag:s20] =	ssyncset.done $0x0  }
0x8b: {  	s22 =	simm.s32 $0x13E00;
	[sflag:s20] =	ssyncadd.s32 $0xFFFFE000  }
0x8c: {  	[tilespmem:s22], [sflag:$0x2] =	stream.linear.gather [spmem:s4], $0x2000, $0x38;
	[tilespmem:$0x1E820] =	vst v63  }
0x8d: {  	_ =	swait.ge [sflag:s20], $0x2000  }
0x8e: {  	[sflag:s20] =	ssyncset.done $0x0  }
0x8f: {  	s28 =	simm.s32 $0x15E00;
	[sflag:s20] =	ssyncadd.s32 $0xFFFFE000  }
0x90: {  	[tilespmem:s28], [sflag:$0x2] =	stream.linear.gather [spmem:s4], $0x2000, $0x38;
	[tilespmem:$0x1E820] =	vst v63  }
0x91: {  	_ =	swait.ge [sflag:s20], $0x2000  }
0x92: {  	[sflag:s20] =	ssyncset.done $0x0  }
0x93: {  	[sflag:s20] =	ssyncadd.s32 $0xFFFFE000  }
0x94: {  	s10 =	simm.s32 $0x17E00;
	s29 =	rddreg [dreg:$0x5]  }
0x95: {  	[tilespmem:s10], [sflag:$0x2] =	stream.linear.gather [spmem:s29], $0x800, $0x38;
	[tilespmem:$0x1E820] =	vst v63  }
0x96: {  	_ =	swait.ge [sflag:s20], $0x800  }
0x97: {  	[sflag:s20] =	ssyncset.done $0x0  }
0x98: {  	s11 =	simm.s32 $0x18600;
	[sflag:s20] =	ssyncadd.s32 $0xFFFFF800  }
0x99: {  	[tilespmem:s11], [sflag:$0x2] =	stream.linear.gather [spmem:s29], $0x800, $0x38;
	[tilespmem:$0x1E820] =	vst v63  }
0x9a: {  	_ =	swait.ge [sflag:s20], $0x800  }
0x9b: {  	[sflag:s20] =	ssyncset.done $0x0  }
0x9c: {  	s12 =	simm.s32 $0x18E00;
	[sflag:s20] =	ssyncadd.s32 $0xFFFFF800  }
0x9d: {  	[tilespmem:s12], [sflag:$0x2] =	stream.linear.gather [spmem:s29], $0x800, $0x38;
	[tilespmem:$0x1E820] =	vst v63  }
0x9e: {  	_ =	swait.ge [sflag:s20], $0x800  }
0x9f: {  	[sflag:s20] =	ssyncset.done $0x0  }
0xa0: {  	s14 =	simm.s32 $0x19600;
	[sflag:s20] =	ssyncadd.s32 $0xFFFFF800  }
0xa1: {  	[tilespmem:s14], [sflag:$0x2] =	stream.linear.gather [spmem:s29], $0x800, $0x38;
	[tilespmem:$0x1E820] =	vst v63  }
0xa2: {  	_ =	swait.ge [sflag:s20], $0x800  }
0xa3: {  	[sflag:s20] =	ssyncset.done $0x0  }
0xa4: {  	s15 =	simm.s32 $0x19E00;
	[sflag:s20] =	ssyncadd.s32 $0xFFFFF800  }
0xa5: {  	[tilespmem:s15], [sflag:$0x2] =	stream.linear.gather [spmem:s29], $0x800, $0x38;
	[tilespmem:$0x1E820] =	vst v63  }
0xa6: {  	_ =	swait.ge [sflag:s20], $0x800  }
0xa7: {  	[sflag:s20] =	ssyncset.done $0x0  }
0xa8: {  	s16 =	simm.s32 $0x1A600;
	[sflag:s20] =	ssyncadd.s32 $0xFFFFF800  }
0xa9: {  	[tilespmem:s16], [sflag:$0x2] =	stream.linear.gather [spmem:s29], $0x800, $0x38;
	[tilespmem:$0x1E820] =	vst v63  }
0xaa: {  	_ =	swait.ge [sflag:s20], $0x800  }
0xab: {  	[sflag:s20] =	ssyncset.done $0x0  }
0xac: {  	s21 =	simm.s32 $0x1AE00;
	[sflag:s20] =	ssyncadd.s32 $0xFFFFF800  }
0xad: {  	[tilespmem:s21], [sflag:$0x2] =	stream.linear.gather [spmem:s29], $0x800, $0x38;
	[tilespmem:$0x1E820] =	vst v63  }
0xae: {  	_ =	swait.ge [sflag:s20], $0x800  }
0xaf: {  	[sflag:s20] =	ssyncset.done $0x0  }
0xb0: {  	s22 =	simm.s32 $0x1B600;
	[sflag:s20] =	ssyncadd.s32 $0xFFFFF800  }
0xb1: {  	[tilespmem:s22], [sflag:$0x2] =	stream.linear.gather [spmem:s29], $0x800, $0x38;
	[tilespmem:$0x1E820] =	vst v63  }
0xb2: {  	_ =	swait.ge [sflag:s20], $0x800  }
0xb3: {  	[sflag:s20] =	ssyncset.done $0x0  }
0xb4: {  	s28 =	simm.s32 $0x1BE00;
	[sflag:s20] =	ssyncadd.s32 $0xFFFFF800  }
0xb5: {  	[tilespmem:s28], [sflag:$0x2] =	stream.linear.gather [spmem:s29], $0x800, $0x38;
	[tilespmem:$0x1E820] =	vst v63  }
0xb6: {  	_ =	swait.ge [sflag:s20], $0x800  }
0xb7: {  	s29 =	rddreg [dreg:$0xc]  }
0xb8: {  	s5 =	simm.s32 $0x0;
	[sflag:s20] =	ssyncset.done $0x0;
	s4 =	sadd.s32 s29, s9  }
0xb9: {  	[dreg:$0x12] =	wrdreg s9;
	[sflag:s20] =	ssyncadd.s32 $0xFFFFF800;
	s4 =	sshll.u32 s4, $0xB  }
0xba: {  	s9 =	simm.s32 $0x0;
	[dreg:$0x13] =	wrdreg s4;
	v9 =	vmov s4;
	s4 =	smov.u32 s13  }
.LBB2_5:
0xbb: {  	s10 =	smul.u32 $0x320, s5;
	_ =	sdelay $0x1  }
0xbc: {  	s10 =	sadd.s32 s13, s10  }
0xbd: {  	s10 =	sshrl.u32 s10, $0x3  }
0xbe: {  	s11 =	simm.s32 $0x0;
	s10 =	sadd.s32 s0, s10  }
0xbf: {  	[tilespmem:s11], [sflag:$0x2] =	stream.linear.gather [hbm4b:s10+s11], $0x320, $0x38;
	[tilespmem:$0x1E820] =	vst v63  }
0xc0: {  	_ =	swait.ge [sflag:s20], $0x320  }
0xc1: {  	[sflag:s20] =	ssyncset.done $0x0  }
0xc2: {  	s29 =	simm.s32 $0x0;
	[sflag:s20] =	ssyncadd.s32 $0xFFFFFCE0  }
0xc3: {  	v10 =	vld [tilespmem:s29+$0x0];
	_ =	sdelay $0x4  }
0xc4: {  	v10 =	vsub.s32 v10, v9  }
0xc5: {  	vm1 =	vlt.u32 v10, $0x800  }
0xc6: {  	v11 =	vsel vm1, $0x1, v4  }
0xc7: {  	(xrf0) =	vadd.scan.msk.s32 $0xffff, v11;
	_ =	sdelay $0x2  }
0xc8: {  	v11 =	vmov s9  }
0xc9: {  	v11 =	vadd.s32 $0xFFFFFFFF, v11  }
0xca: {  	v11 =	vbroadcast v11, $0x0  }
0xcb: {  	v12, _, _ =	vpop (xrf0)  }
0xcc: {  	v11 =	vadd.s32 v12, v11;
	(v2sf) =	vpush v12, $0xF  }
0xcd: {  	v11 =	vsel vm1, v11, v5;
	_ =	sdelay $0x3  }
0xce: {  	v13 =	vor.u32 s4, v3  }
0xcf: {  	[tilespmem:v11+s23+$0x0] =	vst.idx.msk $0xffff, v13  }
0xd0: {  	s12 =	simm.s32 $0x10;
	s11 =	simm.s32 $0x80;
	s10 =	smov.u32 s4;
	[tilespmem:v11+s24+$0x0] =	vst.idx.msk $0xffff, v10  }
.LBB2_6:
0xd1: {  	p1 =	sne.s32 s11, $0xC40;
	v10 =	vld [tilespmem:s12+$0x0];
	_ =	sdelay $0x4  }
0xd2: {  	v10 =	vsub.s32 v10, v9  }
0xd3: {  	vm1 =	vlt.u32 v10, $0x800  }
0xd4: {  	v11 =	vsel vm1, $0x1, v4;
	s12 =	spop (v2sf)  }
0xd5: {  	(xrf0) =	vadd.scan.msk.s32 $0xffff, v11;
	s9 =	sadd.s32 s9, s12  }
0xd6: {  	v11 =	vmov s9  }
0xd7: {  	v11 =	vadd.s32 $0xFFFFFFFF, v11  }
0xd8: {  	v11 =	vbroadcast v11, $0x0;
	_ =	sdelay $0x2  }
0xd9: {  	v12, _, _ =	vpop (xrf0)  }
0xda: {  	v11 =	vadd.s32 v12, v11;
	(v2sf) =	vpush v12, $0xF  }
0xdb: {  	v11 =	vsel vm1, v11, v5;
	_ =	sdelay $0x1  }
.Ltmp5:
0xdc: {  	(pc) =	sbr.rel @p1 .LBB2_6-.Ltmp5, $4  }
0xdd: {  	s10 =	sadd.s32 $0x10, s10  }
0xde: {  	v12 =	vor.u32 s10, v3  }
0xdf: {  	[tilespmem:v11+s23+$0x0] =	vst.idx.msk $0xffff, v12  }
0xe0: {  	s12 =	sshra.s32 s11, $0x2;
	s11 =	sadd.s32 $0x40, s11;
	[tilespmem:v11+s24+$0x0] =	vst.idx.msk $0xffff, v10  }
0xe1: {  	v10 =	vld [tilespmem:s12+$0x0];
	_ =	sdelay $0x4  }
0xe2: {  	v10 =	vsub.s32 v10, v9  }
0xe3: {  	vm1 =	vlt.u32 v10, $0x800  }
0xe4: {  	v11 =	vsel vm1, $0x1, v4  }
0xe5: {  	(xrf0) =	vadd.scan.msk.s32 $0xffff, v11;
	_ =	sdelay $0x5  }
0xe6: {  	v11, _, _ =	vpop (xrf0)  }
0xe7: {  	(v2sf) =	vpush v11, $0xF;
	_ =	sdelay $0x2  }
0xe8: {  	s11 =	spop (v2sf)  }
0xe9: {  	s9 =	sadd.s32 s9, s11  }
0xea: {  	v12 =	vmov s9  }
0xeb: {  	v12 =	vadd.s32 $0xFFFFFFFF, v12  }
0xec: {  	v12 =	vbroadcast v12, $0x0;
	_ =	sdelay $0x1  }
0xed: {  	v11 =	vadd.s32 v11, v12  }
0xee: {  	s5 =	sadd.s32 $0x1, s5;
	v11 =	vsel vm1, v11, v5  }
0xef: {  	p1 =	sne.s32 s5, $0x5  }
.Ltmp6:
0xf0: {  	_ = 	snop;
	(pc) =	sbr.rel @p1 .LBB2_5-.Ltmp6, $4  }
0xf1: {  	s10 =	sadd.s32 $0x10, s10  }
0xf2: {  	v63 =	vor.u32 s10, v3  }
0xf3: {  	[tilespmem:v11+s23+$0x0] =	vst.idx.msk $0xffff, v63;
	s29 =	spop (v2sf)  }
0xf4: {  	s4 =	sadd.s32 $0x320, s4;
	[tilespmem:v11+s24+$0x0] =	vst.idx.msk $0xffff, v10;
	s9 =	sadd.s32 s9, s29  }
0xf5: {  	s4 =	rddreg [dreg:$0xd]  }
0xf6: {  	[spmem:s4] =	stream.strided.scatter [tilespmem:s23], [sflag:$0x2], $0x1000, s26, s25, $0x38;
	[tilespmem:$0x1E820] =	vst v63  }
0xf7: {  	_ =	swait.ge [sflag:s20], $0x1000  }
0xf8: {  	[sflag:s20] =	ssyncset.done $0x0  }
0xf9: {  	s16 =	rddreg [dreg:$0xe];
	[sflag:s20] =	ssyncadd.s32 $0xFFFFF000  }
0xfa: {  	[spmem:s16] =	stream.strided.scatter [tilespmem:s24], [sflag:$0x2], $0x1000, s26, s25, $0x38;
	[tilespmem:$0x1E820] =	vst v63  }
0xfb: {  	_ =	swait.ge [sflag:s20], $0x1000  }
0xfc: {  	[sflag:s20] =	ssyncset.done $0x0  }
0xfd: {  	v9 =	vmov s9;
	[sflag:s20] =	ssyncadd.s32 $0xFFFFF000  }
0xfe: {  	s5 =	simm.s32 $0x2D80;
	s21 =	rddreg [dreg:$0xf];
	[tilespmem:$0x2D80] =	vst v9  }
0xff: {  	[spmem:s21] =	stream.linear.scatter [tilespmem:s5], [sflag:$0x2], $0x80, $0x38;
	[tilespmem:$0x1E820] =	vst v63  }
0x100: {  	_ =	swait.ge [sflag:s20], $0x80  }
0x101: {  	[sflag:s20] =	ssyncset.done $0x0  }
0x102: {  	[sflag:s20] =	ssyncadd.s32 $0xFFFFFF80  }
0x103: {  	[bflag:$0x0] =	sbarrier.arrive $0xFFFF  }
.Ltmp7:
0x104: {  	s29 =	simm.s32 $0x2580;
	s22 =	rddreg [dreg:$0x3];
	(pc) =	sbr.rel .LBB2_9-.Ltmp7, $4  }
0x105: {  	[tilespmem:s29], [sflag:$0x2] =	stream.linear.gather [spmem:s22], $0x800, $0x38;
	[tilespmem:$0x1E820] =	vst v63  }
0x106: {  	_ =	swait.ge [sflag:s20], $0x800  }
0x107: {  	[sflag:s20] =	ssyncset.done $0x0  }
0x108: {  	s28 =	simm.s32 $0x0;
	s4 =	simm.s32 $0x0;
	[sflag:s20] =	ssyncadd.s32 $0xFFFFF800  }
.LBB2_20:
0x109: {  	s28 =	sadd.s32 $0x1, s28  }
0x10a: {  	p1 =	sne.s32 s28, $0x10  }
.Ltmp8:
0x10b: {  	_ = 	snop;
	(pc) =	sbr.rel @!p1 .LBB2_21-.Ltmp8, $1  }
0x10c: {  	_ =	sdelay $0x3  }
.LBB2_9:
0x10d: {  	s29 =	sshll.u32 s28, $0x7  }
0x10e: {  	s5 =	sand.u32 $0x3FFFFF80, s29  }
0x10f: {  	v9 =	vld [tilespmem:s5+$0x2580];
	_ =	sdelay $0x4  }
0x110: {  	v9 =	vxor.u32 $0x80000000, v9  }
0x111: {  	(xrf0) =	vmax.scan.msk.u32 $0xffff, v9;
	_ =	sdelay $0x5  }
0x112: {  	v9, _, _ =	vpop (xrf0)  }
0x113: {  	(v2sf) =	vpush v9, $0xF;
	_ =	sdelay $0xe  }
0x114: {  	s11 =	spop (v2sf)  }
0x115: {  	s12 =	sxor.u32 $0x80000000, s11  }
0x116: {  	p1 =	slt.s32 s4, $0x1;
	s5 =	sadd.s32 s4, s12  }
0x117: {  	p2 =	slt.s32 @!p1 s5, $0xFF1  }
0x118: {  	p2 =	por p1, p2  }
0x119: {  	s5 =	sadd.s32 @!p2 $0xF, s4  }
0x11a: {  	s9 =	sand.u32 @!p2 $0xF, s5  }
0x11b: {  	p3 =	slt.s32 @!p2 s5, $0x0;
	p4 =	sne.s32 @!p2 s9, $0x0  }
0x11c: {  	s9 =	sshra.s32 @!p2 s5, $0x1F;
	p3 =	por @!p2 !p3, !p4  }
0x11d: {  	s9 =	sshrl.u32 @!p2 s9, $0x1C;
	p3 =	por @!p2 !p3, !p3  }
0x11e: {  	s5 =	sadd.s32 @!p2 s9, s5;
	s9 =	simm.s32 @!p2 $0x1;
	p3 =	por !p3, p2  }
0x11f: {  	s5 =	sshra.s32 @!p2 s5, $0x4;
	s9 =	simm.s32 @p3 $0x0  }
0x120: {  	s14 =	ssub.s32 @!p2 s5, s9  }
0x121: {  	p3 =	slt.s32 @!p2 s14, $0x1  }
0x122: {  	p3 =	por p2, p3  }
.Ltmp9:
0x123: {  	_ = 	snop;
	(pc) =	sbr.rel @p3 .LBB2_10-.Ltmp9, $4  }
0x124: {  	_ = 	snop  }
0x125: {  	v9 =	vimm.s32 @!p2 $0x0  }
0x126: {  	[tilespmem:s4+$0x380] =	vst @!p2 v9;
	v9 =	vimm.s32 @!p2 $0x80  }
0x127: {  	s15 =	simm.s32 @!p2 $0x0;
	[tilespmem:s4+$0x1380] =	vst @!p2 v9  }
.LBB2_11:
0x128: {  	s4 =	sshll.u32 s15, $0x4  }
0x129: {  	v9 =	vld [tilespmem:s4+$0x380];
	_ =	sdelay $0x4  }
0x12a: {  	v10 =	vshll.u32 v9, $0x2  }
0x12b: {  	v9 =	vand.u32 $0x7, v9;
	v10 =	vand.u32 $0xFFFFFFE0, v10  }
0x12c: {  	v9 =	vor.u32 v9, v10  }
0x12d: {  	v10 =	vperm.xlane v9, v6;
	_ =	sdelay $0x1  }
0x12e: {  	v10 =	vadd.s32 v7, v10;
	_ =	sdelay $0x1  }
0x12f: {  	v9 =	vperm.xlane v9, v8;
	_ =	sdelay $0x1  }
0x130: {  	s16 =	simm.s32 $0x0;
	v9 =	vadd.s32 v7, v9  }
0x131: {  	[tilespmem:s30], [sflag:$0x1] =	stream.indirect_vreg.gather [hbm4b:s1+s16], $0x80, v10, vm0, $0xb8;
	[tilespmem:$0x1E820] =	vst v63  }
0x132: {  	_ = 	snop  }
0x133: {  	[tilespmem:s31], [sflag:$0x1] =	stream.indirect_vreg.gather [hbm4b:s17+s16], $0x80, v10, vm0, $0xb8;
	[tilespmem:$0x1E820] =	vst v63  }
0x134: {  	_ = 	snop  }
0x135: {  	[tilespmem:s2], [sflag:$0x1] =	stream.indirect_vreg.gather [hbm4b:s1+s16], $0x80, v9, vm0, $0xb8;
	[tilespmem:$0x1E820] =	vst v63  }
0x136: {  	_ = 	snop  }
0x137: {  	[tilespmem:s8], [sflag:$0x1] =	stream.indirect_vreg.gather [hbm4b:s17+s16], $0x80, v9, vm0, $0xb8;
	[tilespmem:$0x1E820] =	vst v63  }
0x138: {  	_ =	swait.ge [sflag:s18], $0x2000  }
0x139: {  	[sflag:s18] =	ssyncset.done $0x0  }
0x13a: {  	[sflag:s18] =	ssyncadd.s32 $0xFFFFE000  }
0x13b: {  	v9 =	vld [tilespmem:s4+$0x1380];
	_ =	sdelay $0x2  }
0x13c: {  	v10 =	vmov s16  }
0x13d: {  	vm1 =	veq.s32 v10, v3  }
0x13e: {  	v10 =	vnsel vm1, $0x0, v9  }
0x13f: {  	(xrf0) =	vadd.scan.msk.s32 $0xffff, v10;
	_ =	sdelay $0x5  }
0x140: {  	v10, _, _ =	vpop (xrf0)  }
0x141: {  	(v2sf) =	vpush v10, $0xF;
	_ =	sdelay $0xb  }
0x142: {  	s10 =	sand.u32 $0x1000, s16;
	s5 =	sand.u32 $0x380, s16  }
0x143: {  	s10 =	sor.u32 s5, s10  }
0x144: {  	v10 =	vld [tilespmem:s10+$0x2E00]  }
0x145: {  	s21 =	spop (v2sf)  }
0x146: {  	s9 =	sshll.u32 s21, $0x9;
	s4 =	sshll.u32 s21, $0x7  }
0x147: {  	s22 =	sand.u32 $0xFFFFF000, s9;
	s4 =	sand.u32 $0x380, s4  }
0x148: {  	s22 =	sor.u32 s4, s22  }
0x149: {  	[tilespmem:s22+$0x5E00] =	vst.add.f32.msk $0xffff, v10  }
0x14a: {  	v10 =	vld [tilespmem:s10+$0x2E10];
	_ =	sdelay $0x4  }
0x14b: {  	[tilespmem:s22+$0x5E10] =	vst.add.f32.msk $0xffff, v10  }
0x14c: {  	v10 =	vld [tilespmem:s10+$0x2E20];
	_ =	sdelay $0x4  }
0x14d: {  	[tilespmem:s22+$0x5E20] =	vst.add.f32.msk $0xffff, v10  }
0x14e: {  	v10 =	vld [tilespmem:s10+$0x2E30];
	_ =	sdelay $0x4  }
0x14f: {  	[tilespmem:s22+$0x5E30] =	vst.add.f32.msk $0xffff, v10  }
0x150: {  	v10 =	vld [tilespmem:s10+$0x2E40];
	_ =	sdelay $0x4  }
0x151: {  	[tilespmem:s22+$0x5E40] =	vst.add.f32.msk $0xffff, v10  }
0x152: {  	v10 =	vld [tilespmem:s10+$0x2E50];
	_ =	sdelay $0x4  }
0x153: {  	[tilespmem:s22+$0x5E50] =	vst.add.f32.msk $0xffff, v10  }
0x154: {  	v10 =	vld [tilespmem:s10+$0x2E60];
	_ =	sdelay $0x4  }
0x155: {  	[tilespmem:s22+$0x5E60] =	vst.add.f32.msk $0xffff, v10  }
0x156: {  	v10 =	vld [tilespmem:s10+$0x2E70];
	_ =	sdelay $0x4  }
0x157: {  	[tilespmem:s22+$0x5E70] =	vst.add.f32.msk $0xffff, v10  }
0x158: {  	v10 =	vld [tilespmem:s10+$0x3200];
	_ =	sdelay $0x4  }
0x159: {  	[tilespmem:s22+$0x6200] =	vst.add.f32.msk $0xffff, v10  }
0x15a: {  	v10 =	vld [tilespmem:s10+$0x3210];
	_ =	sdelay $0x4  }
0x15b: {  	[tilespmem:s22+$0x6210] =	vst.add.f32.msk $0xffff, v10  }
0x15c: {  	v10 =	vld [tilespmem:s10+$0x3220];
	_ =	sdelay $0x4  }
0x15d: {  	[tilespmem:s22+$0x6220] =	vst.add.f32.msk $0xffff, v10  }
0x15e: {  	v10 =	vld [tilespmem:s10+$0x3230];
	_ =	sdelay $0x4  }
0x15f: {  	[tilespmem:s22+$0x6230] =	vst.add.f32.msk $0xffff, v10  }
0x160: {  	v10 =	vld [tilespmem:s10+$0x3240];
	_ =	sdelay $0x4  }
0x161: {  	[tilespmem:s22+$0x6240] =	vst.add.f32.msk $0xffff, v10  }
0x162: {  	v10 =	vld [tilespmem:s10+$0x3250];
	_ =	sdelay $0x4  }
0x163: {  	[tilespmem:s22+$0x6250] =	vst.add.f32.msk $0xffff, v10  }
0x164: {  	v10 =	vld [tilespmem:s10+$0x3260];
	_ =	sdelay $0x4  }
0x165: {  	[tilespmem:s22+$0x6260] =	vst.add.f32.msk $0xffff, v10  }
0x166: {  	v10 =	vld [tilespmem:s10+$0x3270];
	_ =	sdelay $0x4  }
0x167: {  	[tilespmem:s22+$0x6270] =	vst.add.f32.msk $0xffff, v10  }
0x168: {  	v10 =	vld [tilespmem:s10+$0x3600];
	_ =	sdelay $0x4  }
0x169: {  	[tilespmem:s22+$0x6600] =	vst.add.f32.msk $0xffff, v10  }
0x16a: {  	v10 =	vld [tilespmem:s10+$0x3610];
	_ =	sdelay $0x4  }
0x16b: {  	[tilespmem:s22+$0x6610] =	vst.add.f32.msk $0xffff, v10  }
0x16c: {  	v10 =	vld [tilespmem:s10+$0x3620];
	_ =	sdelay $0x4  }
0x16d: {  	[tilespmem:s22+$0x6620] =	vst.add.f32.msk $0xffff, v10  }
0x16e: {  	v10 =	vld [tilespmem:s10+$0x3630];
	_ =	sdelay $0x4  }
0x16f: {  	[tilespmem:s22+$0x6630] =	vst.add.f32.msk $0xffff, v10  }
0x170: {  	v10 =	vld [tilespmem:s10+$0x3640];
	_ =	sdelay $0x4  }
0x171: {  	[tilespmem:s22+$0x6640] =	vst.add.f32.msk $0xffff, v10  }
0x172: {  	v10 =	vld [tilespmem:s10+$0x3650];
	_ =	sdelay $0x4  }
0x173: {  	[tilespmem:s22+$0x6650] =	vst.add.f32.msk $0xffff, v10  }
0x174: {  	v10 =	vld [tilespmem:s10+$0x3660];
	_ =	sdelay $0x4  }
0x175: {  	[tilespmem:s22+$0x6660] =	vst.add.f32.msk $0xffff, v10  }
0x176: {  	v10 =	vld [tilespmem:s10+$0x3670];
	_ =	sdelay $0x4  }
0x177: {  	[tilespmem:s22+$0x6670] =	vst.add.f32.msk $0xffff, v10  }
0x178: {  	v10 =	vld [tilespmem:s10+$0x3A00];
	_ =	sdelay $0x4  }
0x179: {  	[tilespmem:s22+$0x6A00] =	vst.add.f32.msk $0xffff, v10  }
0x17a: {  	v10 =	vld [tilespmem:s10+$0x3A10];
	_ =	sdelay $0x4  }
0x17b: {  	[tilespmem:s22+$0x6A10] =	vst.add.f32.msk $0xffff, v10  }
0x17c: {  	v10 =	vld [tilespmem:s10+$0x3A20];
	_ =	sdelay $0x4  }
0x17d: {  	[tilespmem:s22+$0x6A20] =	vst.add.f32.msk $0xffff, v10  }
0x17e: {  	v10 =	vld [tilespmem:s10+$0x3A30];
	_ =	sdelay $0x4  }
0x17f: {  	[tilespmem:s22+$0x6A30] =	vst.add.f32.msk $0xffff, v10  }
0x180: {  	v10 =	vld [tilespmem:s10+$0x3A40];
	_ =	sdelay $0x4  }
0x181: {  	s21 =	simm.s32 $0x1;
	[tilespmem:s22+$0x6A40] =	vst.add.f32.msk $0xffff, v10  }
0x182: {  	s5 =	simm.s32 $0x2;
	v11 =	vmov s21;
	s4 =	simm.s32 $0x0;
	v10 =	vld [tilespmem:s10+$0x3A50]  }
.LBB2_12:
0x183: {  	p1 =	sne.s32 s5, $0xF;
	vm1 =	veq.s32 v11, v3  }
0x184: {  	v11 =	vnsel vm1, $0x0, v9  }
0x185: {  	(xrf0) =	vadd.scan.msk.s32 $0xffff, v11;
	_ =	sdelay $0x1  }
0x186: {  	[tilespmem:s22+$0x6A50] =	vst.add.f32.msk $0xffff, v10  }
0x187: {  	v10 =	vld [tilespmem:s10+$0x3A60];
	_ =	sdelay $0x2  }
0x188: {  	v11, _, _ =	vpop (xrf0)  }
0x189: {  	(v2sf) =	vpush v11, $0xF  }
0x18a: {  	[tilespmem:s22+$0x6A60] =	vst.add.f32.msk $0xffff, v10  }
0x18b: {  	v10 =	vld [tilespmem:s10+$0x3A70];
	_ =	sdelay $0x4  }
0x18c: {  	[tilespmem:s22+$0x6A70] =	vst.add.f32.msk $0xffff, v10  }
0x18d: {  	v10 =	vld [tilespmem:$0x5600];
	_ =	sdelay $0x2  }
0x18e: {  	s16 =	sadd.s32 $0x80, s16;
	s4 =	sadd.s32 $0x200, s4  }
0x18f: {  	s9 =	sshra.s32 s9, $0x2;
	s10 =	sand.u32 $0x1000, s4;
	s22 =	sand.u32 $0x380, s16  }
0x190: {  	s10 =	sor.u32 s22, s10;
	[tilespmem:s9+$0x17E00] =	vst.add.f32.msk $0xffff, v10  }
0x191: {  	v10 =	vld [tilespmem:s10+$0x2E00]  }
0x192: {  	s22 =	spop (v2sf)  }
0x193: {  	s9 =	sshll.u32 s22, $0x9;
	s22 =	sshll.u32 s22, $0x7  }
0x194: {  	s21 =	sand.u32 $0xFFFFF000, s9;
	s22 =	sand.u32 $0x380, s22  }
0x195: {  	s22 =	sor.u32 s22, s21  }
0x196: {  	[tilespmem:s22+$0x5E00] =	vst.add.f32.msk $0xffff, v10  }
0x197: {  	v10 =	vld [tilespmem:s10+$0x2E10];
	_ =	sdelay $0x4  }
0x198: {  	[tilespmem:s22+$0x5E10] =	vst.add.f32.msk $0xffff, v10  }
0x199: {  	v10 =	vld [tilespmem:s10+$0x2E20];
	_ =	sdelay $0x4  }
0x19a: {  	[tilespmem:s22+$0x5E20] =	vst.add.f32.msk $0xffff, v10  }
0x19b: {  	v10 =	vld [tilespmem:s10+$0x2E30];
	_ =	sdelay $0x4  }
0x19c: {  	[tilespmem:s22+$0x5E30] =	vst.add.f32.msk $0xffff, v10  }
0x19d: {  	v10 =	vld [tilespmem:s10+$0x2E40];
	_ =	sdelay $0x4  }
0x19e: {  	[tilespmem:s22+$0x5E40] =	vst.add.f32.msk $0xffff, v10  }
0x19f: {  	v10 =	vld [tilespmem:s10+$0x2E50];
	_ =	sdelay $0x4  }
0x1a0: {  	[tilespmem:s22+$0x5E50] =	vst.add.f32.msk $0xffff, v10  }
0x1a1: {  	v10 =	vld [tilespmem:s10+$0x2E60];
	_ =	sdelay $0x4  }
0x1a2: {  	[tilespmem:s22+$0x5E60] =	vst.add.f32.msk $0xffff, v10  }
0x1a3: {  	v10 =	vld [tilespmem:s10+$0x2E70];
	_ =	sdelay $0x4  }
0x1a4: {  	[tilespmem:s22+$0x5E70] =	vst.add.f32.msk $0xffff, v10  }
0x1a5: {  	v10 =	vld [tilespmem:s10+$0x3200];
	_ =	sdelay $0x4  }
0x1a6: {  	[tilespmem:s22+$0x6200] =	vst.add.f32.msk $0xffff, v10  }
0x1a7: {  	v10 =	vld [tilespmem:s10+$0x3210];
	_ =	sdelay $0x4  }
0x1a8: {  	[tilespmem:s22+$0x6210] =	vst.add.f32.msk $0xffff, v10  }
0x1a9: {  	v10 =	vld [tilespmem:s10+$0x3220];
	_ =	sdelay $0x4  }
0x1aa: {  	[tilespmem:s22+$0x6220] =	vst.add.f32.msk $0xffff, v10  }
0x1ab: {  	v10 =	vld [tilespmem:s10+$0x3230];
	_ =	sdelay $0x4  }
0x1ac: {  	[tilespmem:s22+$0x6230] =	vst.add.f32.msk $0xffff, v10  }
0x1ad: {  	v10 =	vld [tilespmem:s10+$0x3240];
	_ =	sdelay $0x4  }
0x1ae: {  	[tilespmem:s22+$0x6240] =	vst.add.f32.msk $0xffff, v10  }
0x1af: {  	v10 =	vld [tilespmem:s10+$0x3250];
	_ =	sdelay $0x4  }
0x1b0: {  	[tilespmem:s22+$0x6250] =	vst.add.f32.msk $0xffff, v10  }
0x1b1: {  	v10 =	vld [tilespmem:s10+$0x3260];
	_ =	sdelay $0x4  }
0x1b2: {  	[tilespmem:s22+$0x6260] =	vst.add.f32.msk $0xffff, v10  }
0x1b3: {  	v10 =	vld [tilespmem:s10+$0x3270];
	_ =	sdelay $0x4  }
0x1b4: {  	[tilespmem:s22+$0x6270] =	vst.add.f32.msk $0xffff, v10  }
0x1b5: {  	v10 =	vld [tilespmem:s10+$0x3600];
	_ =	sdelay $0x4  }
0x1b6: {  	[tilespmem:s22+$0x6600] =	vst.add.f32.msk $0xffff, v10  }
0x1b7: {  	v10 =	vld [tilespmem:s10+$0x3610];
	_ =	sdelay $0x4  }
0x1b8: {  	[tilespmem:s22+$0x6610] =	vst.add.f32.msk $0xffff, v10  }
0x1b9: {  	v10 =	vld [tilespmem:s10+$0x3620];
	_ =	sdelay $0x4  }
0x1ba: {  	[tilespmem:s22+$0x6620] =	vst.add.f32.msk $0xffff, v10  }
0x1bb: {  	v10 =	vld [tilespmem:s10+$0x3630];
	_ =	sdelay $0x4  }
0x1bc: {  	[tilespmem:s22+$0x6630] =	vst.add.f32.msk $0xffff, v10  }
0x1bd: {  	v10 =	vld [tilespmem:s10+$0x3640];
	_ =	sdelay $0x4  }
0x1be: {  	[tilespmem:s22+$0x6640] =	vst.add.f32.msk $0xffff, v10  }
0x1bf: {  	v10 =	vld [tilespmem:s10+$0x3650];
	_ =	sdelay $0x4  }
0x1c0: {  	[tilespmem:s22+$0x6650] =	vst.add.f32.msk $0xffff, v10  }
0x1c1: {  	v10 =	vld [tilespmem:s10+$0x3660];
	_ =	sdelay $0x4  }
0x1c2: {  	[tilespmem:s22+$0x6660] =	vst.add.f32.msk $0xffff, v10  }
0x1c3: {  	v10 =	vld [tilespmem:s10+$0x3670];
	_ =	sdelay $0x4  }
0x1c4: {  	[tilespmem:s22+$0x6670] =	vst.add.f32.msk $0xffff, v10  }
0x1c5: {  	v10 =	vld [tilespmem:s10+$0x3A00];
	_ =	sdelay $0x4  }
0x1c6: {  	[tilespmem:s22+$0x6A00] =	vst.add.f32.msk $0xffff, v10  }
0x1c7: {  	v10 =	vld [tilespmem:s10+$0x3A10];
	_ =	sdelay $0x4  }
0x1c8: {  	[tilespmem:s22+$0x6A10] =	vst.add.f32.msk $0xffff, v10  }
0x1c9: {  	v10 =	vld [tilespmem:s10+$0x3A20];
	_ =	sdelay $0x4  }
0x1ca: {  	[tilespmem:s22+$0x6A20] =	vst.add.f32.msk $0xffff, v10  }
0x1cb: {  	v10 =	vld [tilespmem:s10+$0x3A30];
	_ =	sdelay $0x4  }
0x1cc: {  	[tilespmem:s22+$0x6A30] =	vst.add.f32.msk $0xffff, v10  }
0x1cd: {  	v10 =	vld [tilespmem:s10+$0x3A40];
	_ =	sdelay $0x1  }
.Ltmp10:
0x1ce: {  	(pc) =	sbr.rel @p1 .LBB2_12-.Ltmp10, $3  }
0x1cf: {  	_ =	sdelay $0x1  }
0x1d0: {  	[tilespmem:s22+$0x6A40] =	vst.add.f32.msk $0xffff, v10  }
0x1d1: {  	v11 =	vmov s5;
	s5 =	sadd.s32 $0x1, s5;
	v10 =	vld [tilespmem:s10+$0x3A50]  }
0x1d2: {  	vm1 =	veq.s32 v11, v3  }
0x1d3: {  	v9 =	vnsel vm1, $0x0, v9  }
0x1d4: {  	(xrf0) =	vadd.scan.msk.s32 $0xffff, v9;
	_ =	sdelay $0x1  }
0x1d5: {  	[tilespmem:s22+$0x6A50] =	vst.add.f32.msk $0xffff, v10  }
0x1d6: {  	v9 =	vld [tilespmem:s10+$0x3A60];
	_ =	sdelay $0x2  }
0x1d7: {  	v10, _, _ =	vpop (xrf0)  }
0x1d8: {  	(v2sf) =	vpush v10, $0xF  }
0x1d9: {  	[tilespmem:s22+$0x6A60] =	vst.add.f32.msk $0xffff, v9  }
0x1da: {  	v9 =	vld [tilespmem:s10+$0x3A70];
	_ =	sdelay $0x4  }
0x1db: {  	[tilespmem:s22+$0x6A70] =	vst.add.f32.msk $0xffff, v9  }
0x1dc: {  	v9 =	vld [tilespmem:$0x5600];
	_ =	sdelay $0x2  }
0x1dd: {  	s5 =	sadd.s32 $0x80, s16;
	s4 =	sadd.s32 $0x200, s4  }
0x1de: {  	s9 =	sshra.s32 s9, $0x2;
	s4 =	sand.u32 $0x1000, s4;
	s5 =	sand.u32 $0x380, s5  }
0x1df: {  	s4 =	sor.u32 s5, s4;
	[tilespmem:s9+$0x17E00] =	vst.add.f32.msk $0xffff, v9  }
0x1e0: {  	v9 =	vld [tilespmem:s4+$0x2E00]  }
0x1e1: {  	s10 =	spop (v2sf)  }
0x1e2: {  	s16 =	sshll.u32 s10, $0x9;
	s9 =	sshll.u32 s10, $0x7  }
0x1e3: {  	s21 =	sand.u32 $0xFFFFF000, s16;
	s9 =	sand.u32 $0x380, s9  }
0x1e4: {  	s9 =	sor.u32 s9, s21  }
0x1e5: {  	[tilespmem:s9+$0x5E00] =	vst.add.f32.msk $0xffff, v9  }
0x1e6: {  	v9 =	vld [tilespmem:s4+$0x2E10];
	_ =	sdelay $0x4  }
0x1e7: {  	[tilespmem:s9+$0x5E10] =	vst.add.f32.msk $0xffff, v9  }
0x1e8: {  	v9 =	vld [tilespmem:s4+$0x2E20];
	_ =	sdelay $0x4  }
0x1e9: {  	[tilespmem:s9+$0x5E20] =	vst.add.f32.msk $0xffff, v9  }
0x1ea: {  	v9 =	vld [tilespmem:s4+$0x2E30];
	_ =	sdelay $0x4  }
0x1eb: {  	[tilespmem:s9+$0x5E30] =	vst.add.f32.msk $0xffff, v9  }
0x1ec: {  	v9 =	vld [tilespmem:s4+$0x2E40];
	_ =	sdelay $0x4  }
0x1ed: {  	[tilespmem:s9+$0x5E40] =	vst.add.f32.msk $0xffff, v9  }
0x1ee: {  	v9 =	vld [tilespmem:s4+$0x2E50];
	_ =	sdelay $0x4  }
0x1ef: {  	[tilespmem:s9+$0x5E50] =	vst.add.f32.msk $0xffff, v9  }
0x1f0: {  	v9 =	vld [tilespmem:s4+$0x2E60];
	_ =	sdelay $0x4  }
0x1f1: {  	[tilespmem:s9+$0x5E60] =	vst.add.f32.msk $0xffff, v9  }
0x1f2: {  	v9 =	vld [tilespmem:s4+$0x2E70];
	_ =	sdelay $0x4  }
0x1f3: {  	[tilespmem:s9+$0x5E70] =	vst.add.f32.msk $0xffff, v9  }
0x1f4: {  	v9 =	vld [tilespmem:s4+$0x3200];
	_ =	sdelay $0x4  }
0x1f5: {  	[tilespmem:s9+$0x6200] =	vst.add.f32.msk $0xffff, v9  }
0x1f6: {  	v9 =	vld [tilespmem:s4+$0x3210];
	_ =	sdelay $0x4  }
0x1f7: {  	[tilespmem:s9+$0x6210] =	vst.add.f32.msk $0xffff, v9  }
0x1f8: {  	v9 =	vld [tilespmem:s4+$0x3220];
	_ =	sdelay $0x4  }
0x1f9: {  	[tilespmem:s9+$0x6220] =	vst.add.f32.msk $0xffff, v9  }
0x1fa: {  	v9 =	vld [tilespmem:s4+$0x3230];
	_ =	sdelay $0x4  }
0x1fb: {  	[tilespmem:s9+$0x6230] =	vst.add.f32.msk $0xffff, v9  }
0x1fc: {  	v9 =	vld [tilespmem:s4+$0x3240];
	_ =	sdelay $0x4  }
0x1fd: {  	[tilespmem:s9+$0x6240] =	vst.add.f32.msk $0xffff, v9  }
0x1fe: {  	v9 =	vld [tilespmem:s4+$0x3250];
	_ =	sdelay $0x4  }
0x1ff: {  	[tilespmem:s9+$0x6250] =	vst.add.f32.msk $0xffff, v9  }
0x200: {  	v9 =	vld [tilespmem:s4+$0x3260];
	_ =	sdelay $0x4  }
0x201: {  	[tilespmem:s9+$0x6260] =	vst.add.f32.msk $0xffff, v9  }
0x202: {  	v9 =	vld [tilespmem:s4+$0x3270];
	_ =	sdelay $0x4  }
0x203: {  	[tilespmem:s9+$0x6270] =	vst.add.f32.msk $0xffff, v9  }
0x204: {  	v9 =	vld [tilespmem:s4+$0x3600];
	_ =	sdelay $0x4  }
0x205: {  	[tilespmem:s9+$0x6600] =	vst.add.f32.msk $0xffff, v9  }
0x206: {  	v9 =	vld [tilespmem:s4+$0x3610];
	_ =	sdelay $0x4  }
0x207: {  	[tilespmem:s9+$0x6610] =	vst.add.f32.msk $0xffff, v9  }
0x208: {  	v9 =	vld [tilespmem:s4+$0x3620];
	_ =	sdelay $0x4  }
0x209: {  	[tilespmem:s9+$0x6620] =	vst.add.f32.msk $0xffff, v9  }
0x20a: {  	v9 =	vld [tilespmem:s4+$0x3630];
	_ =	sdelay $0x4  }
0x20b: {  	[tilespmem:s9+$0x6630] =	vst.add.f32.msk $0xffff, v9  }
0x20c: {  	v9 =	vld [tilespmem:s4+$0x3640];
	_ =	sdelay $0x4  }
0x20d: {  	[tilespmem:s9+$0x6640] =	vst.add.f32.msk $0xffff, v9  }
0x20e: {  	v9 =	vld [tilespmem:s4+$0x3650];
	_ =	sdelay $0x4  }
0x20f: {  	[tilespmem:s9+$0x6650] =	vst.add.f32.msk $0xffff, v9  }
0x210: {  	v9 =	vld [tilespmem:s4+$0x3660];
	_ =	sdelay $0x4  }
0x211: {  	[tilespmem:s9+$0x6660] =	vst.add.f32.msk $0xffff, v9  }
0x212: {  	v9 =	vld [tilespmem:s4+$0x3670];
	_ =	sdelay $0x4  }
0x213: {  	[tilespmem:s9+$0x6670] =	vst.add.f32.msk $0xffff, v9  }
0x214: {  	v9 =	vld [tilespmem:s4+$0x3A00];
	_ =	sdelay $0x4  }
0x215: {  	[tilespmem:s9+$0x6A00] =	vst.add.f32.msk $0xffff, v9  }
0x216: {  	v9 =	vld [tilespmem:s4+$0x3A10];
	_ =	sdelay $0x4  }
0x217: {  	[tilespmem:s9+$0x6A10] =	vst.add.f32.msk $0xffff, v9  }
0x218: {  	v9 =	vld [tilespmem:s4+$0x3A20];
	_ =	sdelay $0x4  }
0x219: {  	[tilespmem:s9+$0x6A20] =	vst.add.f32.msk $0xffff, v9  }
0x21a: {  	v9 =	vld [tilespmem:s4+$0x3A30];
	_ =	sdelay $0x4  }
0x21b: {  	[tilespmem:s9+$0x6A30] =	vst.add.f32.msk $0xffff, v9  }
0x21c: {  	v9 =	vld [tilespmem:s4+$0x3A40];
	_ =	sdelay $0x4  }
0x21d: {  	[tilespmem:s9+$0x6A40] =	vst.add.f32.msk $0xffff, v9  }
0x21e: {  	v9 =	vld [tilespmem:s4+$0x3A50];
	_ =	sdelay $0x4  }
0x21f: {  	[tilespmem:s9+$0x6A50] =	vst.add.f32.msk $0xffff, v9  }
0x220: {  	v9 =	vld [tilespmem:s4+$0x3A60];
	_ =	sdelay $0x4  }
0x221: {  	[tilespmem:s9+$0x6A60] =	vst.add.f32.msk $0xffff, v9  }
0x222: {  	v9 =	vld [tilespmem:s4+$0x3A70];
	_ =	sdelay $0x4  }
0x223: {  	s15 =	sadd.s32 $0x1, s15;
	[tilespmem:s9+$0x6A70] =	vst.add.f32.msk $0xffff, v9  }
0x224: {  	p1 =	sne.s32 s15, s14;
	v9 =	vld [tilespmem:$0x5600]  }
.Ltmp11:
0x225: {  	_ = 	snop;
	(pc) =	sbr.rel @p1 .LBB2_11-.Ltmp11, $3  }
0x226: {  	_ =	sdelay $0x1  }
0x227: {  	s22 =	sshra.s32 s16, $0x2  }
0x228: {  	[tilespmem:s22+$0x17E00] =	vst.add.f32.msk $0xffff, v9  }
.Ltmp12:
0x229: {  	(pc) =	sbr.rel .LBB2_15-.Ltmp12, $2  }
0x22a: {  	_ =	sdelay $0x2  }
0x22b: {  	s4 =	simm.s32 $0x0  }
.LBB2_10:
0x22c: {  	s4 =	smov.u32 @p1 s4  }
0x22d: {  	s4 =	simm.s32 @!p2 $0x0  }
.LBB2_15:
0x22e: {  	s5 =	sadd.s32 $0x800000FF, s11  }
0x22f: {  	s9 =	sand.u32 $0xFF, s5  }
0x230: {  	s10 =	sshra.s32 s5, $0x1F;
	p1 =	slt.s32 s5, $0x1;
	p2 =	sne.s32 s9, $0x0  }
0x231: {  	s22 =	sshrl.u32 s10, $0x18;
	p1 =	por !p1, !p2  }
0x232: {  	s9 =	simm.s32 $0x1;
	s5 =	sadd.s32 s22, s5;
	p1 =	por !p1, !p1  }
0x233: {  	s5 =	sshra.s32 s5, $0x8;
	s9 =	simm.s32 @!p1 $0x0  }
0x234: {  	s5 =	ssub.s32 s5, s9  }
0x235: {  	p1 =	slt.s32 s5, $0x1  }
.Ltmp13:
0x236: {  	_ = 	snop;
	(pc) =	sbr.rel @p1 .LBB2_20-.Ltmp13, $1  }
0x237: {  	_ =	sdelay $0x3  }
0x238: {  	s9 =	sshll.u32 s28, $0xC  }
0x239: {  	s10 =	sand.u32 $0x380, s29;
	s9 =	sand.u32 $0x8000, s9  }
0x23a: {  	v9 =	vmov s12;
	s11 =	simm.s32 $0x0;
	s9 =	sor.u32 s10, s9;
	s10 =	simm.s32 $0x0  }
.LBB2_17:
0x23b: {  	s12 =	sshll.u32 s11, $0xB  }
0x23c: {  	s12 =	sadd.s32 s9, s12  }
0x23d: {  	s14 =	sadd.s32 s12, s6  }
0x23e: {  	[tilespmem:s3], [sflag:$0x2] =	stream.strided.gather [spmem:s14], $0x100, s26, s25, $0x38;
	[tilespmem:$0x1E820] =	vst v63  }
0x23f: {  	_ =	swait.ge [sflag:s20], $0x100  }
0x240: {  	[sflag:s20] =	ssyncset.done $0x0  }
0x241: {  	s12 =	sadd.s32 s12, s7;
	[sflag:s20] =	ssyncadd.s32 $0xFFFFFF00  }
0x242: {  	[tilespmem:s19], [sflag:$0x2] =	stream.strided.gather [spmem:s12], $0x100, s26, s25, $0x38;
	[tilespmem:$0x1E820] =	vst v63  }
0x243: {  	_ =	swait.ge [sflag:s20], $0x100  }
0x244: {  	[sflag:s20] =	ssyncset.done $0x0  }
0x245: {  	s29 =	simm.s32 $0x0;
	[sflag:s20] =	ssyncadd.s32 $0xFFFFFF00  }
0x246: {  	v10 =	vld [tilespmem:s29+$0x2480];
	_ =	sdelay $0x4  }
0x247: {  	v11 =	vor.u32 s10, v3;
	v10 =	vsub.s32 v10, v0  }
0x248: {  	vm1 =	vlt.s32 v11, v9;
	vm2 =	vlt.u32 v10, $0x80  }
0x249: {  	vm1 =	vmand vm1, vm2  }
0x24a: {  	v11 =	vsel vm1, $0x1, v4  }
0x24b: {  	(xrf0) =	vadd.scan.msk.s32 $0xffff, v11;
	_ =	sdelay $0x2  }
0x24c: {  	v11 =	vmov s4  }
0x24d: {  	v11 =	vadd.s32 $0xFFFFFFFF, v11  }
0x24e: {  	v11 =	vbroadcast v11, $0x0  }
0x24f: {  	v12, _, _ =	vpop (xrf0)  }
0x250: {  	v11 =	vadd.s32 v12, v11;
	(v2sf) =	vpush v12, $0xF  }
0x251: {  	v13 =	vld [tilespmem:s29+$0x2380];
	v11 =	vsel vm1, v11, v5;
	_ =	sdelay $0x4  }
0x252: {  	[tilespmem:v11+s23+$0x0] =	vst.idx.msk $0xffff, v13  }
0x253: {  	s15 =	simm.s32 $0x80;
	s14 =	smov.u32 s10;
	s12 =	simm.s32 $0x10;
	[tilespmem:v11+s24+$0x0] =	vst.idx.msk $0xffff, v10  }
.LBB2_18:
0x254: {  	p1 =	sne.s32 s15, $0x3C0;
	v10 =	vld [tilespmem:s12+$0x2480];
	_ =	sdelay $0x3  }
0x255: {  	s14 =	sadd.s32 $0x10, s14  }
0x256: {  	v11 =	vor.u32 s14, v3;
	v10 =	vsub.s32 v10, v0  }
0x257: {  	vm1 =	vlt.s32 v11, v9;
	vm2 =	vlt.u32 v10, $0x80  }
0x258: {  	vm1 =	vmand vm1, vm2;
	s16 =	spop (v2sf)  }
0x259: {  	v11 =	vsel vm1, $0x1, v4;
	s4 =	sadd.s32 s4, s16  }
0x25a: {  	v12 =	vmov s4;
	(xrf0) =	vadd.scan.msk.s32 $0xffff, v11  }
0x25b: {  	v11 =	vadd.s32 $0xFFFFFFFF, v12  }
0x25c: {  	v11 =	vbroadcast v11, $0x0;
	_ =	sdelay $0x3  }
0x25d: {  	v12, _, _ =	vpop (xrf0)  }
0x25e: {  	v11 =	vadd.s32 v12, v11;
	(v2sf) =	vpush v12, $0xF  }
0x25f: {  	v12 =	vld [tilespmem:s12+$0x2380];
	v11 =	vsel vm1, v11, v5;
	_ =	sdelay $0x1  }
.Ltmp14:
0x260: {  	(pc) =	sbr.rel @p1 .LBB2_18-.Ltmp14, $3  }
0x261: {  	_ =	sdelay $0x1  }
0x262: {  	[tilespmem:v11+s23+$0x0] =	vst.idx.msk $0xffff, v12  }
0x263: {  	s12 =	sshra.s32 s15, $0x2;
	s15 =	sadd.s32 $0x40, s15;
	[tilespmem:v11+s24+$0x0] =	vst.idx.msk $0xffff, v10  }
0x264: {  	v10 =	vld [tilespmem:s12+$0x2480];
	_ =	sdelay $0x3  }
0x265: {  	s14 =	sadd.s32 $0x10, s14  }
0x266: {  	v11 =	vor.u32 s14, v3;
	v10 =	vsub.s32 v10, v0  }
0x267: {  	vm1 =	vlt.s32 v11, v9;
	vm2 =	vlt.u32 v10, $0x80  }
0x268: {  	vm1 =	vmand vm1, vm2  }
0x269: {  	v11 =	vsel vm1, $0x1, v4  }
0x26a: {  	(xrf0) =	vadd.scan.msk.s32 $0xffff, v11;
	_ =	sdelay $0x5  }
0x26b: {  	v11, _, _ =	vpop (xrf0)  }
0x26c: {  	(v2sf) =	vpush v11, $0xF;
	_ =	sdelay $0x2  }
0x26d: {  	s22 =	spop (v2sf)  }
0x26e: {  	s4 =	sadd.s32 s4, s22  }
0x26f: {  	v12 =	vmov s4  }
0x270: {  	v12 =	vadd.s32 $0xFFFFFFFF, v12  }
0x271: {  	v12 =	vbroadcast v12, $0x0;
	_ =	sdelay $0x1  }
0x272: {  	v11 =	vadd.s32 v11, v12  }
0x273: {  	v63 =	vld [tilespmem:s12+$0x2380];
	s11 =	sadd.s32 $0x1, s11;
	v11 =	vsel vm1, v11, v5  }
0x274: {  	p1 =	sne.s32 s11, s5  }
.Ltmp15:
0x275: {  	_ = 	snop;
	(pc) =	sbr.rel @p1 .LBB2_17-.Ltmp15, $4  }
.Ltmp16:
0x276: {  	_ = 	snop;
	(pc) =	sbr.rel @!p1 .LBB2_20-.Ltmp16, $4  }
0x277: {  	_ = 	snop  }
0x278: {  	[tilespmem:v11+s23+$0x0] =	vst.idx.msk $0xffff, v63;
	s29 =	spop (v2sf)  }
0x279: {  	s10 =	sadd.s32 $0x100, s10;
	[tilespmem:v11+s24+$0x0] =	vst.idx.msk $0xffff, v10;
	s4 =	sadd.s32 s4, s29  }
0x27a: {  	_ = 	snop  }
.LBB2_21:
0x27b: {  	p1 =	slt.s32 s4, $0x1  }
0x27c: {  	s5 =	sadd.s32 @!p1 $0xF, s4  }
0x27d: {  	s9 =	sand.u32 @!p1 $0xF, s5  }
0x27e: {  	p2 =	slt.s32 @!p1 s5, $0x0;
	p3 =	sne.s32 @!p1 s9, $0x0  }
0x27f: {  	s9 =	sshra.s32 @!p1 s5, $0x1F;
	p2 =	por @!p1 !p2, !p3  }
0x280: {  	s9 =	sshrl.u32 @!p1 s9, $0x1C;
	p2 =	por @!p1 !p2, !p2  }
0x281: {  	s5 =	sadd.s32 @!p1 s9, s5;
	s9 =	simm.s32 @!p1 $0x1;
	p2 =	por !p2, p1  }
0x282: {  	s5 =	sshra.s32 @!p1 s5, $0x4;
	s9 =	simm.s32 @p2 $0x0  }
0x283: {  	s11 =	ssub.s32 @!p1 s5, s9  }
0x284: {  	p2 =	slt.s32 @!p1 s11, $0x1  }
0x285: {  	p2 =	por p1, p2  }
.Ltmp17:
0x286: {  	_ = 	snop;
	(pc) =	sbr.rel @p2 .LBB2_25-.Ltmp17, $4  }
0x287: {  	_ = 	snop  }
0x288: {  	v9 =	vimm.s32 @!p1 $0x0  }
0x289: {  	[tilespmem:s4+$0x380] =	vst @!p1 v9;
	v9 =	vimm.s32 @!p1 $0x80  }
0x28a: {  	s12 =	simm.s32 @!p1 $0x0;
	[tilespmem:s4+$0x1380] =	vst @!p1 v9  }
.LBB2_22:
0x28b: {  	s4 =	sshll.u32 s12, $0x4  }
0x28c: {  	v9 =	vld [tilespmem:s4+$0x380];
	_ =	sdelay $0x4  }
0x28d: {  	v10 =	vshll.u32 v9, $0x2  }
0x28e: {  	v9 =	vand.u32 $0x7, v9;
	v10 =	vand.u32 $0xFFFFFFE0, v10  }
0x28f: {  	v9 =	vor.u32 v9, v10  }
0x290: {  	v10 =	vperm.xlane v9, v6;
	_ =	sdelay $0x1  }
0x291: {  	v10 =	vadd.s32 v7, v10;
	_ =	sdelay $0x1  }
0x292: {  	v9 =	vperm.xlane v9, v8;
	_ =	sdelay $0x1  }
0x293: {  	s14 =	simm.s32 $0x0;
	v9 =	vadd.s32 v7, v9  }
0x294: {  	[tilespmem:s30], [sflag:$0x1] =	stream.indirect_vreg.gather [hbm4b:s1+s14], $0x80, v10, vm0, $0xb8;
	[tilespmem:$0x1E820] =	vst v63  }
0x295: {  	_ = 	snop  }
0x296: {  	[tilespmem:s31], [sflag:$0x1] =	stream.indirect_vreg.gather [hbm4b:s17+s14], $0x80, v10, vm0, $0xb8;
	[tilespmem:$0x1E820] =	vst v63  }
0x297: {  	_ = 	snop  }
0x298: {  	[tilespmem:s2], [sflag:$0x1] =	stream.indirect_vreg.gather [hbm4b:s1+s14], $0x80, v9, vm0, $0xb8;
	[tilespmem:$0x1E820] =	vst v63  }
0x299: {  	_ = 	snop  }
0x29a: {  	[tilespmem:s8], [sflag:$0x1] =	stream.indirect_vreg.gather [hbm4b:s17+s14], $0x80, v9, vm0, $0xb8;
	[tilespmem:$0x1E820] =	vst v63  }
0x29b: {  	_ =	swait.ge [sflag:s18], $0x2000  }
0x29c: {  	[sflag:s18] =	ssyncset.done $0x0  }
0x29d: {  	[sflag:s18] =	ssyncadd.s32 $0xFFFFE000  }
0x29e: {  	v9 =	vld [tilespmem:s4+$0x1380];
	_ =	sdelay $0x2  }
0x29f: {  	v10 =	vmov s14  }
0x2a0: {  	vm1 =	veq.s32 v10, v3  }
0x2a1: {  	v10 =	vnsel vm1, $0x0, v9  }
0x2a2: {  	(xrf0) =	vadd.scan.msk.s32 $0xffff, v10;
	_ =	sdelay $0x5  }
0x2a3: {  	v10, _, _ =	vpop (xrf0)  }
0x2a4: {  	(v2sf) =	vpush v10, $0xF;
	_ =	sdelay $0xb  }
0x2a5: {  	s21 =	sand.u32 $0x1000, s14;
	s5 =	sand.u32 $0x380, s14  }
0x2a6: {  	s10 =	sor.u32 s5, s21  }
0x2a7: {  	v10 =	vld [tilespmem:s10+$0x2E00]  }
0x2a8: {  	s22 =	spop (v2sf)  }
0x2a9: {  	s9 =	sshll.u32 s22, $0x9;
	s4 =	sshll.u32 s22, $0x7  }
0x2aa: {  	s28 =	sand.u32 $0xFFFFF000, s9;
	s4 =	sand.u32 $0x380, s4  }
0x2ab: {  	s15 =	sor.u32 s4, s28  }
0x2ac: {  	[tilespmem:s15+$0x5E00] =	vst.add.f32.msk $0xffff, v10  }
0x2ad: {  	v10 =	vld [tilespmem:s10+$0x2E10];
	_ =	sdelay $0x4  }
0x2ae: {  	[tilespmem:s15+$0x5E10] =	vst.add.f32.msk $0xffff, v10  }
0x2af: {  	v10 =	vld [tilespmem:s10+$0x2E20];
	_ =	sdelay $0x4  }
0x2b0: {  	[tilespmem:s15+$0x5E20] =	vst.add.f32.msk $0xffff, v10  }
0x2b1: {  	v10 =	vld [tilespmem:s10+$0x2E30];
	_ =	sdelay $0x4  }
0x2b2: {  	[tilespmem:s15+$0x5E30] =	vst.add.f32.msk $0xffff, v10  }
0x2b3: {  	v10 =	vld [tilespmem:s10+$0x2E40];
	_ =	sdelay $0x4  }
0x2b4: {  	[tilespmem:s15+$0x5E40] =	vst.add.f32.msk $0xffff, v10  }
0x2b5: {  	v10 =	vld [tilespmem:s10+$0x2E50];
	_ =	sdelay $0x4  }
0x2b6: {  	[tilespmem:s15+$0x5E50] =	vst.add.f32.msk $0xffff, v10  }
0x2b7: {  	v10 =	vld [tilespmem:s10+$0x2E60];
	_ =	sdelay $0x4  }
0x2b8: {  	[tilespmem:s15+$0x5E60] =	vst.add.f32.msk $0xffff, v10  }
0x2b9: {  	v10 =	vld [tilespmem:s10+$0x2E70];
	_ =	sdelay $0x4  }
0x2ba: {  	[tilespmem:s15+$0x5E70] =	vst.add.f32.msk $0xffff, v10  }
0x2bb: {  	v10 =	vld [tilespmem:s10+$0x3200];
	_ =	sdelay $0x4  }
0x2bc: {  	[tilespmem:s15+$0x6200] =	vst.add.f32.msk $0xffff, v10  }
0x2bd: {  	v10 =	vld [tilespmem:s10+$0x3210];
	_ =	sdelay $0x4  }
0x2be: {  	[tilespmem:s15+$0x6210] =	vst.add.f32.msk $0xffff, v10  }
0x2bf: {  	v10 =	vld [tilespmem:s10+$0x3220];
	_ =	sdelay $0x4  }
0x2c0: {  	[tilespmem:s15+$0x6220] =	vst.add.f32.msk $0xffff, v10  }
0x2c1: {  	v10 =	vld [tilespmem:s10+$0x3230];
	_ =	sdelay $0x4  }
0x2c2: {  	[tilespmem:s15+$0x6230] =	vst.add.f32.msk $0xffff, v10  }
0x2c3: {  	v10 =	vld [tilespmem:s10+$0x3240];
	_ =	sdelay $0x4  }
0x2c4: {  	[tilespmem:s15+$0x6240] =	vst.add.f32.msk $0xffff, v10  }
0x2c5: {  	v10 =	vld [tilespmem:s10+$0x3250];
	_ =	sdelay $0x4  }
0x2c6: {  	[tilespmem:s15+$0x6250] =	vst.add.f32.msk $0xffff, v10  }
0x2c7: {  	v10 =	vld [tilespmem:s10+$0x3260];
	_ =	sdelay $0x4  }
0x2c8: {  	[tilespmem:s15+$0x6260] =	vst.add.f32.msk $0xffff, v10  }
0x2c9: {  	v10 =	vld [tilespmem:s10+$0x3270];
	_ =	sdelay $0x4  }
0x2ca: {  	[tilespmem:s15+$0x6270] =	vst.add.f32.msk $0xffff, v10  }
0x2cb: {  	v10 =	vld [tilespmem:s10+$0x3600];
	_ =	sdelay $0x4  }
0x2cc: {  	[tilespmem:s15+$0x6600] =	vst.add.f32.msk $0xffff, v10  }
0x2cd: {  	v10 =	vld [tilespmem:s10+$0x3610];
	_ =	sdelay $0x4  }
0x2ce: {  	[tilespmem:s15+$0x6610] =	vst.add.f32.msk $0xffff, v10  }
0x2cf: {  	v10 =	vld [tilespmem:s10+$0x3620];
	_ =	sdelay $0x4  }
0x2d0: {  	[tilespmem:s15+$0x6620] =	vst.add.f32.msk $0xffff, v10  }
0x2d1: {  	v10 =	vld [tilespmem:s10+$0x3630];
	_ =	sdelay $0x4  }
0x2d2: {  	[tilespmem:s15+$0x6630] =	vst.add.f32.msk $0xffff, v10  }
0x2d3: {  	v10 =	vld [tilespmem:s10+$0x3640];
	_ =	sdelay $0x4  }
0x2d4: {  	[tilespmem:s15+$0x6640] =	vst.add.f32.msk $0xffff, v10  }
0x2d5: {  	v10 =	vld [tilespmem:s10+$0x3650];
	_ =	sdelay $0x4  }
0x2d6: {  	[tilespmem:s15+$0x6650] =	vst.add.f32.msk $0xffff, v10  }
0x2d7: {  	v10 =	vld [tilespmem:s10+$0x3660];
	_ =	sdelay $0x4  }
0x2d8: {  	[tilespmem:s15+$0x6660] =	vst.add.f32.msk $0xffff, v10  }
0x2d9: {  	v10 =	vld [tilespmem:s10+$0x3670];
	_ =	sdelay $0x4  }
0x2da: {  	[tilespmem:s15+$0x6670] =	vst.add.f32.msk $0xffff, v10  }
0x2db: {  	v10 =	vld [tilespmem:s10+$0x3A00];
	_ =	sdelay $0x4  }
0x2dc: {  	[tilespmem:s15+$0x6A00] =	vst.add.f32.msk $0xffff, v10  }
0x2dd: {  	v10 =	vld [tilespmem:s10+$0x3A10];
	_ =	sdelay $0x4  }
0x2de: {  	[tilespmem:s15+$0x6A10] =	vst.add.f32.msk $0xffff, v10  }
0x2df: {  	v10 =	vld [tilespmem:s10+$0x3A20];
	_ =	sdelay $0x4  }
0x2e0: {  	[tilespmem:s15+$0x6A20] =	vst.add.f32.msk $0xffff, v10  }
0x2e1: {  	v10 =	vld [tilespmem:s10+$0x3A30];
	_ =	sdelay $0x4  }
0x2e2: {  	[tilespmem:s15+$0x6A30] =	vst.add.f32.msk $0xffff, v10  }
0x2e3: {  	v10 =	vld [tilespmem:s10+$0x3A40];
	_ =	sdelay $0x4  }
0x2e4: {  	s29 =	simm.s32 $0x1;
	[tilespmem:s15+$0x6A40] =	vst.add.f32.msk $0xffff, v10  }
0x2e5: {  	v11 =	vmov s29;
	s5 =	simm.s32 $0x2;
	s4 =	simm.s32 $0x0;
	v10 =	vld [tilespmem:s10+$0x3A50]  }
.LBB2_23:
0x2e6: {  	p1 =	sne.s32 s5, $0xF;
	vm1 =	veq.s32 v11, v3  }
0x2e7: {  	v11 =	vnsel vm1, $0x0, v9  }
0x2e8: {  	(xrf0) =	vadd.scan.msk.s32 $0xffff, v11;
	_ =	sdelay $0x1  }
0x2e9: {  	[tilespmem:s15+$0x6A50] =	vst.add.f32.msk $0xffff, v10  }
0x2ea: {  	v10 =	vld [tilespmem:s10+$0x3A60];
	_ =	sdelay $0x2  }
0x2eb: {  	v11, _, _ =	vpop (xrf0)  }
0x2ec: {  	(v2sf) =	vpush v11, $0xF  }
0x2ed: {  	[tilespmem:s15+$0x6A60] =	vst.add.f32.msk $0xffff, v10  }
0x2ee: {  	v10 =	vld [tilespmem:s10+$0x3A70];
	_ =	sdelay $0x4  }
0x2ef: {  	[tilespmem:s15+$0x6A70] =	vst.add.f32.msk $0xffff, v10  }
0x2f0: {  	v10 =	vld [tilespmem:$0x5600];
	_ =	sdelay $0x2  }
0x2f1: {  	s14 =	sadd.s32 $0x80, s14;
	s4 =	sadd.s32 $0x200, s4  }
0x2f2: {  	s9 =	sshra.s32 s9, $0x2;
	s10 =	sand.u32 $0x1000, s4;
	s15 =	sand.u32 $0x380, s14  }
0x2f3: {  	s10 =	sor.u32 s15, s10;
	[tilespmem:s9+$0x17E00] =	vst.add.f32.msk $0xffff, v10  }
0x2f4: {  	v10 =	vld [tilespmem:s10+$0x2E00]  }
0x2f5: {  	s15 =	spop (v2sf)  }
0x2f6: {  	s9 =	sshll.u32 s15, $0x9;
	s15 =	sshll.u32 s15, $0x7  }
0x2f7: {  	s16 =	sand.u32 $0xFFFFF000, s9;
	s15 =	sand.u32 $0x380, s15  }
0x2f8: {  	s15 =	sor.u32 s15, s16  }
0x2f9: {  	[tilespmem:s15+$0x5E00] =	vst.add.f32.msk $0xffff, v10  }
0x2fa: {  	v10 =	vld [tilespmem:s10+$0x2E10];
	_ =	sdelay $0x4  }
0x2fb: {  	[tilespmem:s15+$0x5E10] =	vst.add.f32.msk $0xffff, v10  }
0x2fc: {  	v10 =	vld [tilespmem:s10+$0x2E20];
	_ =	sdelay $0x4  }
0x2fd: {  	[tilespmem:s15+$0x5E20] =	vst.add.f32.msk $0xffff, v10  }
0x2fe: {  	v10 =	vld [tilespmem:s10+$0x2E30];
	_ =	sdelay $0x4  }
0x2ff: {  	[tilespmem:s15+$0x5E30] =	vst.add.f32.msk $0xffff, v10  }
0x300: {  	v10 =	vld [tilespmem:s10+$0x2E40];
	_ =	sdelay $0x4  }
0x301: {  	[tilespmem:s15+$0x5E40] =	vst.add.f32.msk $0xffff, v10  }
0x302: {  	v10 =	vld [tilespmem:s10+$0x2E50];
	_ =	sdelay $0x4  }
0x303: {  	[tilespmem:s15+$0x5E50] =	vst.add.f32.msk $0xffff, v10  }
0x304: {  	v10 =	vld [tilespmem:s10+$0x2E60];
	_ =	sdelay $0x4  }
0x305: {  	[tilespmem:s15+$0x5E60] =	vst.add.f32.msk $0xffff, v10  }
0x306: {  	v10 =	vld [tilespmem:s10+$0x2E70];
	_ =	sdelay $0x4  }
0x307: {  	[tilespmem:s15+$0x5E70] =	vst.add.f32.msk $0xffff, v10  }
0x308: {  	v10 =	vld [tilespmem:s10+$0x3200];
	_ =	sdelay $0x4  }
0x309: {  	[tilespmem:s15+$0x6200] =	vst.add.f32.msk $0xffff, v10  }
0x30a: {  	v10 =	vld [tilespmem:s10+$0x3210];
	_ =	sdelay $0x4  }
0x30b: {  	[tilespmem:s15+$0x6210] =	vst.add.f32.msk $0xffff, v10  }
0x30c: {  	v10 =	vld [tilespmem:s10+$0x3220];
	_ =	sdelay $0x4  }
0x30d: {  	[tilespmem:s15+$0x6220] =	vst.add.f32.msk $0xffff, v10  }
0x30e: {  	v10 =	vld [tilespmem:s10+$0x3230];
	_ =	sdelay $0x4  }
0x30f: {  	[tilespmem:s15+$0x6230] =	vst.add.f32.msk $0xffff, v10  }
0x310: {  	v10 =	vld [tilespmem:s10+$0x3240];
	_ =	sdelay $0x4  }
0x311: {  	[tilespmem:s15+$0x6240] =	vst.add.f32.msk $0xffff, v10  }
0x312: {  	v10 =	vld [tilespmem:s10+$0x3250];
	_ =	sdelay $0x4  }
0x313: {  	[tilespmem:s15+$0x6250] =	vst.add.f32.msk $0xffff, v10  }
0x314: {  	v10 =	vld [tilespmem:s10+$0x3260];
	_ =	sdelay $0x4  }
0x315: {  	[tilespmem:s15+$0x6260] =	vst.add.f32.msk $0xffff, v10  }
0x316: {  	v10 =	vld [tilespmem:s10+$0x3270];
	_ =	sdelay $0x4  }
0x317: {  	[tilespmem:s15+$0x6270] =	vst.add.f32.msk $0xffff, v10  }
0x318: {  	v10 =	vld [tilespmem:s10+$0x3600];
	_ =	sdelay $0x4  }
0x319: {  	[tilespmem:s15+$0x6600] =	vst.add.f32.msk $0xffff, v10  }
0x31a: {  	v10 =	vld [tilespmem:s10+$0x3610];
	_ =	sdelay $0x4  }
0x31b: {  	[tilespmem:s15+$0x6610] =	vst.add.f32.msk $0xffff, v10  }
0x31c: {  	v10 =	vld [tilespmem:s10+$0x3620];
	_ =	sdelay $0x4  }
0x31d: {  	[tilespmem:s15+$0x6620] =	vst.add.f32.msk $0xffff, v10  }
0x31e: {  	v10 =	vld [tilespmem:s10+$0x3630];
	_ =	sdelay $0x4  }
0x31f: {  	[tilespmem:s15+$0x6630] =	vst.add.f32.msk $0xffff, v10  }
0x320: {  	v10 =	vld [tilespmem:s10+$0x3640];
	_ =	sdelay $0x4  }
0x321: {  	[tilespmem:s15+$0x6640] =	vst.add.f32.msk $0xffff, v10  }
0x322: {  	v10 =	vld [tilespmem:s10+$0x3650];
	_ =	sdelay $0x4  }
0x323: {  	[tilespmem:s15+$0x6650] =	vst.add.f32.msk $0xffff, v10  }
0x324: {  	v10 =	vld [tilespmem:s10+$0x3660];
	_ =	sdelay $0x4  }
0x325: {  	[tilespmem:s15+$0x6660] =	vst.add.f32.msk $0xffff, v10  }
0x326: {  	v10 =	vld [tilespmem:s10+$0x3670];
	_ =	sdelay $0x4  }
0x327: {  	[tilespmem:s15+$0x6670] =	vst.add.f32.msk $0xffff, v10  }
0x328: {  	v10 =	vld [tilespmem:s10+$0x3A00];
	_ =	sdelay $0x4  }
0x329: {  	[tilespmem:s15+$0x6A00] =	vst.add.f32.msk $0xffff, v10  }
0x32a: {  	v10 =	vld [tilespmem:s10+$0x3A10];
	_ =	sdelay $0x4  }
0x32b: {  	[tilespmem:s15+$0x6A10] =	vst.add.f32.msk $0xffff, v10  }
0x32c: {  	v10 =	vld [tilespmem:s10+$0x3A20];
	_ =	sdelay $0x4  }
0x32d: {  	[tilespmem:s15+$0x6A20] =	vst.add.f32.msk $0xffff, v10  }
0x32e: {  	v10 =	vld [tilespmem:s10+$0x3A30];
	_ =	sdelay $0x4  }
0x32f: {  	[tilespmem:s15+$0x6A30] =	vst.add.f32.msk $0xffff, v10  }
0x330: {  	v10 =	vld [tilespmem:s10+$0x3A40];
	_ =	sdelay $0x1  }
.Ltmp18:
0x331: {  	(pc) =	sbr.rel @p1 .LBB2_23-.Ltmp18, $3  }
0x332: {  	_ =	sdelay $0x1  }
0x333: {  	[tilespmem:s15+$0x6A40] =	vst.add.f32.msk $0xffff, v10  }
0x334: {  	v11 =	vmov s5;
	s5 =	sadd.s32 $0x1, s5;
	v10 =	vld [tilespmem:s10+$0x3A50]  }
0x335: {  	vm1 =	veq.s32 v11, v3  }
0x336: {  	v9 =	vnsel vm1, $0x0, v9  }
0x337: {  	(xrf0) =	vadd.scan.msk.s32 $0xffff, v9;
	_ =	sdelay $0x1  }
0x338: {  	[tilespmem:s15+$0x6A50] =	vst.add.f32.msk $0xffff, v10  }
0x339: {  	v9 =	vld [tilespmem:s10+$0x3A60];
	_ =	sdelay $0x2  }
0x33a: {  	v10, _, _ =	vpop (xrf0)  }
0x33b: {  	(v2sf) =	vpush v10, $0xF  }
0x33c: {  	[tilespmem:s15+$0x6A60] =	vst.add.f32.msk $0xffff, v9  }
0x33d: {  	v9 =	vld [tilespmem:s10+$0x3A70];
	_ =	sdelay $0x4  }
0x33e: {  	[tilespmem:s15+$0x6A70] =	vst.add.f32.msk $0xffff, v9  }
0x33f: {  	v9 =	vld [tilespmem:$0x5600];
	_ =	sdelay $0x2  }
0x340: {  	s5 =	sadd.s32 $0x80, s14;
	s4 =	sadd.s32 $0x200, s4  }
0x341: {  	s9 =	sshra.s32 s9, $0x2;
	s4 =	sand.u32 $0x1000, s4;
	s5 =	sand.u32 $0x380, s5  }
0x342: {  	s4 =	sor.u32 s5, s4;
	[tilespmem:s9+$0x17E00] =	vst.add.f32.msk $0xffff, v9  }
0x343: {  	v9 =	vld [tilespmem:s4+$0x2E00]  }
0x344: {  	s21 =	spop (v2sf)  }
0x345: {  	s22 =	sshll.u32 s21, $0x9;
	s9 =	sshll.u32 s21, $0x7  }
0x346: {  	s28 =	sand.u32 $0xFFFFF000, s22;
	s9 =	sand.u32 $0x380, s9  }
0x347: {  	s9 =	sor.u32 s9, s28  }
0x348: {  	[tilespmem:s9+$0x5E00] =	vst.add.f32.msk $0xffff, v9  }
0x349: {  	v9 =	vld [tilespmem:s4+$0x2E10];
	_ =	sdelay $0x4  }
0x34a: {  	[tilespmem:s9+$0x5E10] =	vst.add.f32.msk $0xffff, v9  }
0x34b: {  	v9 =	vld [tilespmem:s4+$0x2E20];
	_ =	sdelay $0x4  }
0x34c: {  	[tilespmem:s9+$0x5E20] =	vst.add.f32.msk $0xffff, v9  }
0x34d: {  	v9 =	vld [tilespmem:s4+$0x2E30];
	_ =	sdelay $0x4  }
0x34e: {  	[tilespmem:s9+$0x5E30] =	vst.add.f32.msk $0xffff, v9  }
0x34f: {  	v9 =	vld [tilespmem:s4+$0x2E40];
	_ =	sdelay $0x4  }
0x350: {  	[tilespmem:s9+$0x5E40] =	vst.add.f32.msk $0xffff, v9  }
0x351: {  	v9 =	vld [tilespmem:s4+$0x2E50];
	_ =	sdelay $0x4  }
0x352: {  	[tilespmem:s9+$0x5E50] =	vst.add.f32.msk $0xffff, v9  }
0x353: {  	v9 =	vld [tilespmem:s4+$0x2E60];
	_ =	sdelay $0x4  }
0x354: {  	[tilespmem:s9+$0x5E60] =	vst.add.f32.msk $0xffff, v9  }
0x355: {  	v9 =	vld [tilespmem:s4+$0x2E70];
	_ =	sdelay $0x4  }
0x356: {  	[tilespmem:s9+$0x5E70] =	vst.add.f32.msk $0xffff, v9  }
0x357: {  	v9 =	vld [tilespmem:s4+$0x3200];
	_ =	sdelay $0x4  }
0x358: {  	[tilespmem:s9+$0x6200] =	vst.add.f32.msk $0xffff, v9  }
0x359: {  	v9 =	vld [tilespmem:s4+$0x3210];
	_ =	sdelay $0x4  }
0x35a: {  	[tilespmem:s9+$0x6210] =	vst.add.f32.msk $0xffff, v9  }
0x35b: {  	v9 =	vld [tilespmem:s4+$0x3220];
	_ =	sdelay $0x4  }
0x35c: {  	[tilespmem:s9+$0x6220] =	vst.add.f32.msk $0xffff, v9  }
0x35d: {  	v9 =	vld [tilespmem:s4+$0x3230];
	_ =	sdelay $0x4  }
0x35e: {  	[tilespmem:s9+$0x6230] =	vst.add.f32.msk $0xffff, v9  }
0x35f: {  	v9 =	vld [tilespmem:s4+$0x3240];
	_ =	sdelay $0x4  }
0x360: {  	[tilespmem:s9+$0x6240] =	vst.add.f32.msk $0xffff, v9  }
0x361: {  	v9 =	vld [tilespmem:s4+$0x3250];
	_ =	sdelay $0x4  }
0x362: {  	[tilespmem:s9+$0x6250] =	vst.add.f32.msk $0xffff, v9  }
0x363: {  	v9 =	vld [tilespmem:s4+$0x3260];
	_ =	sdelay $0x4  }
0x364: {  	[tilespmem:s9+$0x6260] =	vst.add.f32.msk $0xffff, v9  }
0x365: {  	v9 =	vld [tilespmem:s4+$0x3270];
	_ =	sdelay $0x4  }
0x366: {  	[tilespmem:s9+$0x6270] =	vst.add.f32.msk $0xffff, v9  }
0x367: {  	v9 =	vld [tilespmem:s4+$0x3600];
	_ =	sdelay $0x4  }
0x368: {  	[tilespmem:s9+$0x6600] =	vst.add.f32.msk $0xffff, v9  }
0x369: {  	v9 =	vld [tilespmem:s4+$0x3610];
	_ =	sdelay $0x4  }
0x36a: {  	[tilespmem:s9+$0x6610] =	vst.add.f32.msk $0xffff, v9  }
0x36b: {  	v9 =	vld [tilespmem:s4+$0x3620];
	_ =	sdelay $0x4  }
0x36c: {  	[tilespmem:s9+$0x6620] =	vst.add.f32.msk $0xffff, v9  }
0x36d: {  	v9 =	vld [tilespmem:s4+$0x3630];
	_ =	sdelay $0x4  }
0x36e: {  	[tilespmem:s9+$0x6630] =	vst.add.f32.msk $0xffff, v9  }
0x36f: {  	v9 =	vld [tilespmem:s4+$0x3640];
	_ =	sdelay $0x4  }
0x370: {  	[tilespmem:s9+$0x6640] =	vst.add.f32.msk $0xffff, v9  }
0x371: {  	v9 =	vld [tilespmem:s4+$0x3650];
	_ =	sdelay $0x4  }
0x372: {  	[tilespmem:s9+$0x6650] =	vst.add.f32.msk $0xffff, v9  }
0x373: {  	v9 =	vld [tilespmem:s4+$0x3660];
	_ =	sdelay $0x4  }
0x374: {  	[tilespmem:s9+$0x6660] =	vst.add.f32.msk $0xffff, v9  }
0x375: {  	v9 =	vld [tilespmem:s4+$0x3670];
	_ =	sdelay $0x4  }
0x376: {  	[tilespmem:s9+$0x6670] =	vst.add.f32.msk $0xffff, v9  }
0x377: {  	v9 =	vld [tilespmem:s4+$0x3A00];
	_ =	sdelay $0x4  }
0x378: {  	[tilespmem:s9+$0x6A00] =	vst.add.f32.msk $0xffff, v9  }
0x379: {  	v9 =	vld [tilespmem:s4+$0x3A10];
	_ =	sdelay $0x4  }
0x37a: {  	[tilespmem:s9+$0x6A10] =	vst.add.f32.msk $0xffff, v9  }
0x37b: {  	v9 =	vld [tilespmem:s4+$0x3A20];
	_ =	sdelay $0x4  }
0x37c: {  	[tilespmem:s9+$0x6A20] =	vst.add.f32.msk $0xffff, v9  }
0x37d: {  	v9 =	vld [tilespmem:s4+$0x3A30];
	_ =	sdelay $0x4  }
0x37e: {  	[tilespmem:s9+$0x6A30] =	vst.add.f32.msk $0xffff, v9  }
0x37f: {  	v9 =	vld [tilespmem:s4+$0x3A40];
	_ =	sdelay $0x4  }
0x380: {  	[tilespmem:s9+$0x6A40] =	vst.add.f32.msk $0xffff, v9  }
0x381: {  	v9 =	vld [tilespmem:s4+$0x3A50];
	_ =	sdelay $0x4  }
0x382: {  	[tilespmem:s9+$0x6A50] =	vst.add.f32.msk $0xffff, v9  }
0x383: {  	v9 =	vld [tilespmem:s4+$0x3A60];
	_ =	sdelay $0x4  }
0x384: {  	[tilespmem:s9+$0x6A60] =	vst.add.f32.msk $0xffff, v9  }
0x385: {  	v9 =	vld [tilespmem:s4+$0x3A70];
	_ =	sdelay $0x4  }
0x386: {  	s12 =	sadd.s32 $0x1, s12;
	[tilespmem:s9+$0x6A70] =	vst.add.f32.msk $0xffff, v9  }
0x387: {  	p1 =	sne.s32 s12, s11;
	v9 =	vld [tilespmem:$0x5600]  }
.Ltmp19:
0x388: {  	_ = 	snop;
	(pc) =	sbr.rel @p1 .LBB2_22-.Ltmp19, $4  }
.Ltmp20:
0x389: {  	_ = 	snop;
	(pc) =	sbr.rel @!p1 .LBB2_25-.Ltmp20, $4  }
0x38a: {  	_ = 	snop  }
0x38b: {  	s29 =	sshra.s32 s22, $0x2  }
0x38c: {  	[tilespmem:s29+$0x17E00] =	vst.add.f32.msk $0xffff, v9  }
0x38d: {  	_ = 	snop  }
.LBB2_27:
0x38e: {  	_ =	sfence.sel $0x180000  }
0x38f: {  	[bflag:$0x0] =	sbarrier.arrive $0xFFFF  }
0x390: {  	_ =	strace $0x90000047  }
0x391: {  	[bflag:$0x2] =	sbarrier.arrive $0xFFFF  }
0x392: {  	s0 =	rddreg [dreg:$0x8]  }
0x393: {  	s0 =	sadd.s32 @!p0 $0x100000, s0  }
0x394: {  	[sflag:s0] =	ssyncadd.tile.s32 @!p0 $0x1;
	_ =	shalt  }
.Lfunc_end2:
_tile_overlayer_lowered:
.L_overlay_start_2:
0x395: {  	(tag) =	ssettag $0x2  }
0x396: {  	s0 =	rddreg [dreg:$0x0];
	s2 =	stileid.u32  }
0x397: {  	s1 =	rddreg [dreg:$0x1];
	p0 =	sne.s32 s2, $0x0  }
0x398: {  	s3 =	rddreg [dreg:$0x2];
	[bflag:$0x3] =	sbarrier.arrive $0xFFFF;
	s2 =	simm.s32 @!p0 $0x1C02  }
0x399: {  	[timem:s3], [sflag:s2] =	dma.local @!p0 [hbm:s0], s1  }
0x39a: {  	s0 =	simm.s32 @!p0 $0x2  }
0x39b: {  	_ =	swait.ge @!p0 [sflag:s0], s1  }
0x39c: {  	s1 =	ssub.s32 @!p0 $0x0, s1;
	[sflag:s0] =	ssyncset.done @!p0 $0x0  }
0x39d: {  	[sflag:s0] =	ssyncadd.s32 @!p0 s1  }
0x39e: {  	[bflag:$0x3] =	sbarrier.arrive $0xFFFF  }
0x39f: {  	_ =	shalt  }

</sc_bundles>
